<compile_context>
chip_gen: v7x
topology: tpu7x:2x2x1
jax: 0.10.2.dev20260603
libtpu: 0.0.44.dev20260713+nightly
codegen_flags: <defaults>
</compile_context>

<pallas_src>
import functools

import jax
import jax.numpy as jnp
from jax import lax
from jax.experimental import pallas as pl
from jax.experimental.pallas import tpu as pltpu
from jax.experimental.pallas import tpu_sc as plsc

RB = 8
NBUF = 4
CH = 128


def _make_gather_kernel(B, H, D, mesh):
    nc = mesh.num_cores
    nw = nc * mesh.num_subcores
    rows_w = B // nw
    nch = rows_w // RB

    @functools.partial(
        pl.kernel,
        out_type=jax.ShapeDtypeStruct((B, H, D), jnp.float32),
        mesh=mesh,
        compiler_params=pltpu.CompilerParams(
            needs_layout_passes=False, use_tc_tiling_on_sc=False,
            disable_bounds_checks=True, disable_semaphore_checks=True),
        scratch_types=[
            pltpu.VMEM((NBUF, RB, H), jnp.int32),
            pltpu.VMEM((NBUF, RB, H, D), jnp.float32),
            [pltpu.SemaphoreType.DMA] * NBUF,
            [pltpu.SemaphoreType.DMA] * NBUF,
        ],
    )
    def k(ids_hbm, table_hbm, out_hbm, idx_v, rows_v, sem_g, sem_w):
        wid = lax.axis_index("s") * nc + lax.axis_index("c")
        brow0 = wid * rows_w

        def g_copies(s):
            return [pltpu.make_async_copy(
                table_hbm.at[idx_v.at[s, r]], rows_v.at[s, r], sem_g[s])
                for r in range(RB)]

        def issue(s, c):
            br = brow0 + c * RB
            pltpu.sync_copy(ids_hbm.at[pl.ds(br, RB)], idx_v.at[s])
            for cp in g_copies(s):
                cp.start()

        def wait_g(s):
            for cp in g_copies(s):
                cp.wait()

        def w_copy(s, c):
            br = brow0 + c * RB
            return pltpu.make_async_copy(
                rows_v.at[s], out_hbm.at[pl.ds(br, RB)], sem_w[s])

        for s in range(NBUF - 1):
            issue(s, s)

        def blk(t, _):
            for b in range(NBUF):
                c = t * NBUF + b
                wait_g(b)
                w_copy(b, c).start()
                s = (b + NBUF - 1) % NBUF

                @pl.when(c >= 1)
                def _():
                    w_copy(s, c - 1).wait()

                @pl.when(c + NBUF - 1 < nch)
                def _():
                    issue(s, c + NBUF - 1)
            return 0

        lax.fori_loop(0, nch // NBUF, blk, 0)
        w_copy((nch - 1) % NBUF, nch - 1).wait()

    return k


def _ln_kernel(x_ref, g_ref, b_ref, o_ref):
    x = x_ref[...]
    mean = jnp.mean(x, axis=-1, keepdims=True)
    var = jnp.mean(jnp.square(x), axis=-1, keepdims=True) - jnp.square(mean)
    inv = lax.rsqrt(var + 1e-5)
    g = g_ref[...].reshape(1, 1, -1)
    b = b_ref[...].reshape(1, 1, -1)
    o_ref[...] = (x - mean) * inv * g + b


def kernel(input_ids, table, gamma, beta):
    B, H = input_ids.shape
    V, D = table.shape
    if input_ids.dtype != jnp.int32:
        input_ids = input_ids.astype(jnp.int32)

    mesh = plsc.VectorSubcoreMesh(core_axis_name="c", subcore_axis_name="s")
    gathered = _make_gather_kernel(B, H, D, mesh)(input_ids, table)

    grid = (B // CH,)
    out = pl.pallas_call(
        _ln_kernel,
        grid=grid,
        in_specs=[
            pl.BlockSpec((CH, H, D), lambda i: (i, 0, 0)),
            pl.BlockSpec((1, D), lambda i: (0, 0)),
            pl.BlockSpec((1, D), lambda i: (0, 0)),
        ],
        out_specs=pl.BlockSpec((CH, H, D), lambda i: (i, 0, 0)),
        out_shape=jax.ShapeDtypeStruct((B, H, D), jnp.float32),
        input_output_aliases={0: 0},
        compiler_params=pltpu.CompilerParams(
            dimension_semantics=("arbitrary",)),
    )(gathered, gamma.reshape(1, D), beta.reshape(1, D))
    return out

# --- scband reference (transcript-rebuilt; emitter-appended) ---
"""Pipeline reference for scband-embedding-87883620811195 (READ-ONLY COPY).

The authoritative reference and input builder live on the scoring server;
editing this copy changes nothing except your own understanding.
"""

import jax, jax.numpy as jnp
import numpy as np

VOCAB = 1000000
DIM = 64
BATCH = 16384
HIST = 50

def setup_inputs(seed: int = 0) -> dict:
    key = jax.random.key(seed)
    k1, k2 = jax.random.split(key)
    input_ids = jax.random.randint(k1, (BATCH, HIST), 0, VOCAB, dtype=jnp.int64 if jax.config.jax_enable_x64 else jnp.int32)
    table = jax.random.normal(k2, (VOCAB, DIM), dtype=jnp.float32)
    gamma = jnp.ones((DIM,), dtype=jnp.float32)
    beta = jnp.zeros((DIM,), dtype=jnp.float32)
    return {"input_ids": input_ids, "table": table, "gamma": gamma, "beta": beta}

def _layernorm(x, gamma, beta, eps=1e-5):
    mean = jnp.mean(x, axis=-1, keepdims=True)
    var = jnp.mean(jnp.square(x - mean), axis=-1, keepdims=True)
    xn = (x - mean) / jnp.sqrt(var + eps)
    return xn * gamma + beta

def reference(input_ids, table, gamma, beta):
    embs = jnp.take(table, input_ids, axis=0)
    embs = _layernorm(embs, gamma, beta)
    return embs

if __name__ == "__main__":
    import jax
    _d = setup_inputs()
    print(jax.jit(kernel)(*tuple(_d.values())))

</pallas_src>

<mosaic_0001>
#map = affine_map<(d0, d1) -> (0, 0)>
#map1 = affine_map<(d0, d1) -> (0, 0, 0)>
module attributes {stable_mosaic.version = 14 : i64} {
  func.func @k(%arg0: i32, %arg1: i32, %arg2: memref<16384x50xi32, #tpu.memory_space<hbm>>, %arg3: memref<1000000x64xf32, #tpu.memory_space<hbm>>, %arg4: memref<16384x50x64xf32, #tpu.memory_space<hbm>>, %arg5: memref<4x8x50xi32, #tpu.memory_space<vmem>>, %arg6: memref<4x8x50x64xf32, #tpu.memory_space<vmem>>, %arg7: memref<!tpu.dma_semaphore, #tpu.memory_space<semaphore_mem>>, %arg8: memref<!tpu.dma_semaphore, #tpu.memory_space<semaphore_mem>>, %arg9: memref<!tpu.dma_semaphore, #tpu.memory_space<semaphore_mem>>, %arg10: memref<!tpu.dma_semaphore, #tpu.memory_space<semaphore_mem>>, %arg11: memref<!tpu.dma_semaphore, #tpu.memory_space<semaphore_mem>>, %arg12: memref<!tpu.dma_semaphore, #tpu.memory_space<semaphore_mem>>, %arg13: memref<!tpu.dma_semaphore, #tpu.memory_space<semaphore_mem>>, %arg14: memref<!tpu.dma_semaphore, #tpu.memory_space<semaphore_mem>>) attributes {dimension_semantics = [#tpu.dimension_semantics<core_parallel>, #tpu.dimension_semantics<subcore_parallel>], iteration_bounds = array<i64: 2, 16>, scalar_prefetch = 0 : i64, scratch_operands = 10 : i64, tpu.core_type = #tpu.core_type<sc_vector_subcore>, window_params = [{transform_indices = #map}, {transform_indices = #map}, {transform_indices = #map1}]} {
    %mul3A = arith.constant 2 : i32
    %mul3A_0 = arith.muli %arg1, %mul3A : i32
    %add3A = arith.addi %mul3A_0, %arg0 : i32
    %mul3A_1 = arith.constant 512 : i32
    %mul3A_2 = arith.muli %add3A, %mul3A_1 : i32
    %add3A_3 = arith.constant 0 : i32
    %add3A_4 = arith.addi %mul3A_2, %add3A_3 : i32
    %run_scoped3A = arith.constant 0 : i32
    "tpu.region"() ({
      %run_scoped3A_370 = tpu.sem_alloc : memref<!tpu.dma_semaphore, #tpu.memory_space<semaphore_mem>>
      %dma_start3A_371 = arith.constant 0 : i32
      %dma_start3A_372 = arith.constant 0 : i32
      %dma_start3A_373 = tpu.memref_slice %arg5[%run_scoped3A, %dma_start3A_371, %dma_start3A_372] : memref<4x8x50xi32, #tpu.memory_space<vmem>> -> memref<1x8x50xi32, #tpu.memory_space<vmem>>
      %dma_start3A_374 = tpu.memref_squeeze %dma_start3A_373 : memref<1x8x50xi32, #tpu.memory_space<vmem>> -> memref<8x50xi32, #tpu.memory_space<vmem>>
      %dma_start3A_375 = arith.constant 0 : i32
      %dma_start3A_376 = tpu.memref_slice %arg2[%add3A_4, %dma_start3A_375] : memref<16384x50xi32, #tpu.memory_space<hbm>> -> memref<8x50xi32, #tpu.memory_space<hbm>>
      %dma_start3A_377 = arith.constant 0 : i32
      %dma_start3A_378 = arith.constant 0 : i32
      %dma_start3A_379 = tpu.memref_slice %arg5[%run_scoped3A, %dma_start3A_377, %dma_start3A_378] : memref<4x8x50xi32, #tpu.memory_space<vmem>> -> memref<1x8x50xi32, #tpu.memory_space<vmem>>
      %dma_start3A_380 = tpu.memref_squeeze %dma_start3A_379 : memref<1x8x50xi32, #tpu.memory_space<vmem>> -> memref<8x50xi32, #tpu.memory_space<vmem>>
      %dma_start3A_381 = arith.constant 0 : i32
      %dma_start3A_382 = tpu.memref_slice %arg2[%add3A_4, %dma_start3A_381] : memref<16384x50xi32, #tpu.memory_space<hbm>> -> memref<8x50xi32, #tpu.memory_space<hbm>>
      tpu.enqueue_dma source(%dma_start3A_382 : memref<8x50xi32, #tpu.memory_space<hbm>>) target(%dma_start3A_380 : memref<8x50xi32, #tpu.memory_space<vmem>>) target_semaphore(%run_scoped3A_370 : memref<!tpu.dma_semaphore, #tpu.memory_space<semaphore_mem>>)
      %dma_wait3A_383 = arith.constant 0 : i32
      %dma_wait3A_384 = arith.constant 0 : i32
      %dma_wait3A_385 = tpu.memref_slice %arg5[%run_scoped3A, %dma_wait3A_383, %dma_wait3A_384] : memref<4x8x50xi32, #tpu.memory_space<vmem>> -> memref<1x8x50xi32, #tpu.memory_space<vmem>>
      %dma_wait3A_386 = tpu.memref_squeeze %dma_wait3A_385 : memref<1x8x50xi32, #tpu.memory_space<vmem>> -> memref<8x50xi32, #tpu.memory_space<vmem>>
      %dma_wait3A_387 = arith.constant 0 : i32
      %dma_wait3A_388 = tpu.memref_slice %arg2[%add3A_4, %dma_wait3A_387] : memref<16384x50xi32, #tpu.memory_space<hbm>> -> memref<8x50xi32, #tpu.memory_space<hbm>>
      %dma_wait3A_389 = arith.constant 0 : i32
      %dma_wait3A_390 = arith.constant 0 : i32
      %dma_wait3A_391 = tpu.memref_slice %arg5[%run_scoped3A, %dma_wait3A_389, %dma_wait3A_390] : memref<4x8x50xi32, #tpu.memory_space<vmem>> -> memref<1x8x50xi32, #tpu.memory_space<vmem>>
      %dma_wait3A_392 = tpu.memref_squeeze %dma_wait3A_391 : memref<1x8x50xi32, #tpu.memory_space<vmem>> -> memref<8x50xi32, #tpu.memory_space<vmem>>
      %dma_wait3A_393 = arith.constant 0 : i32
      %dma_wait3A_394 = tpu.memref_slice %arg2[%add3A_4, %dma_wait3A_393] : memref<16384x50xi32, #tpu.memory_space<hbm>> -> memref<8x50xi32, #tpu.memory_space<hbm>>
      tpu.wait_dma2 semaphore(%run_scoped3A_370 : memref<!tpu.dma_semaphore, #tpu.memory_space<semaphore_mem>>) src(%dma_wait3A_394 : memref<8x50xi32, #tpu.memory_space<hbm>>) dst(%dma_wait3A_392 : memref<8x50xi32, #tpu.memory_space<vmem>>)
      tpu.yield
    }) : () -> ()
    %dma_start3A = arith.constant 0 : i32
    %dma_start3A_5 = arith.constant 0 : i32
    %dma_start3A_6 = arith.constant 0 : i32
    %dma_start3A_7 = arith.constant 0 : i32
    %dma_start3A_8 = arith.constant 0 : i32
    %dma_start3A_9 = arith.constant 0 : i32
    %dma_start3A_10 = tpu.memref_slice %arg6[%dma_start3A_6, %dma_start3A_7, %dma_start3A_8, %dma_start3A_9] : memref<4x8x50x64xf32, #tpu.memory_space<vmem>> -> memref<1x1x50x64xf32, #tpu.memory_space<vmem>>
    %dma_start3A_11 = tpu.memref_squeeze %dma_start3A_10 : memref<1x1x50x64xf32, #tpu.memory_space<vmem>> -> memref<50x64xf32, #tpu.memory_space<vmem>>
    %dma_start3A_12 = arith.constant 0 : i32
    %dma_start3A_13 = tpu.memref_slice %arg5[%dma_start3A, %dma_start3A_5, %dma_start3A_12] : memref<4x8x50xi32, #tpu.memory_space<vmem>> -> memref<1x1x50xi32, #tpu.memory_space<vmem>>
    %dma_start3A_14 = tpu.memref_squeeze %dma_start3A_13 : memref<1x1x50xi32, #tpu.memory_space<vmem>> -> memref<50xi32, #tpu.memory_space<vmem>>
    %dma_start3A_15 = arith.constant 0 : i32
    %dma_start3A_16 = arith.constant 0 : i32
    %dma_start3A_17 = tpu.memref_slice %arg3[%dma_start3A_15, %dma_start3A_16] : memref<1000000x64xf32, #tpu.memory_space<hbm>> -> memref<1000000x64xf32, #tpu.memory_space<hbm>>
    tpu.enqueue_indirect_dma source(%dma_start3A_17 : memref<1000000x64xf32, #tpu.memory_space<hbm>>) target(%dma_start3A_11 : memref<50x64xf32, #tpu.memory_space<vmem>>) offsets(%dma_start3A_14 : memref<50xi32, #tpu.memory_space<vmem>>) semaphore(%arg7 : memref<!tpu.dma_semaphore, #tpu.memory_space<semaphore_mem>>)
    %dma_start3A_18 = arith.constant 0 : i32
    %dma_start3A_19 = arith.constant 1 : i32
    %dma_start3A_20 = arith.constant 0 : i32
    %dma_start3A_21 = arith.constant 1 : i32
    %dma_start3A_22 = arith.constant 0 : i32
    %dma_start3A_23 = arith.constant 0 : i32
    %dma_start3A_24 = tpu.memref_slice %arg6[%dma_start3A_20, %dma_start3A_21, %dma_start3A_22, %dma_start3A_23] : memref<4x8x50x64xf32, #tpu.memory_space<vmem>> -> memref<1x1x50x64xf32, #tpu.memory_space<vmem>>
    %dma_start3A_25 = tpu.memref_squeeze %dma_start3A_24 : memref<1x1x50x64xf32, #tpu.memory_space<vmem>> -> memref<50x64xf32, #tpu.memory_space<vmem>>
    %dma_start3A_26 = arith.constant 0 : i32
    %dma_start3A_27 = tpu.memref_slice %arg5[%dma_start3A_18, %dma_start3A_19, %dma_start3A_26] : memref<4x8x50xi32, #tpu.memory_space<vmem>> -> memref<1x1x50xi32, #tpu.memory_space<vmem>>
    %dma_start3A_28 = tpu.memref_squeeze %dma_start3A_27 : memref<1x1x50xi32, #tpu.memory_space<vmem>> -> memref<50xi32, #tpu.memory_space<vmem>>
    %dma_start3A_29 = arith.constant 0 : i32
    %dma_start3A_30 = arith.constant 0 : i32
    %dma_start3A_31 = tpu.memref_slice %arg3[%dma_start3A_29, %dma_start3A_30] : memref<1000000x64xf32, #tpu.memory_space<hbm>> -> memref<1000000x64xf32, #tpu.memory_space<hbm>>
    tpu.enqueue_indirect_dma source(%dma_start3A_31 : memref<1000000x64xf32, #tpu.memory_space<hbm>>) target(%dma_start3A_25 : memref<50x64xf32, #tpu.memory_space<vmem>>) offsets(%dma_start3A_28 : memref<50xi32, #tpu.memory_space<vmem>>) semaphore(%arg7 : memref<!tpu.dma_semaphore, #tpu.memory_space<semaphore_mem>>)
    %dma_start3A_32 = arith.constant 0 : i32
    %dma_start3A_33 = arith.constant 2 : i32
    %dma_start3A_34 = arith.constant 0 : i32
    %dma_start3A_35 = arith.constant 2 : i32
    %dma_start3A_36 = arith.constant 0 : i32
    %dma_start3A_37 = arith.constant 0 : i32
    %dma_start3A_38 = tpu.memref_slice %arg6[%dma_start3A_34, %dma_start3A_35, %dma_start3A_36, %dma_start3A_37] : memref<4x8x50x64xf32, #tpu.memory_space<vmem>> -> memref<1x1x50x64xf32, #tpu.memory_space<vmem>>
    %dma_start3A_39 = tpu.memref_squeeze %dma_start3A_38 : memref<1x1x50x64xf32, #tpu.memory_space<vmem>> -> memref<50x64xf32, #tpu.memory_space<vmem>>
    %dma_start3A_40 = arith.constant 0 : i32
    %dma_start3A_41 = tpu.memref_slice %arg5[%dma_start3A_32, %dma_start3A_33, %dma_start3A_40] : memref<4x8x50xi32, #tpu.memory_space<vmem>> -> memref<1x1x50xi32, #tpu.memory_space<vmem>>
    %dma_start3A_42 = tpu.memref_squeeze %dma_start3A_41 : memref<1x1x50xi32, #tpu.memory_space<vmem>> -> memref<50xi32, #tpu.memory_space<vmem>>
    %dma_start3A_43 = arith.constant 0 : i32
    %dma_start3A_44 = arith.constant 0 : i32
    %dma_start3A_45 = tpu.memref_slice %arg3[%dma_start3A_43, %dma_start3A_44] : memref<1000000x64xf32, #tpu.memory_space<hbm>> -> memref<1000000x64xf32, #tpu.memory_space<hbm>>
    tpu.enqueue_indirect_dma source(%dma_start3A_45 : memref<1000000x64xf32, #tpu.memory_space<hbm>>) target(%dma_start3A_39 : memref<50x64xf32, #tpu.memory_space<vmem>>) offsets(%dma_start3A_42 : memref<50xi32, #tpu.memory_space<vmem>>) semaphore(%arg7 : memref<!tpu.dma_semaphore, #tpu.memory_space<semaphore_mem>>)
    %dma_start3A_46 = arith.constant 0 : i32
    %dma_start3A_47 = arith.constant 3 : i32
    %dma_start3A_48 = arith.constant 0 : i32
    %dma_start3A_49 = arith.constant 3 : i32
    %dma_start3A_50 = arith.constant 0 : i32
    %dma_start3A_51 = arith.constant 0 : i32
    %dma_start3A_52 = tpu.memref_slice %arg6[%dma_start3A_48, %dma_start3A_49, %dma_start3A_50, %dma_start3A_51] : memref<4x8x50x64xf32, #tpu.memory_space<vmem>> -> memref<1x1x50x64xf32, #tpu.memory_space<vmem>>
    %dma_start3A_53 = tpu.memref_squeeze %dma_start3A_52 : memref<1x1x50x64xf32, #tpu.memory_space<vmem>> -> memref<50x64xf32, #tpu.memory_space<vmem>>
    %dma_start3A_54 = arith.constant 0 : i32
    %dma_start3A_55 = tpu.memref_slice %arg5[%dma_start3A_46, %dma_start3A_47, %dma_start3A_54] : memref<4x8x50xi32, #tpu.memory_space<vmem>> -> memref<1x1x50xi32, #tpu.memory_space<vmem>>
    %dma_start3A_56 = tpu.memref_squeeze %dma_start3A_55 : memref<1x1x50xi32, #tpu.memory_space<vmem>> -> memref<50xi32, #tpu.memory_space<vmem>>
    %dma_start3A_57 = arith.constant 0 : i32
    %dma_start3A_58 = arith.constant 0 : i32
    %dma_start3A_59 = tpu.memref_slice %arg3[%dma_start3A_57, %dma_start3A_58] : memref<1000000x64xf32, #tpu.memory_space<hbm>> -> memref<1000000x64xf32, #tpu.memory_space<hbm>>
    tpu.enqueue_indirect_dma source(%dma_start3A_59 : memref<1000000x64xf32, #tpu.memory_space<hbm>>) target(%dma_start3A_53 : memref<50x64xf32, #tpu.memory_space<vmem>>) offsets(%dma_start3A_56 : memref<50xi32, #tpu.memory_space<vmem>>) semaphore(%arg7 : memref<!tpu.dma_semaphore, #tpu.memory_space<semaphore_mem>>)
    %dma_start3A_60 = arith.constant 0 : i32
    %dma_start3A_61 = arith.constant 4 : i32
    %dma_start3A_62 = arith.constant 0 : i32
    %dma_start3A_63 = arith.constant 4 : i32
    %dma_start3A_64 = arith.constant 0 : i32
    %dma_start3A_65 = arith.constant 0 : i32
    %dma_start3A_66 = tpu.memref_slice %arg6[%dma_start3A_62, %dma_start3A_63, %dma_start3A_64, %dma_start3A_65] : memref<4x8x50x64xf32, #tpu.memory_space<vmem>> -> memref<1x1x50x64xf32, #tpu.memory_space<vmem>>
    %dma_start3A_67 = tpu.memref_squeeze %dma_start3A_66 : memref<1x1x50x64xf32, #tpu.memory_space<vmem>> -> memref<50x64xf32, #tpu.memory_space<vmem>>
    %dma_start3A_68 = arith.constant 0 : i32
    %dma_start3A_69 = tpu.memref_slice %arg5[%dma_start3A_60, %dma_start3A_61, %dma_start3A_68] : memref<4x8x50xi32, #tpu.memory_space<vmem>> -> memref<1x1x50xi32, #tpu.memory_space<vmem>>
    %dma_start3A_70 = tpu.memref_squeeze %dma_start3A_69 : memref<1x1x50xi32, #tpu.memory_space<vmem>> -> memref<50xi32, #tpu.memory_space<vmem>>
    %dma_start3A_71 = arith.constant 0 : i32
    %dma_start3A_72 = arith.constant 0 : i32
    %dma_start3A_73 = tpu.memref_slice %arg3[%dma_start3A_71, %dma_start3A_72] : memref<1000000x64xf32, #tpu.memory_space<hbm>> -> memref<1000000x64xf32, #tpu.memory_space<hbm>>
    tpu.enqueue_indirect_dma source(%dma_start3A_73 : memref<1000000x64xf32, #tpu.memory_space<hbm>>) target(%dma_start3A_67 : memref<50x64xf32, #tpu.memory_space<vmem>>) offsets(%dma_start3A_70 : memref<50xi32, #tpu.memory_space<vmem>>) semaphore(%arg7 : memref<!tpu.dma_semaphore, #tpu.memory_space<semaphore_mem>>)
    %dma_start3A_74 = arith.constant 0 : i32
    %dma_start3A_75 = arith.constant 5 : i32
    %dma_start3A_76 = arith.constant 0 : i32
    %dma_start3A_77 = arith.constant 5 : i32
    %dma_start3A_78 = arith.constant 0 : i32
    %dma_start3A_79 = arith.constant 0 : i32
    %dma_start3A_80 = tpu.memref_slice %arg6[%dma_start3A_76, %dma_start3A_77, %dma_start3A_78, %dma_start3A_79] : memref<4x8x50x64xf32, #tpu.memory_space<vmem>> -> memref<1x1x50x64xf32, #tpu.memory_space<vmem>>
    %dma_start3A_81 = tpu.memref_squeeze %dma_start3A_80 : memref<1x1x50x64xf32, #tpu.memory_space<vmem>> -> memref<50x64xf32, #tpu.memory_space<vmem>>
    %dma_start3A_82 = arith.constant 0 : i32
    %dma_start3A_83 = tpu.memref_slice %arg5[%dma_start3A_74, %dma_start3A_75, %dma_start3A_82] : memref<4x8x50xi32, #tpu.memory_space<vmem>> -> memref<1x1x50xi32, #tpu.memory_space<vmem>>
    %dma_start3A_84 = tpu.memref_squeeze %dma_start3A_83 : memref<1x1x50xi32, #tpu.memory_space<vmem>> -> memref<50xi32, #tpu.memory_space<vmem>>
    %dma_start3A_85 = arith.constant 0 : i32
    %dma_start3A_86 = arith.constant 0 : i32
    %dma_start3A_87 = tpu.memref_slice %arg3[%dma_start3A_85, %dma_start3A_86] : memref<1000000x64xf32, #tpu.memory_space<hbm>> -> memref<1000000x64xf32, #tpu.memory_space<hbm>>
    tpu.enqueue_indirect_dma source(%dma_start3A_87 : memref<1000000x64xf32, #tpu.memory_space<hbm>>) target(%dma_start3A_81 : memref<50x64xf32, #tpu.memory_space<vmem>>) offsets(%dma_start3A_84 : memref<50xi32, #tpu.memory_space<vmem>>) semaphore(%arg7 : memref<!tpu.dma_semaphore, #tpu.memory_space<semaphore_mem>>)
    %dma_start3A_88 = arith.constant 0 : i32
    %dma_start3A_89 = arith.constant 6 : i32
    %dma_start3A_90 = arith.constant 0 : i32
    %dma_start3A_91 = arith.constant 6 : i32
    %dma_start3A_92 = arith.constant 0 : i32
    %dma_start3A_93 = arith.constant 0 : i32
    %dma_start3A_94 = tpu.memref_slice %arg6[%dma_start3A_90, %dma_start3A_91, %dma_start3A_92, %dma_start3A_93] : memref<4x8x50x64xf32, #tpu.memory_space<vmem>> -> memref<1x1x50x64xf32, #tpu.memory_space<vmem>>
    %dma_start3A_95 = tpu.memref_squeeze %dma_start3A_94 : memref<1x1x50x64xf32, #tpu.memory_space<vmem>> -> memref<50x64xf32, #tpu.memory_space<vmem>>
    %dma_start3A_96 = arith.constant 0 : i32
    %dma_start3A_97 = tpu.memref_slice %arg5[%dma_start3A_88, %dma_start3A_89, %dma_start3A_96] : memref<4x8x50xi32, #tpu.memory_space<vmem>> -> memref<1x1x50xi32, #tpu.memory_space<vmem>>
    %dma_start3A_98 = tpu.memref_squeeze %dma_start3A_97 : memref<1x1x50xi32, #tpu.memory_space<vmem>> -> memref<50xi32, #tpu.memory_space<vmem>>
    %dma_start3A_99 = arith.constant 0 : i32
    %dma_start3A_100 = arith.constant 0 : i32
    %dma_start3A_101 = tpu.memref_slice %arg3[%dma_start3A_99, %dma_start3A_100] : memref<1000000x64xf32, #tpu.memory_space<hbm>> -> memref<1000000x64xf32, #tpu.memory_space<hbm>>
    tpu.enqueue_indirect_dma source(%dma_start3A_101 : memref<1000000x64xf32, #tpu.memory_space<hbm>>) target(%dma_start3A_95 : memref<50x64xf32, #tpu.memory_space<vmem>>) offsets(%dma_start3A_98 : memref<50xi32, #tpu.memory_space<vmem>>) semaphore(%arg7 : memref<!tpu.dma_semaphore, #tpu.memory_space<semaphore_mem>>)
    %dma_start3A_102 = arith.constant 0 : i32
    %dma_start3A_103 = arith.constant 7 : i32
    %dma_start3A_104 = arith.constant 0 : i32
    %dma_start3A_105 = arith.constant 7 : i32
    %dma_start3A_106 = arith.constant 0 : i32
    %dma_start3A_107 = arith.constant 0 : i32
    %dma_start3A_108 = tpu.memref_slice %arg6[%dma_start3A_104, %dma_start3A_105, %dma_start3A_106, %dma_start3A_107] : memref<4x8x50x64xf32, #tpu.memory_space<vmem>> -> memref<1x1x50x64xf32, #tpu.memory_space<vmem>>
    %dma_start3A_109 = tpu.memref_squeeze %dma_start3A_108 : memref<1x1x50x64xf32, #tpu.memory_space<vmem>> -> memref<50x64xf32, #tpu.memory_space<vmem>>
    %dma_start3A_110 = arith.constant 0 : i32
    %dma_start3A_111 = tpu.memref_slice %arg5[%dma_start3A_102, %dma_start3A_103, %dma_start3A_110] : memref<4x8x50xi32, #tpu.memory_space<vmem>> -> memref<1x1x50xi32, #tpu.memory_space<vmem>>
    %dma_start3A_112 = tpu.memref_squeeze %dma_start3A_111 : memref<1x1x50xi32, #tpu.memory_space<vmem>> -> memref<50xi32, #tpu.memory_space<vmem>>
    %dma_start3A_113 = arith.constant 0 : i32
    %dma_start3A_114 = arith.constant 0 : i32
    %dma_start3A_115 = tpu.memref_slice %arg3[%dma_start3A_113, %dma_start3A_114] : memref<1000000x64xf32, #tpu.memory_space<hbm>> -> memref<1000000x64xf32, #tpu.memory_space<hbm>>
    tpu.enqueue_indirect_dma source(%dma_start3A_115 : memref<1000000x64xf32, #tpu.memory_space<hbm>>) target(%dma_start3A_109 : memref<50x64xf32, #tpu.memory_space<vmem>>) offsets(%dma_start3A_112 : memref<50xi32, #tpu.memory_space<vmem>>) semaphore(%arg7 : memref<!tpu.dma_semaphore, #tpu.memory_space<semaphore_mem>>)
    %add3A_116 = arith.constant 8 : i32
    %add3A_117 = arith.addi %mul3A_2, %add3A_116 : i32
    %run_scoped3A_118 = arith.constant 1 : i32
    "tpu.region"() ({
      %run_scoped3A_370 = tpu.sem_alloc : memref<!tpu.dma_semaphore, #tpu.memory_space<semaphore_mem>>
      %dma_start3A_371 = arith.constant 0 : i32
      %dma_start3A_372 = arith.constant 0 : i32
      %dma_start3A_373 = tpu.memref_slice %arg5[%run_scoped3A_118, %dma_start3A_371, %dma_start3A_372] : memref<4x8x50xi32, #tpu.memory_space<vmem>> -> memref<1x8x50xi32, #tpu.memory_space<vmem>>
      %dma_start3A_374 = tpu.memref_squeeze %dma_start3A_373 : memref<1x8x50xi32, #tpu.memory_space<vmem>> -> memref<8x50xi32, #tpu.memory_space<vmem>>
      %dma_start3A_375 = arith.constant 0 : i32
      %dma_start3A_376 = tpu.memref_slice %arg2[%add3A_117, %dma_start3A_375] : memref<16384x50xi32, #tpu.memory_space<hbm>> -> memref<8x50xi32, #tpu.memory_space<hbm>>
      %dma_start3A_377 = arith.constant 0 : i32
      %dma_start3A_378 = arith.constant 0 : i32
      %dma_start3A_379 = tpu.memref_slice %arg5[%run_scoped3A_118, %dma_start3A_377, %dma_start3A_378] : memref<4x8x50xi32, #tpu.memory_space<vmem>> -> memref<1x8x50xi32, #tpu.memory_space<vmem>>
      %dma_start3A_380 = tpu.memref_squeeze %dma_start3A_379 : memref<1x8x50xi32, #tpu.memory_space<vmem>> -> memref<8x50xi32, #tpu.memory_space<vmem>>
      %dma_start3A_381 = arith.constant 0 : i32
      %dma_start3A_382 = tpu.memref_slice %arg2[%add3A_117, %dma_start3A_381] : memref<16384x50xi32, #tpu.memory_space<hbm>> -> memref<8x50xi32, #tpu.memory_space<hbm>>
      tpu.enqueue_dma source(%dma_start3A_382 : memref<8x50xi32, #tpu.memory_space<hbm>>) target(%dma_start3A_380 : memref<8x50xi32, #tpu.memory_space<vmem>>) target_semaphore(%run_scoped3A_370 : memref<!tpu.dma_semaphore, #tpu.memory_space<semaphore_mem>>)
      %dma_wait3A_383 = arith.constant 0 : i32
      %dma_wait3A_384 = arith.constant 0 : i32
      %dma_wait3A_385 = tpu.memref_slice %arg5[%run_scoped3A_118, %dma_wait3A_383, %dma_wait3A_384] : memref<4x8x50xi32, #tpu.memory_space<vmem>> -> memref<1x8x50xi32, #tpu.memory_space<vmem>>
      %dma_wait3A_386 = tpu.memref_squeeze %dma_wait3A_385 : memref<1x8x50xi32, #tpu.memory_space<vmem>> -> memref<8x50xi32, #tpu.memory_space<vmem>>
      %dma_wait3A_387 = arith.constant 0 : i32
      %dma_wait3A_388 = tpu.memref_slice %arg2[%add3A_117, %dma_wait3A_387] : memref<16384x50xi32, #tpu.memory_space<hbm>> -> memref<8x50xi32, #tpu.memory_space<hbm>>
      %dma_wait3A_389 = arith.constant 0 : i32
      %dma_wait3A_390 = arith.constant 0 : i32
      %dma_wait3A_391 = tpu.memref_slice %arg5[%run_scoped3A_118, %dma_wait3A_389, %dma_wait3A_390] : memref<4x8x50xi32, #tpu.memory_space<vmem>> -> memref<1x8x50xi32, #tpu.memory_space<vmem>>
      %dma_wait3A_392 = tpu.memref_squeeze %dma_wait3A_391 : memref<1x8x50xi32, #tpu.memory_space<vmem>> -> memref<8x50xi32, #tpu.memory_space<vmem>>
      %dma_wait3A_393 = arith.constant 0 : i32
      %dma_wait3A_394 = tpu.memref_slice %arg2[%add3A_117, %dma_wait3A_393] : memref<16384x50xi32, #tpu.memory_space<hbm>> -> memref<8x50xi32, #tpu.memory_space<hbm>>
      tpu.wait_dma2 semaphore(%run_scoped3A_370 : memref<!tpu.dma_semaphore, #tpu.memory_space<semaphore_mem>>) src(%dma_wait3A_394 : memref<8x50xi32, #tpu.memory_space<hbm>>) dst(%dma_wait3A_392 : memref<8x50xi32, #tpu.memory_space<vmem>>)
      tpu.yield
    }) : () -> ()
    %dma_start3A_119 = arith.constant 1 : i32
    %dma_start3A_120 = arith.constant 0 : i32
    %dma_start3A_121 = arith.constant 1 : i32
    %dma_start3A_122 = arith.constant 0 : i32
    %dma_start3A_123 = arith.constant 0 : i32
    %dma_start3A_124 = arith.constant 0 : i32
    %dma_start3A_125 = tpu.memref_slice %arg6[%dma_start3A_121, %dma_start3A_122, %dma_start3A_123, %dma_start3A_124] : memref<4x8x50x64xf32, #tpu.memory_space<vmem>> -> memref<1x1x50x64xf32, #tpu.memory_space<vmem>>
    %dma_start3A_126 = tpu.memref_squeeze %dma_start3A_125 : memref<1x1x50x64xf32, #tpu.memory_space<vmem>> -> memref<50x64xf32, #tpu.memory_space<vmem>>
    %dma_start3A_127 = arith.constant 0 : i32
    %dma_start3A_128 = tpu.memref_slice %arg5[%dma_start3A_119, %dma_start3A_120, %dma_start3A_127] : memref<4x8x50xi32, #tpu.memory_space<vmem>> -> memref<1x1x50xi32, #tpu.memory_space<vmem>>
    %dma_start3A_129 = tpu.memref_squeeze %dma_start3A_128 : memref<1x1x50xi32, #tpu.memory_space<vmem>> -> memref<50xi32, #tpu.memory_space<vmem>>
    %dma_start3A_130 = arith.constant 0 : i32
    %dma_start3A_131 = arith.constant 0 : i32
    %dma_start3A_132 = tpu.memref_slice %arg3[%dma_start3A_130, %dma_start3A_131] : memref<1000000x64xf32, #tpu.memory_space<hbm>> -> memref<1000000x64xf32, #tpu.memory_space<hbm>>
    tpu.enqueue_indirect_dma source(%dma_start3A_132 : memref<1000000x64xf32, #tpu.memory_space<hbm>>) target(%dma_start3A_126 : memref<50x64xf32, #tpu.memory_space<vmem>>) offsets(%dma_start3A_129 : memref<50xi32, #tpu.memory_space<vmem>>) semaphore(%arg8 : memref<!tpu.dma_semaphore, #tpu.memory_space<semaphore_mem>>)
    %dma_start3A_133 = arith.constant 1 : i32
    %dma_start3A_134 = arith.constant 1 : i32
    %dma_start3A_135 = arith.constant 1 : i32
    %dma_start3A_136 = arith.constant 1 : i32
    %dma_start3A_137 = arith.constant 0 : i32
    %dma_start3A_138 = arith.constant 0 : i32
    %dma_start3A_139 = tpu.memref_slice %arg6[%dma_start3A_135, %dma_start3A_136, %dma_start3A_137, %dma_start3A_138] : memref<4x8x50x64xf32, #tpu.memory_space<vmem>> -> memref<1x1x50x64xf32, #tpu.memory_space<vmem>>
    %dma_start3A_140 = tpu.memref_squeeze %dma_start3A_139 : memref<1x1x50x64xf32, #tpu.memory_space<vmem>> -> memref<50x64xf32, #tpu.memory_space<vmem>>
    %dma_start3A_141 = arith.constant 0 : i32
    %dma_start3A_142 = tpu.memref_slice %arg5[%dma_start3A_133, %dma_start3A_134, %dma_start3A_141] : memref<4x8x50xi32, #tpu.memory_space<vmem>> -> memref<1x1x50xi32, #tpu.memory_space<vmem>>
    %dma_start3A_143 = tpu.memref_squeeze %dma_start3A_142 : memref<1x1x50xi32, #tpu.memory_space<vmem>> -> memref<50xi32, #tpu.memory_space<vmem>>
    %dma_start3A_144 = arith.constant 0 : i32
    %dma_start3A_145 = arith.constant 0 : i32
    %dma_start3A_146 = tpu.memref_slice %arg3[%dma_start3A_144, %dma_start3A_145] : memref<1000000x64xf32, #tpu.memory_space<hbm>> -> memref<1000000x64xf32, #tpu.memory_space<hbm>>
    tpu.enqueue_indirect_dma source(%dma_start3A_146 : memref<1000000x64xf32, #tpu.memory_space<hbm>>) target(%dma_start3A_140 : memref<50x64xf32, #tpu.memory_space<vmem>>) offsets(%dma_start3A_143 : memref<50xi32, #tpu.memory_space<vmem>>) semaphore(%arg8 : memref<!tpu.dma_semaphore, #tpu.memory_space<semaphore_mem>>)
    %dma_start3A_147 = arith.constant 1 : i32
    %dma_start3A_148 = arith.constant 2 : i32
    %dma_start3A_149 = arith.constant 1 : i32
    %dma_start3A_150 = arith.constant 2 : i32
    %dma_start3A_151 = arith.constant 0 : i32
    %dma_start3A_152 = arith.constant 0 : i32
    %dma_start3A_153 = tpu.memref_slice %arg6[%dma_start3A_149, %dma_start3A_150, %dma_start3A_151, %dma_start3A_152] : memref<4x8x50x64xf32, #tpu.memory_space<vmem>> -> memref<1x1x50x64xf32, #tpu.memory_space<vmem>>
    %dma_start3A_154 = tpu.memref_squeeze %dma_start3A_153 : memref<1x1x50x64xf32, #tpu.memory_space<vmem>> -> memref<50x64xf32, #tpu.memory_space<vmem>>
    %dma_start3A_155 = arith.constant 0 : i32
    %dma_start3A_156 = tpu.memref_slice %arg5[%dma_start3A_147, %dma_start3A_148, %dma_start3A_155] : memref<4x8x50xi32, #tpu.memory_space<vmem>> -> memref<1x1x50xi32, #tpu.memory_space<vmem>>
    %dma_start3A_157 = tpu.memref_squeeze %dma_start3A_156 : memref<1x1x50xi32, #tpu.memory_space<vmem>> -> memref<50xi32, #tpu.memory_space<vmem>>
    %dma_start3A_158 = arith.constant 0 : i32
    %dma_start3A_159 = arith.constant 0 : i32
    %dma_start3A_160 = tpu.memref_slice %arg3[%dma_start3A_158, %dma_start3A_159] : memref<1000000x64xf32, #tpu.memory_space<hbm>> -> memref<1000000x64xf32, #tpu.memory_space<hbm>>
    tpu.enqueue_indirect_dma source(%dma_start3A_160 : memref<1000000x64xf32, #tpu.memory_space<hbm>>) target(%dma_start3A_154 : memref<50x64xf32, #tpu.memory_space<vmem>>) offsets(%dma_start3A_157 : memref<50xi32, #tpu.memory_space<vmem>>) semaphore(%arg8 : memref<!tpu.dma_semaphore, #tpu.memory_space<semaphore_mem>>)
    %dma_start3A_161 = arith.constant 1 : i32
    %dma_start3A_162 = arith.constant 3 : i32
    %dma_start3A_163 = arith.constant 1 : i32
    %dma_start3A_164 = arith.constant 3 : i32
    %dma_start3A_165 = arith.constant 0 : i32
    %dma_start3A_166 = arith.constant 0 : i32
    %dma_start3A_167 = tpu.memref_slice %arg6[%dma_start3A_163, %dma_start3A_164, %dma_start3A_165, %dma_start3A_166] : memref<4x8x50x64xf32, #tpu.memory_space<vmem>> -> memref<1x1x50x64xf32, #tpu.memory_space<vmem>>
    %dma_start3A_168 = tpu.memref_squeeze %dma_start3A_167 : memref<1x1x50x64xf32, #tpu.memory_space<vmem>> -> memref<50x64xf32, #tpu.memory_space<vmem>>
    %dma_start3A_169 = arith.constant 0 : i32
    %dma_start3A_170 = tpu.memref_slice %arg5[%dma_start3A_161, %dma_start3A_162, %dma_start3A_169] : memref<4x8x50xi32, #tpu.memory_space<vmem>> -> memref<1x1x50xi32, #tpu.memory_space<vmem>>
    %dma_start3A_171 = tpu.memref_squeeze %dma_start3A_170 : memref<1x1x50xi32, #tpu.memory_space<vmem>> -> memref<50xi32, #tpu.memory_space<vmem>>
    %dma_start3A_172 = arith.constant 0 : i32
    %dma_start3A_173 = arith.constant 0 : i32
    %dma_start3A_174 = tpu.memref_slice %arg3[%dma_start3A_172, %dma_start3A_173] : memref<1000000x64xf32, #tpu.memory_space<hbm>> -> memref<1000000x64xf32, #tpu.memory_space<hbm>>
    tpu.enqueue_indirect_dma source(%dma_start3A_174 : memref<1000000x64xf32, #tpu.memory_space<hbm>>) target(%dma_start3A_168 : memref<50x64xf32, #tpu.memory_space<vmem>>) offsets(%dma_start3A_171 : memref<50xi32, #tpu.memory_space<vmem>>) semaphore(%arg8 : memref<!tpu.dma_semaphore, #tpu.memory_space<semaphore_mem>>)
    %dma_start3A_175 = arith.constant 1 : i32
    %dma_start3A_176 = arith.constant 4 : i32
    %dma_start3A_177 = arith.constant 1 : i32
    %dma_start3A_178 = arith.constant 4 : i32
    %dma_start3A_179 = arith.constant 0 : i32
    %dma_start3A_180 = arith.constant 0 : i32
    %dma_start3A_181 = tpu.memref_slice %arg6[%dma_start3A_177, %dma_start3A_178, %dma_start3A_179, %dma_start3A_180] : memref<4x8x50x64xf32, #tpu.memory_space<vmem>> -> memref<1x1x50x64xf32, #tpu.memory_space<vmem>>
    %dma_start3A_182 = tpu.memref_squeeze %dma_start3A_181 : memref<1x1x50x64xf32, #tpu.memory_space<vmem>> -> memref<50x64xf32, #tpu.memory_space<vmem>>
    %dma_start3A_183 = arith.constant 0 : i32
    %dma_start3A_184 = tpu.memref_slice %arg5[%dma_start3A_175, %dma_start3A_176, %dma_start3A_183] : memref<4x8x50xi32, #tpu.memory_space<vmem>> -> memref<1x1x50xi32, #tpu.memory_space<vmem>>
    %dma_start3A_185 = tpu.memref_squeeze %dma_start3A_184 : memref<1x1x50xi32, #tpu.memory_space<vmem>> -> memref<50xi32, #tpu.memory_space<vmem>>
    %dma_start3A_186 = arith.constant 0 : i32
    %dma_start3A_187 = arith.constant 0 : i32
    %dma_start3A_188 = tpu.memref_slice %arg3[%dma_start3A_186, %dma_start3A_187] : memref<1000000x64xf32, #tpu.memory_space<hbm>> -> memref<1000000x64xf32, #tpu.memory_space<hbm>>
    tpu.enqueue_indirect_dma source(%dma_start3A_188 : memref<1000000x64xf32, #tpu.memory_space<hbm>>) target(%dma_start3A_182 : memref<50x64xf32, #tpu.memory_space<vmem>>) offsets(%dma_start3A_185 : memref<50xi32, #tpu.memory_space<vmem>>) semaphore(%arg8 : memref<!tpu.dma_semaphore, #tpu.memory_space<semaphore_mem>>)
    %dma_start3A_189 = arith.constant 1 : i32
    %dma_start3A_190 = arith.constant 5 : i32
    %dma_start3A_191 = arith.constant 1 : i32
    %dma_start3A_192 = arith.constant 5 : i32
    %dma_start3A_193 = arith.constant 0 : i32
    %dma_start3A_194 = arith.constant 0 : i32
    %dma_start3A_195 = tpu.memref_slice %arg6[%dma_start3A_191, %dma_start3A_192, %dma_start3A_193, %dma_start3A_194] : memref<4x8x50x64xf32, #tpu.memory_space<vmem>> -> memref<1x1x50x64xf32, #tpu.memory_space<vmem>>
    %dma_start3A_196 = tpu.memref_squeeze %dma_start3A_195 : memref<1x1x50x64xf32, #tpu.memory_space<vmem>> -> memref<50x64xf32, #tpu.memory_space<vmem>>
    %dma_start3A_197 = arith.constant 0 : i32
    %dma_start3A_198 = tpu.memref_slice %arg5[%dma_start3A_189, %dma_start3A_190, %dma_start3A_197] : memref<4x8x50xi32, #tpu.memory_space<vmem>> -> memref<1x1x50xi32, #tpu.memory_space<vmem>>
    %dma_start3A_199 = tpu.memref_squeeze %dma_start3A_198 : memref<1x1x50xi32, #tpu.memory_space<vmem>> -> memref<50xi32, #tpu.memory_space<vmem>>
    %dma_start3A_200 = arith.constant 0 : i32
    %dma_start3A_201 = arith.constant 0 : i32
    %dma_start3A_202 = tpu.memref_slice %arg3[%dma_start3A_200, %dma_start3A_201] : memref<1000000x64xf32, #tpu.memory_space<hbm>> -> memref<1000000x64xf32, #tpu.memory_space<hbm>>
    tpu.enqueue_indirect_dma source(%dma_start3A_202 : memref<1000000x64xf32, #tpu.memory_space<hbm>>) target(%dma_start3A_196 : memref<50x64xf32, #tpu.memory_space<vmem>>) offsets(%dma_start3A_199 : memref<50xi32, #tpu.memory_space<vmem>>) semaphore(%arg8 : memref<!tpu.dma_semaphore, #tpu.memory_space<semaphore_mem>>)
    %dma_start3A_203 = arith.constant 1 : i32
    %dma_start3A_204 = arith.constant 6 : i32
    %dma_start3A_205 = arith.constant 1 : i32
    %dma_start3A_206 = arith.constant 6 : i32
    %dma_start3A_207 = arith.constant 0 : i32
    %dma_start3A_208 = arith.constant 0 : i32
    %dma_start3A_209 = tpu.memref_slice %arg6[%dma_start3A_205, %dma_start3A_206, %dma_start3A_207, %dma_start3A_208] : memref<4x8x50x64xf32, #tpu.memory_space<vmem>> -> memref<1x1x50x64xf32, #tpu.memory_space<vmem>>
    %dma_start3A_210 = tpu.memref_squeeze %dma_start3A_209 : memref<1x1x50x64xf32, #tpu.memory_space<vmem>> -> memref<50x64xf32, #tpu.memory_space<vmem>>
    %dma_start3A_211 = arith.constant 0 : i32
    %dma_start3A_212 = tpu.memref_slice %arg5[%dma_start3A_203, %dma_start3A_204, %dma_start3A_211] : memref<4x8x50xi32, #tpu.memory_space<vmem>> -> memref<1x1x50xi32, #tpu.memory_space<vmem>>
    %dma_start3A_213 = tpu.memref_squeeze %dma_start3A_212 : memref<1x1x50xi32, #tpu.memory_space<vmem>> -> memref<50xi32, #tpu.memory_space<vmem>>
    %dma_start3A_214 = arith.constant 0 : i32
    %dma_start3A_215 = arith.constant 0 : i32
    %dma_start3A_216 = tpu.memref_slice %arg3[%dma_start3A_214, %dma_start3A_215] : memref<1000000x64xf32, #tpu.memory_space<hbm>> -> memref<1000000x64xf32, #tpu.memory_space<hbm>>
    tpu.enqueue_indirect_dma source(%dma_start3A_216 : memref<1000000x64xf32, #tpu.memory_space<hbm>>) target(%dma_start3A_210 : memref<50x64xf32, #tpu.memory_space<vmem>>) offsets(%dma_start3A_213 : memref<50xi32, #tpu.memory_space<vmem>>) semaphore(%arg8 : memref<!tpu.dma_semaphore, #tpu.memory_space<semaphore_mem>>)
    %dma_start3A_217 = arith.constant 1 : i32
    %dma_start3A_218 = arith.constant 7 : i32
    %dma_start3A_219 = arith.constant 1 : i32
    %dma_start3A_220 = arith.constant 7 : i32
    %dma_start3A_221 = arith.constant 0 : i32
    %dma_start3A_222 = arith.constant 0 : i32
    %dma_start3A_223 = tpu.memref_slice %arg6[%dma_start3A_219, %dma_start3A_220, %dma_start3A_221, %dma_start3A_222] : memref<4x8x50x64xf32, #tpu.memory_space<vmem>> -> memref<1x1x50x64xf32, #tpu.memory_space<vmem>>
    %dma_start3A_224 = tpu.memref_squeeze %dma_start3A_223 : memref<1x1x50x64xf32, #tpu.memory_space<vmem>> -> memref<50x64xf32, #tpu.memory_space<vmem>>
    %dma_start3A_225 = arith.constant 0 : i32
    %dma_start3A_226 = tpu.memref_slice %arg5[%dma_start3A_217, %dma_start3A_218, %dma_start3A_225] : memref<4x8x50xi32, #tpu.memory_space<vmem>> -> memref<1x1x50xi32, #tpu.memory_space<vmem>>
    %dma_start3A_227 = tpu.memref_squeeze %dma_start3A_226 : memref<1x1x50xi32, #tpu.memory_space<vmem>> -> memref<50xi32, #tpu.memory_space<vmem>>
    %dma_start3A_228 = arith.constant 0 : i32
    %dma_start3A_229 = arith.constant 0 : i32
    %dma_start3A_230 = tpu.memref_slice %arg3[%dma_start3A_228, %dma_start3A_229] : memref<1000000x64xf32, #tpu.memory_space<hbm>> -> memref<1000000x64xf32, #tpu.memory_space<hbm>>
    tpu.enqueue_indirect_dma source(%dma_start3A_230 : memref<1000000x64xf32, #tpu.memory_space<hbm>>) target(%dma_start3A_224 : memref<50x64xf32, #tpu.memory_space<vmem>>) offsets(%dma_start3A_227 : memref<50xi32, #tpu.memory_space<vmem>>) semaphore(%arg8 : memref<!tpu.dma_semaphore, #tpu.memory_space<semaphore_mem>>)
    %add3A_231 = arith.constant 16 : i32
    %add3A_232 = arith.addi %mul3A_2, %add3A_231 : i32
    %run_scoped3A_233 = arith.constant 2 : i32
    "tpu.region"() ({
      %run_scoped3A_370 = tpu.sem_alloc : memref<!tpu.dma_semaphore, #tpu.memory_space<semaphore_mem>>
      %dma_start3A_371 = arith.constant 0 : i32
      %dma_start3A_372 = arith.constant 0 : i32
      %dma_start3A_373 = tpu.memref_slice %arg5[%run_scoped3A_233, %dma_start3A_371, %dma_start3A_372] : memref<4x8x50xi32, #tpu.memory_space<vmem>> -> memref<1x8x50xi32, #tpu.memory_space<vmem>>
      %dma_start3A_374 = tpu.memref_squeeze %dma_start3A_373 : memref<1x8x50xi32, #tpu.memory_space<vmem>> -> memref<8x50xi32, #tpu.memory_space<vmem>>
      %dma_start3A_375 = arith.constant 0 : i32
      %dma_start3A_376 = tpu.memref_slice %arg2[%add3A_232, %dma_start3A_375] : memref<16384x50xi32, #tpu.memory_space<hbm>> -> memref<8x50xi32, #tpu.memory_space<hbm>>
      %dma_start3A_377 = arith.constant 0 : i32
      %dma_start3A_378 = arith.constant 0 : i32
      %dma_start3A_379 = tpu.memref_slice %arg5[%run_scoped3A_233, %dma_start3A_377, %dma_start3A_378] : memref<4x8x50xi32, #tpu.memory_space<vmem>> -> memref<1x8x50xi32, #tpu.memory_space<vmem>>
      %dma_start3A_380 = tpu.memref_squeeze %dma_start3A_379 : memref<1x8x50xi32, #tpu.memory_space<vmem>> -> memref<8x50xi32, #tpu.memory_space<vmem>>
      %dma_start3A_381 = arith.constant 0 : i32
      %dma_start3A_382 = tpu.memref_slice %arg2[%add3A_232, %dma_start3A_381] : memref<16384x50xi32, #tpu.memory_space<hbm>> -> memref<8x50xi32, #tpu.memory_space<hbm>>
      tpu.enqueue_dma source(%dma_start3A_382 : memref<8x50xi32, #tpu.memory_space<hbm>>) target(%dma_start3A_380 : memref<8x50xi32, #tpu.memory_space<vmem>>) target_semaphore(%run_scoped3A_370 : memref<!tpu.dma_semaphore, #tpu.memory_space<semaphore_mem>>)
      %dma_wait3A_383 = arith.constant 0 : i32
      %dma_wait3A_384 = arith.constant 0 : i32
      %dma_wait3A_385 = tpu.memref_slice %arg5[%run_scoped3A_233, %dma_wait3A_383, %dma_wait3A_384] : memref<4x8x50xi32, #tpu.memory_space<vmem>> -> memref<1x8x50xi32, #tpu.memory_space<vmem>>
      %dma_wait3A_386 = tpu.memref_squeeze %dma_wait3A_385 : memref<1x8x50xi32, #tpu.memory_space<vmem>> -> memref<8x50xi32, #tpu.memory_space<vmem>>
      %dma_wait3A_387 = arith.constant 0 : i32
      %dma_wait3A_388 = tpu.memref_slice %arg2[%add3A_232, %dma_wait3A_387] : memref<16384x50xi32, #tpu.memory_space<hbm>> -> memref<8x50xi32, #tpu.memory_space<hbm>>
      %dma_wait3A_389 = arith.constant 0 : i32
      %dma_wait3A_390 = arith.constant 0 : i32
      %dma_wait3A_391 = tpu.memref_slice %arg5[%run_scoped3A_233, %dma_wait3A_389, %dma_wait3A_390] : memref<4x8x50xi32, #tpu.memory_space<vmem>> -> memref<1x8x50xi32, #tpu.memory_space<vmem>>
      %dma_wait3A_392 = tpu.memref_squeeze %dma_wait3A_391 : memref<1x8x50xi32, #tpu.memory_space<vmem>> -> memref<8x50xi32, #tpu.memory_space<vmem>>
      %dma_wait3A_393 = arith.constant 0 : i32
      %dma_wait3A_394 = tpu.memref_slice %arg2[%add3A_232, %dma_wait3A_393] : memref<16384x50xi32, #tpu.memory_space<hbm>> -> memref<8x50xi32, #tpu.memory_space<hbm>>
      tpu.wait_dma2 semaphore(%run_scoped3A_370 : memref<!tpu.dma_semaphore, #tpu.memory_space<semaphore_mem>>) src(%dma_wait3A_394 : memref<8x50xi32, #tpu.memory_space<hbm>>) dst(%dma_wait3A_392 : memref<8x50xi32, #tpu.memory_space<vmem>>)
      tpu.yield
    }) : () -> ()
    %dma_start3A_234 = arith.constant 2 : i32
    %dma_start3A_235 = arith.constant 0 : i32
    %dma_start3A_236 = arith.constant 2 : i32
    %dma_start3A_237 = arith.constant 0 : i32
    %dma_start3A_238 = arith.constant 0 : i32
    %dma_start3A_239 = arith.constant 0 : i32
    %dma_start3A_240 = tpu.memref_slice %arg6[%dma_start3A_236, %dma_start3A_237, %dma_start3A_238, %dma_start3A_239] : memref<4x8x50x64xf32, #tpu.memory_space<vmem>> -> memref<1x1x50x64xf32, #tpu.memory_space<vmem>>
    %dma_start3A_241 = tpu.memref_squeeze %dma_start3A_240 : memref<1x1x50x64xf32, #tpu.memory_space<vmem>> -> memref<50x64xf32, #tpu.memory_space<vmem>>
    %dma_start3A_242 = arith.constant 0 : i32
    %dma_start3A_243 = tpu.memref_slice %arg5[%dma_start3A_234, %dma_start3A_235, %dma_start3A_242] : memref<4x8x50xi32, #tpu.memory_space<vmem>> -> memref<1x1x50xi32, #tpu.memory_space<vmem>>
    %dma_start3A_244 = tpu.memref_squeeze %dma_start3A_243 : memref<1x1x50xi32, #tpu.memory_space<vmem>> -> memref<50xi32, #tpu.memory_space<vmem>>
    %dma_start3A_245 = arith.constant 0 : i32
    %dma_start3A_246 = arith.constant 0 : i32
    %dma_start3A_247 = tpu.memref_slice %arg3[%dma_start3A_245, %dma_start3A_246] : memref<1000000x64xf32, #tpu.memory_space<hbm>> -> memref<1000000x64xf32, #tpu.memory_space<hbm>>
    tpu.enqueue_indirect_dma source(%dma_start3A_247 : memref<1000000x64xf32, #tpu.memory_space<hbm>>) target(%dma_start3A_241 : memref<50x64xf32, #tpu.memory_space<vmem>>) offsets(%dma_start3A_244 : memref<50xi32, #tpu.memory_space<vmem>>) semaphore(%arg9 : memref<!tpu.dma_semaphore, #tpu.memory_space<semaphore_mem>>)
    %dma_start3A_248 = arith.constant 2 : i32
    %dma_start3A_249 = arith.constant 1 : i32
    %dma_start3A_250 = arith.constant 2 : i32
    %dma_start3A_251 = arith.constant 1 : i32
    %dma_start3A_252 = arith.constant 0 : i32
    %dma_start3A_253 = arith.constant 0 : i32
    %dma_start3A_254 = tpu.memref_slice %arg6[%dma_start3A_250, %dma_start3A_251, %dma_start3A_252, %dma_start3A_253] : memref<4x8x50x64xf32, #tpu.memory_space<vmem>> -> memref<1x1x50x64xf32, #tpu.memory_space<vmem>>
    %dma_start3A_255 = tpu.memref_squeeze %dma_start3A_254 : memref<1x1x50x64xf32, #tpu.memory_space<vmem>> -> memref<50x64xf32, #tpu.memory_space<vmem>>
    %dma_start3A_256 = arith.constant 0 : i32
    %dma_start3A_257 = tpu.memref_slice %arg5[%dma_start3A_248, %dma_start3A_249, %dma_start3A_256] : memref<4x8x50xi32, #tpu.memory_space<vmem>> -> memref<1x1x50xi32, #tpu.memory_space<vmem>>
    %dma_start3A_258 = tpu.memref_squeeze %dma_start3A_257 : memref<1x1x50xi32, #tpu.memory_space<vmem>> -> memref<50xi32, #tpu.memory_space<vmem>>
    %dma_start3A_259 = arith.constant 0 : i32
    %dma_start3A_260 = arith.constant 0 : i32
    %dma_start3A_261 = tpu.memref_slice %arg3[%dma_start3A_259, %dma_start3A_260] : memref<1000000x64xf32, #tpu.memory_space<hbm>> -> memref<1000000x64xf32, #tpu.memory_space<hbm>>
    tpu.enqueue_indirect_dma source(%dma_start3A_261 : memref<1000000x64xf32, #tpu.memory_space<hbm>>) target(%dma_start3A_255 : memref<50x64xf32, #tpu.memory_space<vmem>>) offsets(%dma_start3A_258 : memref<50xi32, #tpu.memory_space<vmem>>) semaphore(%arg9 : memref<!tpu.dma_semaphore, #tpu.memory_space<semaphore_mem>>)
    %dma_start3A_262 = arith.constant 2 : i32
    %dma_start3A_263 = arith.constant 2 : i32
    %dma_start3A_264 = arith.constant 2 : i32
    %dma_start3A_265 = arith.constant 2 : i32
    %dma_start3A_266 = arith.constant 0 : i32
    %dma_start3A_267 = arith.constant 0 : i32
    %dma_start3A_268 = tpu.memref_slice %arg6[%dma_start3A_264, %dma_start3A_265, %dma_start3A_266, %dma_start3A_267] : memref<4x8x50x64xf32, #tpu.memory_space<vmem>> -> memref<1x1x50x64xf32, #tpu.memory_space<vmem>>
    %dma_start3A_269 = tpu.memref_squeeze %dma_start3A_268 : memref<1x1x50x64xf32, #tpu.memory_space<vmem>> -> memref<50x64xf32, #tpu.memory_space<vmem>>
    %dma_start3A_270 = arith.constant 0 : i32
    %dma_start3A_271 = tpu.memref_slice %arg5[%dma_start3A_262, %dma_start3A_263, %dma_start3A_270] : memref<4x8x50xi32, #tpu.memory_space<vmem>> -> memref<1x1x50xi32, #tpu.memory_space<vmem>>
    %dma_start3A_272 = tpu.memref_squeeze %dma_start3A_271 : memref<1x1x50xi32, #tpu.memory_space<vmem>> -> memref<50xi32, #tpu.memory_space<vmem>>
    %dma_start3A_273 = arith.constant 0 : i32
    %dma_start3A_274 = arith.constant 0 : i32
    %dma_start3A_275 = tpu.memref_slice %arg3[%dma_start3A_273, %dma_start3A_274] : memref<1000000x64xf32, #tpu.memory_space<hbm>> -> memref<1000000x64xf32, #tpu.memory_space<hbm>>
    tpu.enqueue_indirect_dma source(%dma_start3A_275 : memref<1000000x64xf32, #tpu.memory_space<hbm>>) target(%dma_start3A_269 : memref<50x64xf32, #tpu.memory_space<vmem>>) offsets(%dma_start3A_272 : memref<50xi32, #tpu.memory_space<vmem>>) semaphore(%arg9 : memref<!tpu.dma_semaphore, #tpu.memory_space<semaphore_mem>>)
    %dma_start3A_276 = arith.constant 2 : i32
    %dma_start3A_277 = arith.constant 3 : i32
    %dma_start3A_278 = arith.constant 2 : i32
    %dma_start3A_279 = arith.constant 3 : i32
    %dma_start3A_280 = arith.constant 0 : i32
    %dma_start3A_281 = arith.constant 0 : i32
    %dma_start3A_282 = tpu.memref_slice %arg6[%dma_start3A_278, %dma_start3A_279, %dma_start3A_280, %dma_start3A_281] : memref<4x8x50x64xf32, #tpu.memory_space<vmem>> -> memref<1x1x50x64xf32, #tpu.memory_space<vmem>>
    %dma_start3A_283 = tpu.memref_squeeze %dma_start3A_282 : memref<1x1x50x64xf32, #tpu.memory_space<vmem>> -> memref<50x64xf32, #tpu.memory_space<vmem>>
    %dma_start3A_284 = arith.constant 0 : i32
    %dma_start3A_285 = tpu.memref_slice %arg5[%dma_start3A_276, %dma_start3A_277, %dma_start3A_284] : memref<4x8x50xi32, #tpu.memory_space<vmem>> -> memref<1x1x50xi32, #tpu.memory_space<vmem>>
    %dma_start3A_286 = tpu.memref_squeeze %dma_start3A_285 : memref<1x1x50xi32, #tpu.memory_space<vmem>> -> memref<50xi32, #tpu.memory_space<vmem>>
    %dma_start3A_287 = arith.constant 0 : i32
    %dma_start3A_288 = arith.constant 0 : i32
    %dma_start3A_289 = tpu.memref_slice %arg3[%dma_start3A_287, %dma_start3A_288] : memref<1000000x64xf32, #tpu.memory_space<hbm>> -> memref<1000000x64xf32, #tpu.memory_space<hbm>>
    tpu.enqueue_indirect_dma source(%dma_start3A_289 : memref<1000000x64xf32, #tpu.memory_space<hbm>>) target(%dma_start3A_283 : memref<50x64xf32, #tpu.memory_space<vmem>>) offsets(%dma_start3A_286 : memref<50xi32, #tpu.memory_space<vmem>>) semaphore(%arg9 : memref<!tpu.dma_semaphore, #tpu.memory_space<semaphore_mem>>)
    %dma_start3A_290 = arith.constant 2 : i32
    %dma_start3A_291 = arith.constant 4 : i32
    %dma_start3A_292 = arith.constant 2 : i32
    %dma_start3A_293 = arith.constant 4 : i32
    %dma_start3A_294 = arith.constant 0 : i32
    %dma_start3A_295 = arith.constant 0 : i32
    %dma_start3A_296 = tpu.memref_slice %arg6[%dma_start3A_292, %dma_start3A_293, %dma_start3A_294, %dma_start3A_295] : memref<4x8x50x64xf32, #tpu.memory_space<vmem>> -> memref<1x1x50x64xf32, #tpu.memory_space<vmem>>
    %dma_start3A_297 = tpu.memref_squeeze %dma_start3A_296 : memref<1x1x50x64xf32, #tpu.memory_space<vmem>> -> memref<50x64xf32, #tpu.memory_space<vmem>>
    %dma_start3A_298 = arith.constant 0 : i32
    %dma_start3A_299 = tpu.memref_slice %arg5[%dma_start3A_290, %dma_start3A_291, %dma_start3A_298] : memref<4x8x50xi32, #tpu.memory_space<vmem>> -> memref<1x1x50xi32, #tpu.memory_space<vmem>>
    %dma_start3A_300 = tpu.memref_squeeze %dma_start3A_299 : memref<1x1x50xi32, #tpu.memory_space<vmem>> -> memref<50xi32, #tpu.memory_space<vmem>>
    %dma_start3A_301 = arith.constant 0 : i32
    %dma_start3A_302 = arith.constant 0 : i32
    %dma_start3A_303 = tpu.memref_slice %arg3[%dma_start3A_301, %dma_start3A_302] : memref<1000000x64xf32, #tpu.memory_space<hbm>> -> memref<1000000x64xf32, #tpu.memory_space<hbm>>
    tpu.enqueue_indirect_dma source(%dma_start3A_303 : memref<1000000x64xf32, #tpu.memory_space<hbm>>) target(%dma_start3A_297 : memref<50x64xf32, #tpu.memory_space<vmem>>) offsets(%dma_start3A_300 : memref<50xi32, #tpu.memory_space<vmem>>) semaphore(%arg9 : memref<!tpu.dma_semaphore, #tpu.memory_space<semaphore_mem>>)
    %dma_start3A_304 = arith.constant 2 : i32
    %dma_start3A_305 = arith.constant 5 : i32
    %dma_start3A_306 = arith.constant 2 : i32
    %dma_start3A_307 = arith.constant 5 : i32
    %dma_start3A_308 = arith.constant 0 : i32
    %dma_start3A_309 = arith.constant 0 : i32
    %dma_start3A_310 = tpu.memref_slice %arg6[%dma_start3A_306, %dma_start3A_307, %dma_start3A_308, %dma_start3A_309] : memref<4x8x50x64xf32, #tpu.memory_space<vmem>> -> memref<1x1x50x64xf32, #tpu.memory_space<vmem>>
    %dma_start3A_311 = tpu.memref_squeeze %dma_start3A_310 : memref<1x1x50x64xf32, #tpu.memory_space<vmem>> -> memref<50x64xf32, #tpu.memory_space<vmem>>
    %dma_start3A_312 = arith.constant 0 : i32
    %dma_start3A_313 = tpu.memref_slice %arg5[%dma_start3A_304, %dma_start3A_305, %dma_start3A_312] : memref<4x8x50xi32, #tpu.memory_space<vmem>> -> memref<1x1x50xi32, #tpu.memory_space<vmem>>
    %dma_start3A_314 = tpu.memref_squeeze %dma_start3A_313 : memref<1x1x50xi32, #tpu.memory_space<vmem>> -> memref<50xi32, #tpu.memory_space<vmem>>
    %dma_start3A_315 = arith.constant 0 : i32
    %dma_start3A_316 = arith.constant 0 : i32
    %dma_start3A_317 = tpu.memref_slice %arg3[%dma_start3A_315, %dma_start3A_316] : memref<1000000x64xf32, #tpu.memory_space<hbm>> -> memref<1000000x64xf32, #tpu.memory_space<hbm>>
    tpu.enqueue_indirect_dma source(%dma_start3A_317 : memref<1000000x64xf32, #tpu.memory_space<hbm>>) target(%dma_start3A_311 : memref<50x64xf32, #tpu.memory_space<vmem>>) offsets(%dma_start3A_314 : memref<50xi32, #tpu.memory_space<vmem>>) semaphore(%arg9 : memref<!tpu.dma_semaphore, #tpu.memory_space<semaphore_mem>>)
    %dma_start3A_318 = arith.constant 2 : i32
    %dma_start3A_319 = arith.constant 6 : i32
    %dma_start3A_320 = arith.constant 2 : i32
    %dma_start3A_321 = arith.constant 6 : i32
    %dma_start3A_322 = arith.constant 0 : i32
    %dma_start3A_323 = arith.constant 0 : i32
    %dma_start3A_324 = tpu.memref_slice %arg6[%dma_start3A_320, %dma_start3A_321, %dma_start3A_322, %dma_start3A_323] : memref<4x8x50x64xf32, #tpu.memory_space<vmem>> -> memref<1x1x50x64xf32, #tpu.memory_space<vmem>>
    %dma_start3A_325 = tpu.memref_squeeze %dma_start3A_324 : memref<1x1x50x64xf32, #tpu.memory_space<vmem>> -> memref<50x64xf32, #tpu.memory_space<vmem>>
    %dma_start3A_326 = arith.constant 0 : i32
    %dma_start3A_327 = tpu.memref_slice %arg5[%dma_start3A_318, %dma_start3A_319, %dma_start3A_326] : memref<4x8x50xi32, #tpu.memory_space<vmem>> -> memref<1x1x50xi32, #tpu.memory_space<vmem>>
    %dma_start3A_328 = tpu.memref_squeeze %dma_start3A_327 : memref<1x1x50xi32, #tpu.memory_space<vmem>> -> memref<50xi32, #tpu.memory_space<vmem>>
    %dma_start3A_329 = arith.constant 0 : i32
    %dma_start3A_330 = arith.constant 0 : i32
    %dma_start3A_331 = tpu.memref_slice %arg3[%dma_start3A_329, %dma_start3A_330] : memref<1000000x64xf32, #tpu.memory_space<hbm>> -> memref<1000000x64xf32, #tpu.memory_space<hbm>>
    tpu.enqueue_indirect_dma source(%dma_start3A_331 : memref<1000000x64xf32, #tpu.memory_space<hbm>>) target(%dma_start3A_325 : memref<50x64xf32, #tpu.memory_space<vmem>>) offsets(%dma_start3A_328 : memref<50xi32, #tpu.memory_space<vmem>>) semaphore(%arg9 : memref<!tpu.dma_semaphore, #tpu.memory_space<semaphore_mem>>)
    %dma_start3A_332 = arith.constant 2 : i32
    %dma_start3A_333 = arith.constant 7 : i32
    %dma_start3A_334 = arith.constant 2 : i32
    %dma_start3A_335 = arith.constant 7 : i32
    %dma_start3A_336 = arith.constant 0 : i32
    %dma_start3A_337 = arith.constant 0 : i32
    %dma_start3A_338 = tpu.memref_slice %arg6[%dma_start3A_334, %dma_start3A_335, %dma_start3A_336, %dma_start3A_337] : memref<4x8x50x64xf32, #tpu.memory_space<vmem>> -> memref<1x1x50x64xf32, #tpu.memory_space<vmem>>
    %dma_start3A_339 = tpu.memref_squeeze %dma_start3A_338 : memref<1x1x50x64xf32, #tpu.memory_space<vmem>> -> memref<50x64xf32, #tpu.memory_space<vmem>>
    %dma_start3A_340 = arith.constant 0 : i32
    %dma_start3A_341 = tpu.memref_slice %arg5[%dma_start3A_332, %dma_start3A_333, %dma_start3A_340] : memref<4x8x50xi32, #tpu.memory_space<vmem>> -> memref<1x1x50xi32, #tpu.memory_space<vmem>>
    %dma_start3A_342 = tpu.memref_squeeze %dma_start3A_341 : memref<1x1x50xi32, #tpu.memory_space<vmem>> -> memref<50xi32, #tpu.memory_space<vmem>>
    %dma_start3A_343 = arith.constant 0 : i32
    %dma_start3A_344 = arith.constant 0 : i32
    %dma_start3A_345 = tpu.memref_slice %arg3[%dma_start3A_343, %dma_start3A_344] : memref<1000000x64xf32, #tpu.memory_space<hbm>> -> memref<1000000x64xf32, #tpu.memory_space<hbm>>
    tpu.enqueue_indirect_dma source(%dma_start3A_345 : memref<1000000x64xf32, #tpu.memory_space<hbm>>) target(%dma_start3A_339 : memref<50x64xf32, #tpu.memory_space<vmem>>) offsets(%dma_start3A_342 : memref<50xi32, #tpu.memory_space<vmem>>) semaphore(%arg9 : memref<!tpu.dma_semaphore, #tpu.memory_space<semaphore_mem>>)
    %scan3A = arith.constant 0 : i32
    %scan3A_346 = arith.constant 0 : i32
    %scan3A_347 = arith.constant 16 : i32
    %scan3A_348 = arith.addi %scan3A_346, %scan3A_347 : i32
    %scan3A_349 = arith.constant 1 : i32
    %scan3A_350 = scf.for %scan3A_370 = %scan3A_346 to %scan3A_348 step %scan3A_349 iter_args(%scan3A_371 = %scan3A) -> (i32)  : i32 {
      %mul3A_372 = arith.constant 4 : i32
      %mul3A_373 = arith.muli %scan3A_370, %mul3A_372 : i32
      %add3A_374 = arith.constant 0 : i32
      %add3A_375 = arith.addi %mul3A_373, %add3A_374 : i32
      %dma_wait3A_376 = arith.constant 0 : i32
      %dma_wait3A_377 = arith.constant 0 : i32
      %dma_wait3A_378 = arith.constant 0 : i32
      %dma_wait3A_379 = arith.constant 0 : i32
      %dma_wait3A_380 = arith.constant 0 : i32
      %dma_wait3A_381 = arith.constant 0 : i32
      %dma_wait3A_382 = tpu.memref_slice %arg6[%dma_wait3A_378, %dma_wait3A_379, %dma_wait3A_380, %dma_wait3A_381] : memref<4x8x50x64xf32, #tpu.memory_space<vmem>> -> memref<1x1x50x64xf32, #tpu.memory_space<vmem>>
      %dma_wait3A_383 = tpu.memref_squeeze %dma_wait3A_382 : memref<1x1x50x64xf32, #tpu.memory_space<vmem>> -> memref<50x64xf32, #tpu.memory_space<vmem>>
      %dma_wait3A_384 = arith.constant 0 : i32
      %dma_wait3A_385 = tpu.memref_slice %arg5[%dma_wait3A_376, %dma_wait3A_377, %dma_wait3A_384] : memref<4x8x50xi32, #tpu.memory_space<vmem>> -> memref<1x1x50xi32, #tpu.memory_space<vmem>>
      %dma_wait3A_386 = tpu.memref_squeeze %dma_wait3A_385 : memref<1x1x50xi32, #tpu.memory_space<vmem>> -> memref<50xi32, #tpu.memory_space<vmem>>
      %dma_wait3A_387 = arith.constant 0 : i32
      %dma_wait3A_388 = arith.constant 0 : i32
      %dma_wait3A_389 = tpu.memref_slice %arg3[%dma_wait3A_387, %dma_wait3A_388] : memref<1000000x64xf32, #tpu.memory_space<hbm>> -> memref<1000000x64xf32, #tpu.memory_space<hbm>>
      tpu.wait_indirect_dma semaphore(%arg7 : memref<!tpu.dma_semaphore, #tpu.memory_space<semaphore_mem>>) src(%dma_wait3A_389 : memref<1000000x64xf32, #tpu.memory_space<hbm>>) dst(%dma_wait3A_383 : memref<50x64xf32, #tpu.memory_space<vmem>>)
      %dma_wait3A_390 = arith.constant 0 : i32
      %dma_wait3A_391 = arith.constant 1 : i32
      %dma_wait3A_392 = arith.constant 0 : i32
      %dma_wait3A_393 = arith.constant 1 : i32
      %dma_wait3A_394 = arith.constant 0 : i32
      %dma_wait3A_395 = arith.constant 0 : i32
      %dma_wait3A_396 = tpu.memref_slice %arg6[%dma_wait3A_392, %dma_wait3A_393, %dma_wait3A_394, %dma_wait3A_395] : memref<4x8x50x64xf32, #tpu.memory_space<vmem>> -> memref<1x1x50x64xf32, #tpu.memory_space<vmem>>
      %dma_wait3A_397 = tpu.memref_squeeze %dma_wait3A_396 : memref<1x1x50x64xf32, #tpu.memory_space<vmem>> -> memref<50x64xf32, #tpu.memory_space<vmem>>
      %dma_wait3A_398 = arith.constant 0 : i32
      %dma_wait3A_399 = tpu.memref_slice %arg5[%dma_wait3A_390, %dma_wait3A_391, %dma_wait3A_398] : memref<4x8x50xi32, #tpu.memory_space<vmem>> -> memref<1x1x50xi32, #tpu.memory_space<vmem>>
      %dma_wait3A_400 = tpu.memref_squeeze %dma_wait3A_399 : memref<1x1x50xi32, #tpu.memory_space<vmem>> -> memref<50xi32, #tpu.memory_space<vmem>>
      %dma_wait3A_401 = arith.constant 0 : i32
      %dma_wait3A_402 = arith.constant 0 : i32
      %dma_wait3A_403 = tpu.memref_slice %arg3[%dma_wait3A_401, %dma_wait3A_402] : memref<1000000x64xf32, #tpu.memory_space<hbm>> -> memref<1000000x64xf32, #tpu.memory_space<hbm>>
      tpu.wait_indirect_dma semaphore(%arg7 : memref<!tpu.dma_semaphore, #tpu.memory_space<semaphore_mem>>) src(%dma_wait3A_403 : memref<1000000x64xf32, #tpu.memory_space<hbm>>) dst(%dma_wait3A_397 : memref<50x64xf32, #tpu.memory_space<vmem>>)
      %dma_wait3A_404 = arith.constant 0 : i32
      %dma_wait3A_405 = arith.constant 2 : i32
      %dma_wait3A_406 = arith.constant 0 : i32
      %dma_wait3A_407 = arith.constant 2 : i32
      %dma_wait3A_408 = arith.constant 0 : i32
      %dma_wait3A_409 = arith.constant 0 : i32
      %dma_wait3A_410 = tpu.memref_slice %arg6[%dma_wait3A_406, %dma_wait3A_407, %dma_wait3A_408, %dma_wait3A_409] : memref<4x8x50x64xf32, #tpu.memory_space<vmem>> -> memref<1x1x50x64xf32, #tpu.memory_space<vmem>>
      %dma_wait3A_411 = tpu.memref_squeeze %dma_wait3A_410 : memref<1x1x50x64xf32, #tpu.memory_space<vmem>> -> memref<50x64xf32, #tpu.memory_space<vmem>>
      %dma_wait3A_412 = arith.constant 0 : i32
      %dma_wait3A_413 = tpu.memref_slice %arg5[%dma_wait3A_404, %dma_wait3A_405, %dma_wait3A_412] : memref<4x8x50xi32, #tpu.memory_space<vmem>> -> memref<1x1x50xi32, #tpu.memory_space<vmem>>
      %dma_wait3A_414 = tpu.memref_squeeze %dma_wait3A_413 : memref<1x1x50xi32, #tpu.memory_space<vmem>> -> memref<50xi32, #tpu.memory_space<vmem>>
      %dma_wait3A_415 = arith.constant 0 : i32
      %dma_wait3A_416 = arith.constant 0 : i32
      %dma_wait3A_417 = tpu.memref_slice %arg3[%dma_wait3A_415, %dma_wait3A_416] : memref<1000000x64xf32, #tpu.memory_space<hbm>> -> memref<1000000x64xf32, #tpu.memory_space<hbm>>
      tpu.wait_indirect_dma semaphore(%arg7 : memref<!tpu.dma_semaphore, #tpu.memory_space<semaphore_mem>>) src(%dma_wait3A_417 : memref<1000000x64xf32, #tpu.memory_space<hbm>>) dst(%dma_wait3A_411 : memref<50x64xf32, #tpu.memory_space<vmem>>)
      %dma_wait3A_418 = arith.constant 0 : i32
      %dma_wait3A_419 = arith.constant 3 : i32
      %dma_wait3A_420 = arith.constant 0 : i32
      %dma_wait3A_421 = arith.constant 3 : i32
      %dma_wait3A_422 = arith.constant 0 : i32
      %dma_wait3A_423 = arith.constant 0 : i32
      %dma_wait3A_424 = tpu.memref_slice %arg6[%dma_wait3A_420, %dma_wait3A_421, %dma_wait3A_422, %dma_wait3A_423] : memref<4x8x50x64xf32, #tpu.memory_space<vmem>> -> memref<1x1x50x64xf32, #tpu.memory_space<vmem>>
      %dma_wait3A_425 = tpu.memref_squeeze %dma_wait3A_424 : memref<1x1x50x64xf32, #tpu.memory_space<vmem>> -> memref<50x64xf32, #tpu.memory_space<vmem>>
      %dma_wait3A_426 = arith.constant 0 : i32
      %dma_wait3A_427 = tpu.memref_slice %arg5[%dma_wait3A_418, %dma_wait3A_419, %dma_wait3A_426] : memref<4x8x50xi32, #tpu.memory_space<vmem>> -> memref<1x1x50xi32, #tpu.memory_space<vmem>>
      %dma_wait3A_428 = tpu.memref_squeeze %dma_wait3A_427 : memref<1x1x50xi32, #tpu.memory_space<vmem>> -> memref<50xi32, #tpu.memory_space<vmem>>
      %dma_wait3A_429 = arith.constant 0 : i32
      %dma_wait3A_430 = arith.constant 0 : i32
      %dma_wait3A_431 = tpu.memref_slice %arg3[%dma_wait3A_429, %dma_wait3A_430] : memref<1000000x64xf32, #tpu.memory_space<hbm>> -> memref<1000000x64xf32, #tpu.memory_space<hbm>>
      tpu.wait_indirect_dma semaphore(%arg7 : memref<!tpu.dma_semaphore, #tpu.memory_space<semaphore_mem>>) src(%dma_wait3A_431 : memref<1000000x64xf32, #tpu.memory_space<hbm>>) dst(%dma_wait3A_425 : memref<50x64xf32, #tpu.memory_space<vmem>>)
      %dma_wait3A_432 = arith.constant 0 : i32
      %dma_wait3A_433 = arith.constant 4 : i32
      %dma_wait3A_434 = arith.constant 0 : i32
      %dma_wait3A_435 = arith.constant 4 : i32
      %dma_wait3A_436 = arith.constant 0 : i32
      %dma_wait3A_437 = arith.constant 0 : i32
      %dma_wait3A_438 = tpu.memref_slice %arg6[%dma_wait3A_434, %dma_wait3A_435, %dma_wait3A_436, %dma_wait3A_437] : memref<4x8x50x64xf32, #tpu.memory_space<vmem>> -> memref<1x1x50x64xf32, #tpu.memory_space<vmem>>
      %dma_wait3A_439 = tpu.memref_squeeze %dma_wait3A_438 : memref<1x1x50x64xf32, #tpu.memory_space<vmem>> -> memref<50x64xf32, #tpu.memory_space<vmem>>
      %dma_wait3A_440 = arith.constant 0 : i32
      %dma_wait3A_441 = tpu.memref_slice %arg5[%dma_wait3A_432, %dma_wait3A_433, %dma_wait3A_440] : memref<4x8x50xi32, #tpu.memory_space<vmem>> -> memref<1x1x50xi32, #tpu.memory_space<vmem>>
      %dma_wait3A_442 = tpu.memref_squeeze %dma_wait3A_441 : memref<1x1x50xi32, #tpu.memory_space<vmem>> -> memref<50xi32, #tpu.memory_space<vmem>>
      %dma_wait3A_443 = arith.constant 0 : i32
      %dma_wait3A_444 = arith.constant 0 : i32
      %dma_wait3A_445 = tpu.memref_slice %arg3[%dma_wait3A_443, %dma_wait3A_444] : memref<1000000x64xf32, #tpu.memory_space<hbm>> -> memref<1000000x64xf32, #tpu.memory_space<hbm>>
      tpu.wait_indirect_dma semaphore(%arg7 : memref<!tpu.dma_semaphore, #tpu.memory_space<semaphore_mem>>) src(%dma_wait3A_445 : memref<1000000x64xf32, #tpu.memory_space<hbm>>) dst(%dma_wait3A_439 : memref<50x64xf32, #tpu.memory_space<vmem>>)
      %dma_wait3A_446 = arith.constant 0 : i32
      %dma_wait3A_447 = arith.constant 5 : i32
      %dma_wait3A_448 = arith.constant 0 : i32
      %dma_wait3A_449 = arith.constant 5 : i32
      %dma_wait3A_450 = arith.constant 0 : i32
      %dma_wait3A_451 = arith.constant 0 : i32
      %dma_wait3A_452 = tpu.memref_slice %arg6[%dma_wait3A_448, %dma_wait3A_449, %dma_wait3A_450, %dma_wait3A_451] : memref<4x8x50x64xf32, #tpu.memory_space<vmem>> -> memref<1x1x50x64xf32, #tpu.memory_space<vmem>>
      %dma_wait3A_453 = tpu.memref_squeeze %dma_wait3A_452 : memref<1x1x50x64xf32, #tpu.memory_space<vmem>> -> memref<50x64xf32, #tpu.memory_space<vmem>>
      %dma_wait3A_454 = arith.constant 0 : i32
      %dma_wait3A_455 = tpu.memref_slice %arg5[%dma_wait3A_446, %dma_wait3A_447, %dma_wait3A_454] : memref<4x8x50xi32, #tpu.memory_space<vmem>> -> memref<1x1x50xi32, #tpu.memory_space<vmem>>
      %dma_wait3A_456 = tpu.memref_squeeze %dma_wait3A_455 : memref<1x1x50xi32, #tpu.memory_space<vmem>> -> memref<50xi32, #tpu.memory_space<vmem>>
      %dma_wait3A_457 = arith.constant 0 : i32
      %dma_wait3A_458 = arith.constant 0 : i32
      %dma_wait3A_459 = tpu.memref_slice %arg3[%dma_wait3A_457, %dma_wait3A_458] : memref<1000000x64xf32, #tpu.memory_space<hbm>> -> memref<1000000x64xf32, #tpu.memory_space<hbm>>
      tpu.wait_indirect_dma semaphore(%arg7 : memref<!tpu.dma_semaphore, #tpu.memory_space<semaphore_mem>>) src(%dma_wait3A_459 : memref<1000000x64xf32, #tpu.memory_space<hbm>>) dst(%dma_wait3A_453 : memref<50x64xf32, #tpu.memory_space<vmem>>)
      %dma_wait3A_460 = arith.constant 0 : i32
      %dma_wait3A_461 = arith.constant 6 : i32
      %dma_wait3A_462 = arith.constant 0 : i32
      %dma_wait3A_463 = arith.constant 6 : i32
      %dma_wait3A_464 = arith.constant 0 : i32
      %dma_wait3A_465 = arith.constant 0 : i32
      %dma_wait3A_466 = tpu.memref_slice %arg6[%dma_wait3A_462, %dma_wait3A_463, %dma_wait3A_464, %dma_wait3A_465] : memref<4x8x50x64xf32, #tpu.memory_space<vmem>> -> memref<1x1x50x64xf32, #tpu.memory_space<vmem>>
      %dma_wait3A_467 = tpu.memref_squeeze %dma_wait3A_466 : memref<1x1x50x64xf32, #tpu.memory_space<vmem>> -> memref<50x64xf32, #tpu.memory_space<vmem>>
      %dma_wait3A_468 = arith.constant 0 : i32
      %dma_wait3A_469 = tpu.memref_slice %arg5[%dma_wait3A_460, %dma_wait3A_461, %dma_wait3A_468] : memref<4x8x50xi32, #tpu.memory_space<vmem>> -> memref<1x1x50xi32, #tpu.memory_space<vmem>>
      %dma_wait3A_470 = tpu.memref_squeeze %dma_wait3A_469 : memref<1x1x50xi32, #tpu.memory_space<vmem>> -> memref<50xi32, #tpu.memory_space<vmem>>
      %dma_wait3A_471 = arith.constant 0 : i32
      %dma_wait3A_472 = arith.constant 0 : i32
      %dma_wait3A_473 = tpu.memref_slice %arg3[%dma_wait3A_471, %dma_wait3A_472] : memref<1000000x64xf32, #tpu.memory_space<hbm>> -> memref<1000000x64xf32, #tpu.memory_space<hbm>>
      tpu.wait_indirect_dma semaphore(%arg7 : memref<!tpu.dma_semaphore, #tpu.memory_space<semaphore_mem>>) src(%dma_wait3A_473 : memref<1000000x64xf32, #tpu.memory_space<hbm>>) dst(%dma_wait3A_467 : memref<50x64xf32, #tpu.memory_space<vmem>>)
      %dma_wait3A_474 = arith.constant 0 : i32
      %dma_wait3A_475 = arith.constant 7 : i32
      %dma_wait3A_476 = arith.constant 0 : i32
      %dma_wait3A_477 = arith.constant 7 : i32
      %dma_wait3A_478 = arith.constant 0 : i32
      %dma_wait3A_479 = arith.constant 0 : i32
      %dma_wait3A_480 = tpu.memref_slice %arg6[%dma_wait3A_476, %dma_wait3A_477, %dma_wait3A_478, %dma_wait3A_479] : memref<4x8x50x64xf32, #tpu.memory_space<vmem>> -> memref<1x1x50x64xf32, #tpu.memory_space<vmem>>
      %dma_wait3A_481 = tpu.memref_squeeze %dma_wait3A_480 : memref<1x1x50x64xf32, #tpu.memory_space<vmem>> -> memref<50x64xf32, #tpu.memory_space<vmem>>
      %dma_wait3A_482 = arith.constant 0 : i32
      %dma_wait3A_483 = tpu.memref_slice %arg5[%dma_wait3A_474, %dma_wait3A_475, %dma_wait3A_482] : memref<4x8x50xi32, #tpu.memory_space<vmem>> -> memref<1x1x50xi32, #tpu.memory_space<vmem>>
      %dma_wait3A_484 = tpu.memref_squeeze %dma_wait3A_483 : memref<1x1x50xi32, #tpu.memory_space<vmem>> -> memref<50xi32, #tpu.memory_space<vmem>>
      %dma_wait3A_485 = arith.constant 0 : i32
      %dma_wait3A_486 = arith.constant 0 : i32
      %dma_wait3A_487 = tpu.memref_slice %arg3[%dma_wait3A_485, %dma_wait3A_486] : memref<1000000x64xf32, #tpu.memory_space<hbm>> -> memref<1000000x64xf32, #tpu.memory_space<hbm>>
      tpu.wait_indirect_dma semaphore(%arg7 : memref<!tpu.dma_semaphore, #tpu.memory_space<semaphore_mem>>) src(%dma_wait3A_487 : memref<1000000x64xf32, #tpu.memory_space<hbm>>) dst(%dma_wait3A_481 : memref<50x64xf32, #tpu.memory_space<vmem>>)
      %mul3A_488 = arith.constant 8 : i32
      %mul3A_489 = arith.muli %add3A_375, %mul3A_488 : i32
      %add3A_490 = arith.addi %mul3A_2, %mul3A_489 : i32
      %dma_start3A_491 = arith.constant 0 : i32
      %dma_start3A_492 = arith.constant 0 : i32
      %dma_start3A_493 = arith.constant 0 : i32
      %dma_start3A_494 = arith.constant 0 : i32
      %dma_start3A_495 = tpu.memref_slice %arg6[%dma_start3A_491, %dma_start3A_492, %dma_start3A_493, %dma_start3A_494] : memref<4x8x50x64xf32, #tpu.memory_space<vmem>> -> memref<1x8x50x64xf32, #tpu.memory_space<vmem>>
      %dma_start3A_496 = tpu.memref_squeeze %dma_start3A_495 : memref<1x8x50x64xf32, #tpu.memory_space<vmem>> -> memref<8x50x64xf32, #tpu.memory_space<vmem>>
      %dma_start3A_497 = arith.constant 0 : i32
      %dma_start3A_498 = arith.constant 0 : i32
      %dma_start3A_499 = tpu.memref_slice %arg4[%add3A_490, %dma_start3A_497, %dma_start3A_498] : memref<16384x50x64xf32, #tpu.memory_space<hbm>> -> memref<8x50x64xf32, #tpu.memory_space<hbm>>
      %dma_start3A_500 = arith.constant 0 : i32
      %dma_start3A_501 = arith.constant 0 : i32
      %dma_start3A_502 = tpu.memref_slice %arg4[%add3A_490, %dma_start3A_500, %dma_start3A_501] : memref<16384x50x64xf32, #tpu.memory_space<hbm>> -> memref<8x50x64xf32, #tpu.memory_space<hbm>>
      %dma_start3A_503 = arith.constant 0 : i32
      %dma_start3A_504 = arith.constant 0 : i32
      %dma_start3A_505 = arith.constant 0 : i32
      %dma_start3A_506 = tpu.memref_slice %arg6[%dma_start3A_491, %dma_start3A_503, %dma_start3A_504, %dma_start3A_505] : memref<4x8x50x64xf32, #tpu.memory_space<vmem>> -> memref<1x8x50x64xf32, #tpu.memory_space<vmem>>
      %dma_start3A_507 = tpu.memref_squeeze %dma_start3A_506 : memref<1x8x50x64xf32, #tpu.memory_space<vmem>> -> memref<8x50x64xf32, #tpu.memory_space<vmem>>
      tpu.enqueue_dma source(%dma_start3A_507 : memref<8x50x64xf32, #tpu.memory_space<vmem>>) target(%dma_start3A_502 : memref<8x50x64xf32, #tpu.memory_space<hbm>>) target_semaphore(%arg11 : memref<!tpu.dma_semaphore, #tpu.memory_space<semaphore_mem>>)
      %ge3A = arith.constant 1 : i32
      %ge3A_508 = arith.cmpi sge, %add3A_375, %ge3A : i32
      %convert_element_type3A = arith.extui %ge3A_508 : i1 to i32
      %cond3A = arith.constant 0 : i32
      %cond3A_509 = arith.cmpi ne, %convert_element_type3A, %cond3A : i32
      scf.if %cond3A_509 {
        %sub3A_968 = arith.constant 1 : i32
        %sub3A_969 = arith.subi %add3A_375, %sub3A_968 : i32
        %mul3A_970 = arith.constant 8 : i32
        %mul3A_971 = arith.muli %sub3A_969, %mul3A_970 : i32
        %add3A_972 = arith.addi %mul3A_2, %mul3A_971 : i32
        %dma_wait3A_973 = arith.constant 3 : i32
        %dma_wait3A_974 = arith.constant 0 : i32
        %dma_wait3A_975 = arith.constant 0 : i32
        %dma_wait3A_976 = arith.constant 0 : i32
        %dma_wait3A_977 = tpu.memref_slice %arg6[%dma_wait3A_973, %dma_wait3A_974, %dma_wait3A_975, %dma_wait3A_976] : memref<4x8x50x64xf32, #tpu.memory_space<vmem>> -> memref<1x8x50x64xf32, #tpu.memory_space<vmem>>
        %dma_wait3A_978 = tpu.memref_squeeze %dma_wait3A_977 : memref<1x8x50x64xf32, #tpu.memory_space<vmem>> -> memref<8x50x64xf32, #tpu.memory_space<vmem>>
        %dma_wait3A_979 = arith.constant 0 : i32
        %dma_wait3A_980 = arith.constant 0 : i32
        %dma_wait3A_981 = tpu.memref_slice %arg4[%add3A_972, %dma_wait3A_979, %dma_wait3A_980] : memref<16384x50x64xf32, #tpu.memory_space<hbm>> -> memref<8x50x64xf32, #tpu.memory_space<hbm>>
        %dma_wait3A_982 = arith.constant 0 : i32
        %dma_wait3A_983 = arith.constant 0 : i32
        %dma_wait3A_984 = tpu.memref_slice %arg4[%add3A_972, %dma_wait3A_982, %dma_wait3A_983] : memref<16384x50x64xf32, #tpu.memory_space<hbm>> -> memref<8x50x64xf32, #tpu.memory_space<hbm>>
        %dma_wait3A_985 = arith.constant 0 : i32
        %dma_wait3A_986 = arith.constant 0 : i32
        %dma_wait3A_987 = arith.constant 0 : i32
        %dma_wait3A_988 = tpu.memref_slice %arg6[%dma_wait3A_973, %dma_wait3A_985, %dma_wait3A_986, %dma_wait3A_987] : memref<4x8x50x64xf32, #tpu.memory_space<vmem>> -> memref<1x8x50x64xf32, #tpu.memory_space<vmem>>
        %dma_wait3A_989 = tpu.memref_squeeze %dma_wait3A_988 : memref<1x8x50x64xf32, #tpu.memory_space<vmem>> -> memref<8x50x64xf32, #tpu.memory_space<vmem>>
        tpu.wait_dma2 semaphore(%arg14 : memref<!tpu.dma_semaphore, #tpu.memory_space<semaphore_mem>>) src(%dma_wait3A_989 : memref<8x50x64xf32, #tpu.memory_space<vmem>>) dst(%dma_wait3A_984 : memref<8x50x64xf32, #tpu.memory_space<hbm>>)
      } else {
      }
      %add3A_510 = arith.constant 4 : i32
      %add3A_511 = arith.addi %add3A_375, %add3A_510 : i32
      %sub3A = arith.constant 1 : i32
      %sub3A_512 = arith.subi %add3A_511, %sub3A : i32
      %lt3A = arith.constant 64 : i32
      %lt3A_513 = arith.cmpi slt, %sub3A_512, %lt3A : i32
      %convert_element_type3A_514 = arith.extui %lt3A_513 : i1 to i32
      %cond3A_515 = arith.constant 0 : i32
      %cond3A_516 = arith.cmpi ne, %convert_element_type3A_514, %cond3A_515 : i32
      scf.if %cond3A_516 {
        %add3A_968 = arith.constant 4 : i32
        %add3A_969 = arith.addi %add3A_375, %add3A_968 : i32
        %sub3A_970 = arith.constant 1 : i32
        %sub3A_971 = arith.subi %add3A_969, %sub3A_970 : i32
        %mul3A_972 = arith.constant 8 : i32
        %mul3A_973 = arith.muli %sub3A_971, %mul3A_972 : i32
        %add3A_974 = arith.addi %mul3A_2, %mul3A_973 : i32
        %run_scoped3A_975 = arith.constant 3 : i32
        "tpu.region"() ({
          %run_scoped3A_1088 = tpu.sem_alloc : memref<!tpu.dma_semaphore, #tpu.memory_space<semaphore_mem>>
          %dma_start3A_1089 = arith.constant 0 : i32
          %dma_start3A_1090 = arith.constant 0 : i32
          %dma_start3A_1091 = tpu.memref_slice %arg5[%run_scoped3A_975, %dma_start3A_1089, %dma_start3A_1090] : memref<4x8x50xi32, #tpu.memory_space<vmem>> -> memref<1x8x50xi32, #tpu.memory_space<vmem>>
          %dma_start3A_1092 = tpu.memref_squeeze %dma_start3A_1091 : memref<1x8x50xi32, #tpu.memory_space<vmem>> -> memref<8x50xi32, #tpu.memory_space<vmem>>
          %dma_start3A_1093 = arith.constant 0 : i32
          %dma_start3A_1094 = tpu.memref_slice %arg2[%add3A_974, %dma_start3A_1093] : memref<16384x50xi32, #tpu.memory_space<hbm>> -> memref<8x50xi32, #tpu.memory_space<hbm>>
          %dma_start3A_1095 = arith.constant 0 : i32
          %dma_start3A_1096 = arith.constant 0 : i32
          %dma_start3A_1097 = tpu.memref_slice %arg5[%run_scoped3A_975, %dma_start3A_1095, %dma_start3A_1096] : memref<4x8x50xi32, #tpu.memory_space<vmem>> -> memref<1x8x50xi32, #tpu.memory_space<vmem>>
          %dma_start3A_1098 = tpu.memref_squeeze %dma_start3A_1097 : memref<1x8x50xi32, #tpu.memory_space<vmem>> -> memref<8x50xi32, #tpu.memory_space<vmem>>
          %dma_start3A_1099 = arith.constant 0 : i32
          %dma_start3A_1100 = tpu.memref_slice %arg2[%add3A_974, %dma_start3A_1099] : memref<16384x50xi32, #tpu.memory_space<hbm>> -> memref<8x50xi32, #tpu.memory_space<hbm>>
          tpu.enqueue_dma source(%dma_start3A_1100 : memref<8x50xi32, #tpu.memory_space<hbm>>) target(%dma_start3A_1098 : memref<8x50xi32, #tpu.memory_space<vmem>>) target_semaphore(%run_scoped3A_1088 : memref<!tpu.dma_semaphore, #tpu.memory_space<semaphore_mem>>)
          %dma_wait3A_1101 = arith.constant 0 : i32
          %dma_wait3A_1102 = arith.constant 0 : i32
          %dma_wait3A_1103 = tpu.memref_slice %arg5[%run_scoped3A_975, %dma_wait3A_1101, %dma_wait3A_1102] : memref<4x8x50xi32, #tpu.memory_space<vmem>> -> memref<1x8x50xi32, #tpu.memory_space<vmem>>
          %dma_wait3A_1104 = tpu.memref_squeeze %dma_wait3A_1103 : memref<1x8x50xi32, #tpu.memory_space<vmem>> -> memref<8x50xi32, #tpu.memory_space<vmem>>
          %dma_wait3A_1105 = arith.constant 0 : i32
          %dma_wait3A_1106 = tpu.memref_slice %arg2[%add3A_974, %dma_wait3A_1105] : memref<16384x50xi32, #tpu.memory_space<hbm>> -> memref<8x50xi32, #tpu.memory_space<hbm>>
          %dma_wait3A_1107 = arith.constant 0 : i32
          %dma_wait3A_1108 = arith.constant 0 : i32
          %dma_wait3A_1109 = tpu.memref_slice %arg5[%run_scoped3A_975, %dma_wait3A_1107, %dma_wait3A_1108] : memref<4x8x50xi32, #tpu.memory_space<vmem>> -> memref<1x8x50xi32, #tpu.memory_space<vmem>>
          %dma_wait3A_1110 = tpu.memref_squeeze %dma_wait3A_1109 : memref<1x8x50xi32, #tpu.memory_space<vmem>> -> memref<8x50xi32, #tpu.memory_space<vmem>>
          %dma_wait3A_1111 = arith.constant 0 : i32
          %dma_wait3A_1112 = tpu.memref_slice %arg2[%add3A_974, %dma_wait3A_1111] : memref<16384x50xi32, #tpu.memory_space<hbm>> -> memref<8x50xi32, #tpu.memory_space<hbm>>
          tpu.wait_dma2 semaphore(%run_scoped3A_1088 : memref<!tpu.dma_semaphore, #tpu.memory_space<semaphore_mem>>) src(%dma_wait3A_1112 : memref<8x50xi32, #tpu.memory_space<hbm>>) dst(%dma_wait3A_1110 : memref<8x50xi32, #tpu.memory_space<vmem>>)
          tpu.yield
        }) : () -> ()
        %dma_start3A_976 = arith.constant 3 : i32
        %dma_start3A_977 = arith.constant 0 : i32
        %dma_start3A_978 = arith.constant 3 : i32
        %dma_start3A_979 = arith.constant 0 : i32
        %dma_start3A_980 = arith.constant 0 : i32
        %dma_start3A_981 = arith.constant 0 : i32
        %dma_start3A_982 = tpu.memref_slice %arg6[%dma_start3A_978, %dma_start3A_979, %dma_start3A_980, %dma_start3A_981] : memref<4x8x50x64xf32, #tpu.memory_space<vmem>> -> memref<1x1x50x64xf32, #tpu.memory_space<vmem>>
        %dma_start3A_983 = tpu.memref_squeeze %dma_start3A_982 : memref<1x1x50x64xf32, #tpu.memory_space<vmem>> -> memref<50x64xf32, #tpu.memory_space<vmem>>
        %dma_start3A_984 = arith.constant 0 : i32
        %dma_start3A_985 = tpu.memref_slice %arg5[%dma_start3A_976, %dma_start3A_977, %dma_start3A_984] : memref<4x8x50xi32, #tpu.memory_space<vmem>> -> memref<1x1x50xi32, #tpu.memory_space<vmem>>
        %dma_start3A_986 = tpu.memref_squeeze %dma_start3A_985 : memref<1x1x50xi32, #tpu.memory_space<vmem>> -> memref<50xi32, #tpu.memory_space<vmem>>
        %dma_start3A_987 = arith.constant 0 : i32
        %dma_start3A_988 = arith.constant 0 : i32
        %dma_start3A_989 = tpu.memref_slice %arg3[%dma_start3A_987, %dma_start3A_988] : memref<1000000x64xf32, #tpu.memory_space<hbm>> -> memref<1000000x64xf32, #tpu.memory_space<hbm>>
        tpu.enqueue_indirect_dma source(%dma_start3A_989 : memref<1000000x64xf32, #tpu.memory_space<hbm>>) target(%dma_start3A_983 : memref<50x64xf32, #tpu.memory_space<vmem>>) offsets(%dma_start3A_986 : memref<50xi32, #tpu.memory_space<vmem>>) semaphore(%arg10 : memref<!tpu.dma_semaphore, #tpu.memory_space<semaphore_mem>>)
        %dma_start3A_990 = arith.constant 3 : i32
        %dma_start3A_991 = arith.constant 1 : i32
        %dma_start3A_992 = arith.constant 3 : i32
        %dma_start3A_993 = arith.constant 1 : i32
        %dma_start3A_994 = arith.constant 0 : i32
        %dma_start3A_995 = arith.constant 0 : i32
        %dma_start3A_996 = tpu.memref_slice %arg6[%dma_start3A_992, %dma_start3A_993, %dma_start3A_994, %dma_start3A_995] : memref<4x8x50x64xf32, #tpu.memory_space<vmem>> -> memref<1x1x50x64xf32, #tpu.memory_space<vmem>>
        %dma_start3A_997 = tpu.memref_squeeze %dma_start3A_996 : memref<1x1x50x64xf32, #tpu.memory_space<vmem>> -> memref<50x64xf32, #tpu.memory_space<vmem>>
        %dma_start3A_998 = arith.constant 0 : i32
        %dma_start3A_999 = tpu.memref_slice %arg5[%dma_start3A_990, %dma_start3A_991, %dma_start3A_998] : memref<4x8x50xi32, #tpu.memory_space<vmem>> -> memref<1x1x50xi32, #tpu.memory_space<vmem>>
        %dma_start3A_1000 = tpu.memref_squeeze %dma_start3A_999 : memref<1x1x50xi32, #tpu.memory_space<vmem>> -> memref<50xi32, #tpu.memory_space<vmem>>
        %dma_start3A_1001 = arith.constant 0 : i32
        %dma_start3A_1002 = arith.constant 0 : i32
        %dma_start3A_1003 = tpu.memref_slice %arg3[%dma_start3A_1001, %dma_start3A_1002] : memref<1000000x64xf32, #tpu.memory_space<hbm>> -> memref<1000000x64xf32, #tpu.memory_space<hbm>>
        tpu.enqueue_indirect_dma source(%dma_start3A_1003 : memref<1000000x64xf32, #tpu.memory_space<hbm>>) target(%dma_start3A_997 : memref<50x64xf32, #tpu.memory_space<vmem>>) offsets(%dma_start3A_1000 : memref<50xi32, #tpu.memory_space<vmem>>) semaphore(%arg10 : memref<!tpu.dma_semaphore, #tpu.memory_space<semaphore_mem>>)
        %dma_start3A_1004 = arith.constant 3 : i32
        %dma_start3A_1005 = arith.constant 2 : i32
        %dma_start3A_1006 = arith.constant 3 : i32
        %dma_start3A_1007 = arith.constant 2 : i32
        %dma_start3A_1008 = arith.constant 0 : i32
        %dma_start3A_1009 = arith.constant 0 : i32
        %dma_start3A_1010 = tpu.memref_slice %arg6[%dma_start3A_1006, %dma_start3A_1007, %dma_start3A_1008, %dma_start3A_1009] : memref<4x8x50x64xf32, #tpu.memory_space<vmem>> -> memref<1x1x50x64xf32, #tpu.memory_space<vmem>>
        %dma_start3A_1011 = tpu.memref_squeeze %dma_start3A_1010 : memref<1x1x50x64xf32, #tpu.memory_space<vmem>> -> memref<50x64xf32, #tpu.memory_space<vmem>>
        %dma_start3A_1012 = arith.constant 0 : i32
        %dma_start3A_1013 = tpu.memref_slice %arg5[%dma_start3A_1004, %dma_start3A_1005, %dma_start3A_1012] : memref<4x8x50xi32, #tpu.memory_space<vmem>> -> memref<1x1x50xi32, #tpu.memory_space<vmem>>
        %dma_start3A_1014 = tpu.memref_squeeze %dma_start3A_1013 : memref<1x1x50xi32, #tpu.memory_space<vmem>> -> memref<50xi32, #tpu.memory_space<vmem>>
        %dma_start3A_1015 = arith.constant 0 : i32
        %dma_start3A_1016 = arith.constant 0 : i32
        %dma_start3A_1017 = tpu.memref_slice %arg3[%dma_start3A_1015, %dma_start3A_1016] : memref<1000000x64xf32, #tpu.memory_space<hbm>> -> memref<1000000x64xf32, #tpu.memory_space<hbm>>
        tpu.enqueue_indirect_dma source(%dma_start3A_1017 : memref<1000000x64xf32, #tpu.memory_space<hbm>>) target(%dma_start3A_1011 : memref<50x64xf32, #tpu.memory_space<vmem>>) offsets(%dma_start3A_1014 : memref<50xi32, #tpu.memory_space<vmem>>) semaphore(%arg10 : memref<!tpu.dma_semaphore, #tpu.memory_space<semaphore_mem>>)
        %dma_start3A_1018 = arith.constant 3 : i32
        %dma_start3A_1019 = arith.constant 3 : i32
        %dma_start3A_1020 = arith.constant 3 : i32
        %dma_start3A_1021 = arith.constant 3 : i32
        %dma_start3A_1022 = arith.constant 0 : i32
        %dma_start3A_1023 = arith.constant 0 : i32
        %dma_start3A_1024 = tpu.memref_slice %arg6[%dma_start3A_1020, %dma_start3A_1021, %dma_start3A_1022, %dma_start3A_1023] : memref<4x8x50x64xf32, #tpu.memory_space<vmem>> -> memref<1x1x50x64xf32, #tpu.memory_space<vmem>>
        %dma_start3A_1025 = tpu.memref_squeeze %dma_start3A_1024 : memref<1x1x50x64xf32, #tpu.memory_space<vmem>> -> memref<50x64xf32, #tpu.memory_space<vmem>>
        %dma_start3A_1026 = arith.constant 0 : i32
        %dma_start3A_1027 = tpu.memref_slice %arg5[%dma_start3A_1018, %dma_start3A_1019, %dma_start3A_1026] : memref<4x8x50xi32, #tpu.memory_space<vmem>> -> memref<1x1x50xi32, #tpu.memory_space<vmem>>
        %dma_start3A_1028 = tpu.memref_squeeze %dma_start3A_1027 : memref<1x1x50xi32, #tpu.memory_space<vmem>> -> memref<50xi32, #tpu.memory_space<vmem>>
        %dma_start3A_1029 = arith.constant 0 : i32
        %dma_start3A_1030 = arith.constant 0 : i32
        %dma_start3A_1031 = tpu.memref_slice %arg3[%dma_start3A_1029, %dma_start3A_1030] : memref<1000000x64xf32, #tpu.memory_space<hbm>> -> memref<1000000x64xf32, #tpu.memory_space<hbm>>
        tpu.enqueue_indirect_dma source(%dma_start3A_1031 : memref<1000000x64xf32, #tpu.memory_space<hbm>>) target(%dma_start3A_1025 : memref<50x64xf32, #tpu.memory_space<vmem>>) offsets(%dma_start3A_1028 : memref<50xi32, #tpu.memory_space<vmem>>) semaphore(%arg10 : memref<!tpu.dma_semaphore, #tpu.memory_space<semaphore_mem>>)
        %dma_start3A_1032 = arith.constant 3 : i32
        %dma_start3A_1033 = arith.constant 4 : i32
        %dma_start3A_1034 = arith.constant 3 : i32
        %dma_start3A_1035 = arith.constant 4 : i32
        %dma_start3A_1036 = arith.constant 0 : i32
        %dma_start3A_1037 = arith.constant 0 : i32
        %dma_start3A_1038 = tpu.memref_slice %arg6[%dma_start3A_1034, %dma_start3A_1035, %dma_start3A_1036, %dma_start3A_1037] : memref<4x8x50x64xf32, #tpu.memory_space<vmem>> -> memref<1x1x50x64xf32, #tpu.memory_space<vmem>>
        %dma_start3A_1039 = tpu.memref_squeeze %dma_start3A_1038 : memref<1x1x50x64xf32, #tpu.memory_space<vmem>> -> memref<50x64xf32, #tpu.memory_space<vmem>>
        %dma_start3A_1040 = arith.constant 0 : i32
        %dma_start3A_1041 = tpu.memref_slice %arg5[%dma_start3A_1032, %dma_start3A_1033, %dma_start3A_1040] : memref<4x8x50xi32, #tpu.memory_space<vmem>> -> memref<1x1x50xi32, #tpu.memory_space<vmem>>
        %dma_start3A_1042 = tpu.memref_squeeze %dma_start3A_1041 : memref<1x1x50xi32, #tpu.memory_space<vmem>> -> memref<50xi32, #tpu.memory_space<vmem>>
        %dma_start3A_1043 = arith.constant 0 : i32
        %dma_start3A_1044 = arith.constant 0 : i32
        %dma_start3A_1045 = tpu.memref_slice %arg3[%dma_start3A_1043, %dma_start3A_1044] : memref<1000000x64xf32, #tpu.memory_space<hbm>> -> memref<1000000x64xf32, #tpu.memory_space<hbm>>
        tpu.enqueue_indirect_dma source(%dma_start3A_1045 : memref<1000000x64xf32, #tpu.memory_space<hbm>>) target(%dma_start3A_1039 : memref<50x64xf32, #tpu.memory_space<vmem>>) offsets(%dma_start3A_1042 : memref<50xi32, #tpu.memory_space<vmem>>) semaphore(%arg10 : memref<!tpu.dma_semaphore, #tpu.memory_space<semaphore_mem>>)
        %dma_start3A_1046 = arith.constant 3 : i32
        %dma_start3A_1047 = arith.constant 5 : i32
        %dma_start3A_1048 = arith.constant 3 : i32
        %dma_start3A_1049 = arith.constant 5 : i32
        %dma_start3A_1050 = arith.constant 0 : i32
        %dma_start3A_1051 = arith.constant 0 : i32
        %dma_start3A_1052 = tpu.memref_slice %arg6[%dma_start3A_1048, %dma_start3A_1049, %dma_start3A_1050, %dma_start3A_1051] : memref<4x8x50x64xf32, #tpu.memory_space<vmem>> -> memref<1x1x50x64xf32, #tpu.memory_space<vmem>>
        %dma_start3A_1053 = tpu.memref_squeeze %dma_start3A_1052 : memref<1x1x50x64xf32, #tpu.memory_space<vmem>> -> memref<50x64xf32, #tpu.memory_space<vmem>>
        %dma_start3A_1054 = arith.constant 0 : i32
        %dma_start3A_1055 = tpu.memref_slice %arg5[%dma_start3A_1046, %dma_start3A_1047, %dma_start3A_1054] : memref<4x8x50xi32, #tpu.memory_space<vmem>> -> memref<1x1x50xi32, #tpu.memory_space<vmem>>
        %dma_start3A_1056 = tpu.memref_squeeze %dma_start3A_1055 : memref<1x1x50xi32, #tpu.memory_space<vmem>> -> memref<50xi32, #tpu.memory_space<vmem>>
        %dma_start3A_1057 = arith.constant 0 : i32
        %dma_start3A_1058 = arith.constant 0 : i32
        %dma_start3A_1059 = tpu.memref_slice %arg3[%dma_start3A_1057, %dma_start3A_1058] : memref<1000000x64xf32, #tpu.memory_space<hbm>> -> memref<1000000x64xf32, #tpu.memory_space<hbm>>
        tpu.enqueue_indirect_dma source(%dma_start3A_1059 : memref<1000000x64xf32, #tpu.memory_space<hbm>>) target(%dma_start3A_1053 : memref<50x64xf32, #tpu.memory_space<vmem>>) offsets(%dma_start3A_1056 : memref<50xi32, #tpu.memory_space<vmem>>) semaphore(%arg10 : memref<!tpu.dma_semaphore, #tpu.memory_space<semaphore_mem>>)
        %dma_start3A_1060 = arith.constant 3 : i32
        %dma_start3A_1061 = arith.constant 6 : i32
        %dma_start3A_1062 = arith.constant 3 : i32
        %dma_start3A_1063 = arith.constant 6 : i32
        %dma_start3A_1064 = arith.constant 0 : i32
        %dma_start3A_1065 = arith.constant 0 : i32
        %dma_start3A_1066 = tpu.memref_slice %arg6[%dma_start3A_1062, %dma_start3A_1063, %dma_start3A_1064, %dma_start3A_1065] : memref<4x8x50x64xf32, #tpu.memory_space<vmem>> -> memref<1x1x50x64xf32, #tpu.memory_space<vmem>>
        %dma_start3A_1067 = tpu.memref_squeeze %dma_start3A_1066 : memref<1x1x50x64xf32, #tpu.memory_space<vmem>> -> memref<50x64xf32, #tpu.memory_space<vmem>>
        %dma_start3A_1068 = arith.constant 0 : i32
        %dma_start3A_1069 = tpu.memref_slice %arg5[%dma_start3A_1060, %dma_start3A_1061, %dma_start3A_1068] : memref<4x8x50xi32, #tpu.memory_space<vmem>> -> memref<1x1x50xi32, #tpu.memory_space<vmem>>
        %dma_start3A_1070 = tpu.memref_squeeze %dma_start3A_1069 : memref<1x1x50xi32, #tpu.memory_space<vmem>> -> memref<50xi32, #tpu.memory_space<vmem>>
        %dma_start3A_1071 = arith.constant 0 : i32
        %dma_start3A_1072 = arith.constant 0 : i32
        %dma_start3A_1073 = tpu.memref_slice %arg3[%dma_start3A_1071, %dma_start3A_1072] : memref<1000000x64xf32, #tpu.memory_space<hbm>> -> memref<1000000x64xf32, #tpu.memory_space<hbm>>
        tpu.enqueue_indirect_dma source(%dma_start3A_1073 : memref<1000000x64xf32, #tpu.memory_space<hbm>>) target(%dma_start3A_1067 : memref<50x64xf32, #tpu.memory_space<vmem>>) offsets(%dma_start3A_1070 : memref<50xi32, #tpu.memory_space<vmem>>) semaphore(%arg10 : memref<!tpu.dma_semaphore, #tpu.memory_space<semaphore_mem>>)
        %dma_start3A_1074 = arith.constant 3 : i32
        %dma_start3A_1075 = arith.constant 7 : i32
        %dma_start3A_1076 = arith.constant 3 : i32
        %dma_start3A_1077 = arith.constant 7 : i32
        %dma_start3A_1078 = arith.constant 0 : i32
        %dma_start3A_1079 = arith.constant 0 : i32
        %dma_start3A_1080 = tpu.memref_slice %arg6[%dma_start3A_1076, %dma_start3A_1077, %dma_start3A_1078, %dma_start3A_1079] : memref<4x8x50x64xf32, #tpu.memory_space<vmem>> -> memref<1x1x50x64xf32, #tpu.memory_space<vmem>>
        %dma_start3A_1081 = tpu.memref_squeeze %dma_start3A_1080 : memref<1x1x50x64xf32, #tpu.memory_space<vmem>> -> memref<50x64xf32, #tpu.memory_space<vmem>>
        %dma_start3A_1082 = arith.constant 0 : i32
        %dma_start3A_1083 = tpu.memref_slice %arg5[%dma_start3A_1074, %dma_start3A_1075, %dma_start3A_1082] : memref<4x8x50xi32, #tpu.memory_space<vmem>> -> memref<1x1x50xi32, #tpu.memory_space<vmem>>
        %dma_start3A_1084 = tpu.memref_squeeze %dma_start3A_1083 : memref<1x1x50xi32, #tpu.memory_space<vmem>> -> memref<50xi32, #tpu.memory_space<vmem>>
        %dma_start3A_1085 = arith.constant 0 : i32
        %dma_start3A_1086 = arith.constant 0 : i32
        %dma_start3A_1087 = tpu.memref_slice %arg3[%dma_start3A_1085, %dma_start3A_1086] : memref<1000000x64xf32, #tpu.memory_space<hbm>> -> memref<1000000x64xf32, #tpu.memory_space<hbm>>
        tpu.enqueue_indirect_dma source(%dma_start3A_1087 : memref<1000000x64xf32, #tpu.memory_space<hbm>>) target(%dma_start3A_1081 : memref<50x64xf32, #tpu.memory_space<vmem>>) offsets(%dma_start3A_1084 : memref<50xi32, #tpu.memory_space<vmem>>) semaphore(%arg10 : memref<!tpu.dma_semaphore, #tpu.memory_space<semaphore_mem>>)
      } else {
      }
      %mul3A_517 = arith.constant 4 : i32
      %mul3A_518 = arith.muli %scan3A_370, %mul3A_517 : i32
      %add3A_519 = arith.constant 1 : i32
      %add3A_520 = arith.addi %mul3A_518, %add3A_519 : i32
      %dma_wait3A_521 = arith.constant 1 : i32
      %dma_wait3A_522 = arith.constant 0 : i32
      %dma_wait3A_523 = arith.constant 1 : i32
      %dma_wait3A_524 = arith.constant 0 : i32
      %dma_wait3A_525 = arith.constant 0 : i32
      %dma_wait3A_526 = arith.constant 0 : i32
      %dma_wait3A_527 = tpu.memref_slice %arg6[%dma_wait3A_523, %dma_wait3A_524, %dma_wait3A_525, %dma_wait3A_526] : memref<4x8x50x64xf32, #tpu.memory_space<vmem>> -> memref<1x1x50x64xf32, #tpu.memory_space<vmem>>
      %dma_wait3A_528 = tpu.memref_squeeze %dma_wait3A_527 : memref<1x1x50x64xf32, #tpu.memory_space<vmem>> -> memref<50x64xf32, #tpu.memory_space<vmem>>
      %dma_wait3A_529 = arith.constant 0 : i32
      %dma_wait3A_530 = tpu.memref_slice %arg5[%dma_wait3A_521, %dma_wait3A_522, %dma_wait3A_529] : memref<4x8x50xi32, #tpu.memory_space<vmem>> -> memref<1x1x50xi32, #tpu.memory_space<vmem>>
      %dma_wait3A_531 = tpu.memref_squeeze %dma_wait3A_530 : memref<1x1x50xi32, #tpu.memory_space<vmem>> -> memref<50xi32, #tpu.memory_space<vmem>>
      %dma_wait3A_532 = arith.constant 0 : i32
      %dma_wait3A_533 = arith.constant 0 : i32
      %dma_wait3A_534 = tpu.memref_slice %arg3[%dma_wait3A_532, %dma_wait3A_533] : memref<1000000x64xf32, #tpu.memory_space<hbm>> -> memref<1000000x64xf32, #tpu.memory_space<hbm>>
      tpu.wait_indirect_dma semaphore(%arg8 : memref<!tpu.dma_semaphore, #tpu.memory_space<semaphore_mem>>) src(%dma_wait3A_534 : memref<1000000x64xf32, #tpu.memory_space<hbm>>) dst(%dma_wait3A_528 : memref<50x64xf32, #tpu.memory_space<vmem>>)
      %dma_wait3A_535 = arith.constant 1 : i32
      %dma_wait3A_536 = arith.constant 1 : i32
      %dma_wait3A_537 = arith.constant 1 : i32
      %dma_wait3A_538 = arith.constant 1 : i32
      %dma_wait3A_539 = arith.constant 0 : i32
      %dma_wait3A_540 = arith.constant 0 : i32
      %dma_wait3A_541 = tpu.memref_slice %arg6[%dma_wait3A_537, %dma_wait3A_538, %dma_wait3A_539, %dma_wait3A_540] : memref<4x8x50x64xf32, #tpu.memory_space<vmem>> -> memref<1x1x50x64xf32, #tpu.memory_space<vmem>>
      %dma_wait3A_542 = tpu.memref_squeeze %dma_wait3A_541 : memref<1x1x50x64xf32, #tpu.memory_space<vmem>> -> memref<50x64xf32, #tpu.memory_space<vmem>>
      %dma_wait3A_543 = arith.constant 0 : i32
      %dma_wait3A_544 = tpu.memref_slice %arg5[%dma_wait3A_535, %dma_wait3A_536, %dma_wait3A_543] : memref<4x8x50xi32, #tpu.memory_space<vmem>> -> memref<1x1x50xi32, #tpu.memory_space<vmem>>
      %dma_wait3A_545 = tpu.memref_squeeze %dma_wait3A_544 : memref<1x1x50xi32, #tpu.memory_space<vmem>> -> memref<50xi32, #tpu.memory_space<vmem>>
      %dma_wait3A_546 = arith.constant 0 : i32
      %dma_wait3A_547 = arith.constant 0 : i32
      %dma_wait3A_548 = tpu.memref_slice %arg3[%dma_wait3A_546, %dma_wait3A_547] : memref<1000000x64xf32, #tpu.memory_space<hbm>> -> memref<1000000x64xf32, #tpu.memory_space<hbm>>
      tpu.wait_indirect_dma semaphore(%arg8 : memref<!tpu.dma_semaphore, #tpu.memory_space<semaphore_mem>>) src(%dma_wait3A_548 : memref<1000000x64xf32, #tpu.memory_space<hbm>>) dst(%dma_wait3A_542 : memref<50x64xf32, #tpu.memory_space<vmem>>)
      %dma_wait3A_549 = arith.constant 1 : i32
      %dma_wait3A_550 = arith.constant 2 : i32
      %dma_wait3A_551 = arith.constant 1 : i32
      %dma_wait3A_552 = arith.constant 2 : i32
      %dma_wait3A_553 = arith.constant 0 : i32
      %dma_wait3A_554 = arith.constant 0 : i32
      %dma_wait3A_555 = tpu.memref_slice %arg6[%dma_wait3A_551, %dma_wait3A_552, %dma_wait3A_553, %dma_wait3A_554] : memref<4x8x50x64xf32, #tpu.memory_space<vmem>> -> memref<1x1x50x64xf32, #tpu.memory_space<vmem>>
      %dma_wait3A_556 = tpu.memref_squeeze %dma_wait3A_555 : memref<1x1x50x64xf32, #tpu.memory_space<vmem>> -> memref<50x64xf32, #tpu.memory_space<vmem>>
      %dma_wait3A_557 = arith.constant 0 : i32
      %dma_wait3A_558 = tpu.memref_slice %arg5[%dma_wait3A_549, %dma_wait3A_550, %dma_wait3A_557] : memref<4x8x50xi32, #tpu.memory_space<vmem>> -> memref<1x1x50xi32, #tpu.memory_space<vmem>>
      %dma_wait3A_559 = tpu.memref_squeeze %dma_wait3A_558 : memref<1x1x50xi32, #tpu.memory_space<vmem>> -> memref<50xi32, #tpu.memory_space<vmem>>
      %dma_wait3A_560 = arith.constant 0 : i32
      %dma_wait3A_561 = arith.constant 0 : i32
      %dma_wait3A_562 = tpu.memref_slice %arg3[%dma_wait3A_560, %dma_wait3A_561] : memref<1000000x64xf32, #tpu.memory_space<hbm>> -> memref<1000000x64xf32, #tpu.memory_space<hbm>>
      tpu.wait_indirect_dma semaphore(%arg8 : memref<!tpu.dma_semaphore, #tpu.memory_space<semaphore_mem>>) src(%dma_wait3A_562 : memref<1000000x64xf32, #tpu.memory_space<hbm>>) dst(%dma_wait3A_556 : memref<50x64xf32, #tpu.memory_space<vmem>>)
      %dma_wait3A_563 = arith.constant 1 : i32
      %dma_wait3A_564 = arith.constant 3 : i32
      %dma_wait3A_565 = arith.constant 1 : i32
      %dma_wait3A_566 = arith.constant 3 : i32
      %dma_wait3A_567 = arith.constant 0 : i32
      %dma_wait3A_568 = arith.constant 0 : i32
      %dma_wait3A_569 = tpu.memref_slice %arg6[%dma_wait3A_565, %dma_wait3A_566, %dma_wait3A_567, %dma_wait3A_568] : memref<4x8x50x64xf32, #tpu.memory_space<vmem>> -> memref<1x1x50x64xf32, #tpu.memory_space<vmem>>
      %dma_wait3A_570 = tpu.memref_squeeze %dma_wait3A_569 : memref<1x1x50x64xf32, #tpu.memory_space<vmem>> -> memref<50x64xf32, #tpu.memory_space<vmem>>
      %dma_wait3A_571 = arith.constant 0 : i32
      %dma_wait3A_572 = tpu.memref_slice %arg5[%dma_wait3A_563, %dma_wait3A_564, %dma_wait3A_571] : memref<4x8x50xi32, #tpu.memory_space<vmem>> -> memref<1x1x50xi32, #tpu.memory_space<vmem>>
      %dma_wait3A_573 = tpu.memref_squeeze %dma_wait3A_572 : memref<1x1x50xi32, #tpu.memory_space<vmem>> -> memref<50xi32, #tpu.memory_space<vmem>>
      %dma_wait3A_574 = arith.constant 0 : i32
      %dma_wait3A_575 = arith.constant 0 : i32
      %dma_wait3A_576 = tpu.memref_slice %arg3[%dma_wait3A_574, %dma_wait3A_575] : memref<1000000x64xf32, #tpu.memory_space<hbm>> -> memref<1000000x64xf32, #tpu.memory_space<hbm>>
      tpu.wait_indirect_dma semaphore(%arg8 : memref<!tpu.dma_semaphore, #tpu.memory_space<semaphore_mem>>) src(%dma_wait3A_576 : memref<1000000x64xf32, #tpu.memory_space<hbm>>) dst(%dma_wait3A_570 : memref<50x64xf32, #tpu.memory_space<vmem>>)
      %dma_wait3A_577 = arith.constant 1 : i32
      %dma_wait3A_578 = arith.constant 4 : i32
      %dma_wait3A_579 = arith.constant 1 : i32
      %dma_wait3A_580 = arith.constant 4 : i32
      %dma_wait3A_581 = arith.constant 0 : i32
      %dma_wait3A_582 = arith.constant 0 : i32
      %dma_wait3A_583 = tpu.memref_slice %arg6[%dma_wait3A_579, %dma_wait3A_580, %dma_wait3A_581, %dma_wait3A_582] : memref<4x8x50x64xf32, #tpu.memory_space<vmem>> -> memref<1x1x50x64xf32, #tpu.memory_space<vmem>>
      %dma_wait3A_584 = tpu.memref_squeeze %dma_wait3A_583 : memref<1x1x50x64xf32, #tpu.memory_space<vmem>> -> memref<50x64xf32, #tpu.memory_space<vmem>>
      %dma_wait3A_585 = arith.constant 0 : i32
      %dma_wait3A_586 = tpu.memref_slice %arg5[%dma_wait3A_577, %dma_wait3A_578, %dma_wait3A_585] : memref<4x8x50xi32, #tpu.memory_space<vmem>> -> memref<1x1x50xi32, #tpu.memory_space<vmem>>
      %dma_wait3A_587 = tpu.memref_squeeze %dma_wait3A_586 : memref<1x1x50xi32, #tpu.memory_space<vmem>> -> memref<50xi32, #tpu.memory_space<vmem>>
      %dma_wait3A_588 = arith.constant 0 : i32
      %dma_wait3A_589 = arith.constant 0 : i32
      %dma_wait3A_590 = tpu.memref_slice %arg3[%dma_wait3A_588, %dma_wait3A_589] : memref<1000000x64xf32, #tpu.memory_space<hbm>> -> memref<1000000x64xf32, #tpu.memory_space<hbm>>
      tpu.wait_indirect_dma semaphore(%arg8 : memref<!tpu.dma_semaphore, #tpu.memory_space<semaphore_mem>>) src(%dma_wait3A_590 : memref<1000000x64xf32, #tpu.memory_space<hbm>>) dst(%dma_wait3A_584 : memref<50x64xf32, #tpu.memory_space<vmem>>)
      %dma_wait3A_591 = arith.constant 1 : i32
      %dma_wait3A_592 = arith.constant 5 : i32
      %dma_wait3A_593 = arith.constant 1 : i32
      %dma_wait3A_594 = arith.constant 5 : i32
      %dma_wait3A_595 = arith.constant 0 : i32
      %dma_wait3A_596 = arith.constant 0 : i32
      %dma_wait3A_597 = tpu.memref_slice %arg6[%dma_wait3A_593, %dma_wait3A_594, %dma_wait3A_595, %dma_wait3A_596] : memref<4x8x50x64xf32, #tpu.memory_space<vmem>> -> memref<1x1x50x64xf32, #tpu.memory_space<vmem>>
      %dma_wait3A_598 = tpu.memref_squeeze %dma_wait3A_597 : memref<1x1x50x64xf32, #tpu.memory_space<vmem>> -> memref<50x64xf32, #tpu.memory_space<vmem>>
      %dma_wait3A_599 = arith.constant 0 : i32
      %dma_wait3A_600 = tpu.memref_slice %arg5[%dma_wait3A_591, %dma_wait3A_592, %dma_wait3A_599] : memref<4x8x50xi32, #tpu.memory_space<vmem>> -> memref<1x1x50xi32, #tpu.memory_space<vmem>>
      %dma_wait3A_601 = tpu.memref_squeeze %dma_wait3A_600 : memref<1x1x50xi32, #tpu.memory_space<vmem>> -> memref<50xi32, #tpu.memory_space<vmem>>
      %dma_wait3A_602 = arith.constant 0 : i32
      %dma_wait3A_603 = arith.constant 0 : i32
      %dma_wait3A_604 = tpu.memref_slice %arg3[%dma_wait3A_602, %dma_wait3A_603] : memref<1000000x64xf32, #tpu.memory_space<hbm>> -> memref<1000000x64xf32, #tpu.memory_space<hbm>>
      tpu.wait_indirect_dma semaphore(%arg8 : memref<!tpu.dma_semaphore, #tpu.memory_space<semaphore_mem>>) src(%dma_wait3A_604 : memref<1000000x64xf32, #tpu.memory_space<hbm>>) dst(%dma_wait3A_598 : memref<50x64xf32, #tpu.memory_space<vmem>>)
      %dma_wait3A_605 = arith.constant 1 : i32
      %dma_wait3A_606 = arith.constant 6 : i32
      %dma_wait3A_607 = arith.constant 1 : i32
      %dma_wait3A_608 = arith.constant 6 : i32
      %dma_wait3A_609 = arith.constant 0 : i32
      %dma_wait3A_610 = arith.constant 0 : i32
      %dma_wait3A_611 = tpu.memref_slice %arg6[%dma_wait3A_607, %dma_wait3A_608, %dma_wait3A_609, %dma_wait3A_610] : memref<4x8x50x64xf32, #tpu.memory_space<vmem>> -> memref<1x1x50x64xf32, #tpu.memory_space<vmem>>
      %dma_wait3A_612 = tpu.memref_squeeze %dma_wait3A_611 : memref<1x1x50x64xf32, #tpu.memory_space<vmem>> -> memref<50x64xf32, #tpu.memory_space<vmem>>
      %dma_wait3A_613 = arith.constant 0 : i32
      %dma_wait3A_614 = tpu.memref_slice %arg5[%dma_wait3A_605, %dma_wait3A_606, %dma_wait3A_613] : memref<4x8x50xi32, #tpu.memory_space<vmem>> -> memref<1x1x50xi32, #tpu.memory_space<vmem>>
      %dma_wait3A_615 = tpu.memref_squeeze %dma_wait3A_614 : memref<1x1x50xi32, #tpu.memory_space<vmem>> -> memref<50xi32, #tpu.memory_space<vmem>>
      %dma_wait3A_616 = arith.constant 0 : i32
      %dma_wait3A_617 = arith.constant 0 : i32
      %dma_wait3A_618 = tpu.memref_slice %arg3[%dma_wait3A_616, %dma_wait3A_617] : memref<1000000x64xf32, #tpu.memory_space<hbm>> -> memref<1000000x64xf32, #tpu.memory_space<hbm>>
      tpu.wait_indirect_dma semaphore(%arg8 : memref<!tpu.dma_semaphore, #tpu.memory_space<semaphore_mem>>) src(%dma_wait3A_618 : memref<1000000x64xf32, #tpu.memory_space<hbm>>) dst(%dma_wait3A_612 : memref<50x64xf32, #tpu.memory_space<vmem>>)
      %dma_wait3A_619 = arith.constant 1 : i32
      %dma_wait3A_620 = arith.constant 7 : i32
      %dma_wait3A_621 = arith.constant 1 : i32
      %dma_wait3A_622 = arith.constant 7 : i32
      %dma_wait3A_623 = arith.constant 0 : i32
      %dma_wait3A_624 = arith.constant 0 : i32
      %dma_wait3A_625 = tpu.memref_slice %arg6[%dma_wait3A_621, %dma_wait3A_622, %dma_wait3A_623, %dma_wait3A_624] : memref<4x8x50x64xf32, #tpu.memory_space<vmem>> -> memref<1x1x50x64xf32, #tpu.memory_space<vmem>>
      %dma_wait3A_626 = tpu.memref_squeeze %dma_wait3A_625 : memref<1x1x50x64xf32, #tpu.memory_space<vmem>> -> memref<50x64xf32, #tpu.memory_space<vmem>>
      %dma_wait3A_627 = arith.constant 0 : i32
      %dma_wait3A_628 = tpu.memref_slice %arg5[%dma_wait3A_619, %dma_wait3A_620, %dma_wait3A_627] : memref<4x8x50xi32, #tpu.memory_space<vmem>> -> memref<1x1x50xi32, #tpu.memory_space<vmem>>
      %dma_wait3A_629 = tpu.memref_squeeze %dma_wait3A_628 : memref<1x1x50xi32, #tpu.memory_space<vmem>> -> memref<50xi32, #tpu.memory_space<vmem>>
      %dma_wait3A_630 = arith.constant 0 : i32
      %dma_wait3A_631 = arith.constant 0 : i32
      %dma_wait3A_632 = tpu.memref_slice %arg3[%dma_wait3A_630, %dma_wait3A_631] : memref<1000000x64xf32, #tpu.memory_space<hbm>> -> memref<1000000x64xf32, #tpu.memory_space<hbm>>
      tpu.wait_indirect_dma semaphore(%arg8 : memref<!tpu.dma_semaphore, #tpu.memory_space<semaphore_mem>>) src(%dma_wait3A_632 : memref<1000000x64xf32, #tpu.memory_space<hbm>>) dst(%dma_wait3A_626 : memref<50x64xf32, #tpu.memory_space<vmem>>)
      %mul3A_633 = arith.constant 8 : i32
      %mul3A_634 = arith.muli %add3A_520, %mul3A_633 : i32
      %add3A_635 = arith.addi %mul3A_2, %mul3A_634 : i32
      %dma_start3A_636 = arith.constant 1 : i32
      %dma_start3A_637 = arith.constant 0 : i32
      %dma_start3A_638 = arith.constant 0 : i32
      %dma_start3A_639 = arith.constant 0 : i32
      %dma_start3A_640 = tpu.memref_slice %arg6[%dma_start3A_636, %dma_start3A_637, %dma_start3A_638, %dma_start3A_639] : memref<4x8x50x64xf32, #tpu.memory_space<vmem>> -> memref<1x8x50x64xf32, #tpu.memory_space<vmem>>
      %dma_start3A_641 = tpu.memref_squeeze %dma_start3A_640 : memref<1x8x50x64xf32, #tpu.memory_space<vmem>> -> memref<8x50x64xf32, #tpu.memory_space<vmem>>
      %dma_start3A_642 = arith.constant 0 : i32
      %dma_start3A_643 = arith.constant 0 : i32
      %dma_start3A_644 = tpu.memref_slice %arg4[%add3A_635, %dma_start3A_642, %dma_start3A_643] : memref<16384x50x64xf32, #tpu.memory_space<hbm>> -> memref<8x50x64xf32, #tpu.memory_space<hbm>>
      %dma_start3A_645 = arith.constant 0 : i32
      %dma_start3A_646 = arith.constant 0 : i32
      %dma_start3A_647 = tpu.memref_slice %arg4[%add3A_635, %dma_start3A_645, %dma_start3A_646] : memref<16384x50x64xf32, #tpu.memory_space<hbm>> -> memref<8x50x64xf32, #tpu.memory_space<hbm>>
      %dma_start3A_648 = arith.constant 0 : i32
      %dma_start3A_649 = arith.constant 0 : i32
      %dma_start3A_650 = arith.constant 0 : i32
      %dma_start3A_651 = tpu.memref_slice %arg6[%dma_start3A_636, %dma_start3A_648, %dma_start3A_649, %dma_start3A_650] : memref<4x8x50x64xf32, #tpu.memory_space<vmem>> -> memref<1x8x50x64xf32, #tpu.memory_space<vmem>>
      %dma_start3A_652 = tpu.memref_squeeze %dma_start3A_651 : memref<1x8x50x64xf32, #tpu.memory_space<vmem>> -> memref<8x50x64xf32, #tpu.memory_space<vmem>>
      tpu.enqueue_dma source(%dma_start3A_652 : memref<8x50x64xf32, #tpu.memory_space<vmem>>) target(%dma_start3A_647 : memref<8x50x64xf32, #tpu.memory_space<hbm>>) target_semaphore(%arg12 : memref<!tpu.dma_semaphore, #tpu.memory_space<semaphore_mem>>)
      %ge3A_653 = arith.constant 1 : i32
      %ge3A_654 = arith.cmpi sge, %add3A_520, %ge3A_653 : i32
      %convert_element_type3A_655 = arith.extui %ge3A_654 : i1 to i32
      %cond3A_656 = arith.constant 0 : i32
      %cond3A_657 = arith.cmpi ne, %convert_element_type3A_655, %cond3A_656 : i32
      scf.if %cond3A_657 {
        %sub3A_968 = arith.constant 1 : i32
        %sub3A_969 = arith.subi %add3A_520, %sub3A_968 : i32
        %mul3A_970 = arith.constant 8 : i32
        %mul3A_971 = arith.muli %sub3A_969, %mul3A_970 : i32
        %add3A_972 = arith.addi %mul3A_2, %mul3A_971 : i32
        %dma_wait3A_973 = arith.constant 0 : i32
        %dma_wait3A_974 = arith.constant 0 : i32
        %dma_wait3A_975 = arith.constant 0 : i32
        %dma_wait3A_976 = arith.constant 0 : i32
        %dma_wait3A_977 = tpu.memref_slice %arg6[%dma_wait3A_973, %dma_wait3A_974, %dma_wait3A_975, %dma_wait3A_976] : memref<4x8x50x64xf32, #tpu.memory_space<vmem>> -> memref<1x8x50x64xf32, #tpu.memory_space<vmem>>
        %dma_wait3A_978 = tpu.memref_squeeze %dma_wait3A_977 : memref<1x8x50x64xf32, #tpu.memory_space<vmem>> -> memref<8x50x64xf32, #tpu.memory_space<vmem>>
        %dma_wait3A_979 = arith.constant 0 : i32
        %dma_wait3A_980 = arith.constant 0 : i32
        %dma_wait3A_981 = tpu.memref_slice %arg4[%add3A_972, %dma_wait3A_979, %dma_wait3A_980] : memref<16384x50x64xf32, #tpu.memory_space<hbm>> -> memref<8x50x64xf32, #tpu.memory_space<hbm>>
        %dma_wait3A_982 = arith.constant 0 : i32
        %dma_wait3A_983 = arith.constant 0 : i32
        %dma_wait3A_984 = tpu.memref_slice %arg4[%add3A_972, %dma_wait3A_982, %dma_wait3A_983] : memref<16384x50x64xf32, #tpu.memory_space<hbm>> -> memref<8x50x64xf32, #tpu.memory_space<hbm>>
        %dma_wait3A_985 = arith.constant 0 : i32
        %dma_wait3A_986 = arith.constant 0 : i32
        %dma_wait3A_987 = arith.constant 0 : i32
        %dma_wait3A_988 = tpu.memref_slice %arg6[%dma_wait3A_973, %dma_wait3A_985, %dma_wait3A_986, %dma_wait3A_987] : memref<4x8x50x64xf32, #tpu.memory_space<vmem>> -> memref<1x8x50x64xf32, #tpu.memory_space<vmem>>
        %dma_wait3A_989 = tpu.memref_squeeze %dma_wait3A_988 : memref<1x8x50x64xf32, #tpu.memory_space<vmem>> -> memref<8x50x64xf32, #tpu.memory_space<vmem>>
        tpu.wait_dma2 semaphore(%arg11 : memref<!tpu.dma_semaphore, #tpu.memory_space<semaphore_mem>>) src(%dma_wait3A_989 : memref<8x50x64xf32, #tpu.memory_space<vmem>>) dst(%dma_wait3A_984 : memref<8x50x64xf32, #tpu.memory_space<hbm>>)
      } else {
      }
      %add3A_658 = arith.constant 4 : i32
      %add3A_659 = arith.addi %add3A_520, %add3A_658 : i32
      %sub3A_660 = arith.constant 1 : i32
      %sub3A_661 = arith.subi %add3A_659, %sub3A_660 : i32
      %lt3A_662 = arith.constant 64 : i32
      %lt3A_663 = arith.cmpi slt, %sub3A_661, %lt3A_662 : i32
      %convert_element_type3A_664 = arith.extui %lt3A_663 : i1 to i32
      %cond3A_665 = arith.constant 0 : i32
      %cond3A_666 = arith.cmpi ne, %convert_element_type3A_664, %cond3A_665 : i32
      scf.if %cond3A_666 {
        %add3A_968 = arith.constant 4 : i32
        %add3A_969 = arith.addi %add3A_520, %add3A_968 : i32
        %sub3A_970 = arith.constant 1 : i32
        %sub3A_971 = arith.subi %add3A_969, %sub3A_970 : i32
        %mul3A_972 = arith.constant 8 : i32
        %mul3A_973 = arith.muli %sub3A_971, %mul3A_972 : i32
        %add3A_974 = arith.addi %mul3A_2, %mul3A_973 : i32
        %run_scoped3A_975 = arith.constant 0 : i32
        "tpu.region"() ({
          %run_scoped3A_1088 = tpu.sem_alloc : memref<!tpu.dma_semaphore, #tpu.memory_space<semaphore_mem>>
          %dma_start3A_1089 = arith.constant 0 : i32
          %dma_start3A_1090 = arith.constant 0 : i32
          %dma_start3A_1091 = tpu.memref_slice %arg5[%run_scoped3A_975, %dma_start3A_1089, %dma_start3A_1090] : memref<4x8x50xi32, #tpu.memory_space<vmem>> -> memref<1x8x50xi32, #tpu.memory_space<vmem>>
          %dma_start3A_1092 = tpu.memref_squeeze %dma_start3A_1091 : memref<1x8x50xi32, #tpu.memory_space<vmem>> -> memref<8x50xi32, #tpu.memory_space<vmem>>
          %dma_start3A_1093 = arith.constant 0 : i32
          %dma_start3A_1094 = tpu.memref_slice %arg2[%add3A_974, %dma_start3A_1093] : memref<16384x50xi32, #tpu.memory_space<hbm>> -> memref<8x50xi32, #tpu.memory_space<hbm>>
          %dma_start3A_1095 = arith.constant 0 : i32
          %dma_start3A_1096 = arith.constant 0 : i32
          %dma_start3A_1097 = tpu.memref_slice %arg5[%run_scoped3A_975, %dma_start3A_1095, %dma_start3A_1096] : memref<4x8x50xi32, #tpu.memory_space<vmem>> -> memref<1x8x50xi32, #tpu.memory_space<vmem>>
          %dma_start3A_1098 = tpu.memref_squeeze %dma_start3A_1097 : memref<1x8x50xi32, #tpu.memory_space<vmem>> -> memref<8x50xi32, #tpu.memory_space<vmem>>
          %dma_start3A_1099 = arith.constant 0 : i32
          %dma_start3A_1100 = tpu.memref_slice %arg2[%add3A_974, %dma_start3A_1099] : memref<16384x50xi32, #tpu.memory_space<hbm>> -> memref<8x50xi32, #tpu.memory_space<hbm>>
          tpu.enqueue_dma source(%dma_start3A_1100 : memref<8x50xi32, #tpu.memory_space<hbm>>) target(%dma_start3A_1098 : memref<8x50xi32, #tpu.memory_space<vmem>>) target_semaphore(%run_scoped3A_1088 : memref<!tpu.dma_semaphore, #tpu.memory_space<semaphore_mem>>)
          %dma_wait3A_1101 = arith.constant 0 : i32
          %dma_wait3A_1102 = arith.constant 0 : i32
          %dma_wait3A_1103 = tpu.memref_slice %arg5[%run_scoped3A_975, %dma_wait3A_1101, %dma_wait3A_1102] : memref<4x8x50xi32, #tpu.memory_space<vmem>> -> memref<1x8x50xi32, #tpu.memory_space<vmem>>
          %dma_wait3A_1104 = tpu.memref_squeeze %dma_wait3A_1103 : memref<1x8x50xi32, #tpu.memory_space<vmem>> -> memref<8x50xi32, #tpu.memory_space<vmem>>
          %dma_wait3A_1105 = arith.constant 0 : i32
          %dma_wait3A_1106 = tpu.memref_slice %arg2[%add3A_974, %dma_wait3A_1105] : memref<16384x50xi32, #tpu.memory_space<hbm>> -> memref<8x50xi32, #tpu.memory_space<hbm>>
          %dma_wait3A_1107 = arith.constant 0 : i32
          %dma_wait3A_1108 = arith.constant 0 : i32
          %dma_wait3A_1109 = tpu.memref_slice %arg5[%run_scoped3A_975, %dma_wait3A_1107, %dma_wait3A_1108] : memref<4x8x50xi32, #tpu.memory_space<vmem>> -> memref<1x8x50xi32, #tpu.memory_space<vmem>>
          %dma_wait3A_1110 = tpu.memref_squeeze %dma_wait3A_1109 : memref<1x8x50xi32, #tpu.memory_space<vmem>> -> memref<8x50xi32, #tpu.memory_space<vmem>>
          %dma_wait3A_1111 = arith.constant 0 : i32
          %dma_wait3A_1112 = tpu.memref_slice %arg2[%add3A_974, %dma_wait3A_1111] : memref<16384x50xi32, #tpu.memory_space<hbm>> -> memref<8x50xi32, #tpu.memory_space<hbm>>
          tpu.wait_dma2 semaphore(%run_scoped3A_1088 : memref<!tpu.dma_semaphore, #tpu.memory_space<semaphore_mem>>) src(%dma_wait3A_1112 : memref<8x50xi32, #tpu.memory_space<hbm>>) dst(%dma_wait3A_1110 : memref<8x50xi32, #tpu.memory_space<vmem>>)
          tpu.yield
        }) : () -> ()
        %dma_start3A_976 = arith.constant 0 : i32
        %dma_start3A_977 = arith.constant 0 : i32
        %dma_start3A_978 = arith.constant 0 : i32
        %dma_start3A_979 = arith.constant 0 : i32
        %dma_start3A_980 = arith.constant 0 : i32
        %dma_start3A_981 = arith.constant 0 : i32
        %dma_start3A_982 = tpu.memref_slice %arg6[%dma_start3A_978, %dma_start3A_979, %dma_start3A_980, %dma_start3A_981] : memref<4x8x50x64xf32, #tpu.memory_space<vmem>> -> memref<1x1x50x64xf32, #tpu.memory_space<vmem>>
        %dma_start3A_983 = tpu.memref_squeeze %dma_start3A_982 : memref<1x1x50x64xf32, #tpu.memory_space<vmem>> -> memref<50x64xf32, #tpu.memory_space<vmem>>
        %dma_start3A_984 = arith.constant 0 : i32
        %dma_start3A_985 = tpu.memref_slice %arg5[%dma_start3A_976, %dma_start3A_977, %dma_start3A_984] : memref<4x8x50xi32, #tpu.memory_space<vmem>> -> memref<1x1x50xi32, #tpu.memory_space<vmem>>
        %dma_start3A_986 = tpu.memref_squeeze %dma_start3A_985 : memref<1x1x50xi32, #tpu.memory_space<vmem>> -> memref<50xi32, #tpu.memory_space<vmem>>
        %dma_start3A_987 = arith.constant 0 : i32
        %dma_start3A_988 = arith.constant 0 : i32
        %dma_start3A_989 = tpu.memref_slice %arg3[%dma_start3A_987, %dma_start3A_988] : memref<1000000x64xf32, #tpu.memory_space<hbm>> -> memref<1000000x64xf32, #tpu.memory_space<hbm>>
        tpu.enqueue_indirect_dma source(%dma_start3A_989 : memref<1000000x64xf32, #tpu.memory_space<hbm>>) target(%dma_start3A_983 : memref<50x64xf32, #tpu.memory_space<vmem>>) offsets(%dma_start3A_986 : memref<50xi32, #tpu.memory_space<vmem>>) semaphore(%arg7 : memref<!tpu.dma_semaphore, #tpu.memory_space<semaphore_mem>>)
        %dma_start3A_990 = arith.constant 0 : i32
        %dma_start3A_991 = arith.constant 1 : i32
        %dma_start3A_992 = arith.constant 0 : i32
        %dma_start3A_993 = arith.constant 1 : i32
        %dma_start3A_994 = arith.constant 0 : i32
        %dma_start3A_995 = arith.constant 0 : i32
        %dma_start3A_996 = tpu.memref_slice %arg6[%dma_start3A_992, %dma_start3A_993, %dma_start3A_994, %dma_start3A_995] : memref<4x8x50x64xf32, #tpu.memory_space<vmem>> -> memref<1x1x50x64xf32, #tpu.memory_space<vmem>>
        %dma_start3A_997 = tpu.memref_squeeze %dma_start3A_996 : memref<1x1x50x64xf32, #tpu.memory_space<vmem>> -> memref<50x64xf32, #tpu.memory_space<vmem>>
        %dma_start3A_998 = arith.constant 0 : i32
        %dma_start3A_999 = tpu.memref_slice %arg5[%dma_start3A_990, %dma_start3A_991, %dma_start3A_998] : memref<4x8x50xi32, #tpu.memory_space<vmem>> -> memref<1x1x50xi32, #tpu.memory_space<vmem>>
        %dma_start3A_1000 = tpu.memref_squeeze %dma_start3A_999 : memref<1x1x50xi32, #tpu.memory_space<vmem>> -> memref<50xi32, #tpu.memory_space<vmem>>
        %dma_start3A_1001 = arith.constant 0 : i32
        %dma_start3A_1002 = arith.constant 0 : i32
        %dma_start3A_1003 = tpu.memref_slice %arg3[%dma_start3A_1001, %dma_start3A_1002] : memref<1000000x64xf32, #tpu.memory_space<hbm>> -> memref<1000000x64xf32, #tpu.memory_space<hbm>>
        tpu.enqueue_indirect_dma source(%dma_start3A_1003 : memref<1000000x64xf32, #tpu.memory_space<hbm>>) target(%dma_start3A_997 : memref<50x64xf32, #tpu.memory_space<vmem>>) offsets(%dma_start3A_1000 : memref<50xi32, #tpu.memory_space<vmem>>) semaphore(%arg7 : memref<!tpu.dma_semaphore, #tpu.memory_space<semaphore_mem>>)
        %dma_start3A_1004 = arith.constant 0 : i32
        %dma_start3A_1005 = arith.constant 2 : i32
        %dma_start3A_1006 = arith.constant 0 : i32
        %dma_start3A_1007 = arith.constant 2 : i32
        %dma_start3A_1008 = arith.constant 0 : i32
        %dma_start3A_1009 = arith.constant 0 : i32
        %dma_start3A_1010 = tpu.memref_slice %arg6[%dma_start3A_1006, %dma_start3A_1007, %dma_start3A_1008, %dma_start3A_1009] : memref<4x8x50x64xf32, #tpu.memory_space<vmem>> -> memref<1x1x50x64xf32, #tpu.memory_space<vmem>>
        %dma_start3A_1011 = tpu.memref_squeeze %dma_start3A_1010 : memref<1x1x50x64xf32, #tpu.memory_space<vmem>> -> memref<50x64xf32, #tpu.memory_space<vmem>>
        %dma_start3A_1012 = arith.constant 0 : i32
        %dma_start3A_1013 = tpu.memref_slice %arg5[%dma_start3A_1004, %dma_start3A_1005, %dma_start3A_1012] : memref<4x8x50xi32, #tpu.memory_space<vmem>> -> memref<1x1x50xi32, #tpu.memory_space<vmem>>
        %dma_start3A_1014 = tpu.memref_squeeze %dma_start3A_1013 : memref<1x1x50xi32, #tpu.memory_space<vmem>> -> memref<50xi32, #tpu.memory_space<vmem>>
        %dma_start3A_1015 = arith.constant 0 : i32
        %dma_start3A_1016 = arith.constant 0 : i32
        %dma_start3A_1017 = tpu.memref_slice %arg3[%dma_start3A_1015, %dma_start3A_1016] : memref<1000000x64xf32, #tpu.memory_space<hbm>> -> memref<1000000x64xf32, #tpu.memory_space<hbm>>
        tpu.enqueue_indirect_dma source(%dma_start3A_1017 : memref<1000000x64xf32, #tpu.memory_space<hbm>>) target(%dma_start3A_1011 : memref<50x64xf32, #tpu.memory_space<vmem>>) offsets(%dma_start3A_1014 : memref<50xi32, #tpu.memory_space<vmem>>) semaphore(%arg7 : memref<!tpu.dma_semaphore, #tpu.memory_space<semaphore_mem>>)
        %dma_start3A_1018 = arith.constant 0 : i32
        %dma_start3A_1019 = arith.constant 3 : i32
        %dma_start3A_1020 = arith.constant 0 : i32
        %dma_start3A_1021 = arith.constant 3 : i32
        %dma_start3A_1022 = arith.constant 0 : i32
        %dma_start3A_1023 = arith.constant 0 : i32
        %dma_start3A_1024 = tpu.memref_slice %arg6[%dma_start3A_1020, %dma_start3A_1021, %dma_start3A_1022, %dma_start3A_1023] : memref<4x8x50x64xf32, #tpu.memory_space<vmem>> -> memref<1x1x50x64xf32, #tpu.memory_space<vmem>>
        %dma_start3A_1025 = tpu.memref_squeeze %dma_start3A_1024 : memref<1x1x50x64xf32, #tpu.memory_space<vmem>> -> memref<50x64xf32, #tpu.memory_space<vmem>>
        %dma_start3A_1026 = arith.constant 0 : i32
        %dma_start3A_1027 = tpu.memref_slice %arg5[%dma_start3A_1018, %dma_start3A_1019, %dma_start3A_1026] : memref<4x8x50xi32, #tpu.memory_space<vmem>> -> memref<1x1x50xi32, #tpu.memory_space<vmem>>
        %dma_start3A_1028 = tpu.memref_squeeze %dma_start3A_1027 : memref<1x1x50xi32, #tpu.memory_space<vmem>> -> memref<50xi32, #tpu.memory_space<vmem>>
        %dma_start3A_1029 = arith.constant 0 : i32
        %dma_start3A_1030 = arith.constant 0 : i32
        %dma_start3A_1031 = tpu.memref_slice %arg3[%dma_start3A_1029, %dma_start3A_1030] : memref<1000000x64xf32, #tpu.memory_space<hbm>> -> memref<1000000x64xf32, #tpu.memory_space<hbm>>
        tpu.enqueue_indirect_dma source(%dma_start3A_1031 : memref<1000000x64xf32, #tpu.memory_space<hbm>>) target(%dma_start3A_1025 : memref<50x64xf32, #tpu.memory_space<vmem>>) offsets(%dma_start3A_1028 : memref<50xi32, #tpu.memory_space<vmem>>) semaphore(%arg7 : memref<!tpu.dma_semaphore, #tpu.memory_space<semaphore_mem>>)
        %dma_start3A_1032 = arith.constant 0 : i32
        %dma_start3A_1033 = arith.constant 4 : i32
        %dma_start3A_1034 = arith.constant 0 : i32
        %dma_start3A_1035 = arith.constant 4 : i32
        %dma_start3A_1036 = arith.constant 0 : i32
        %dma_start3A_1037 = arith.constant 0 : i32
        %dma_start3A_1038 = tpu.memref_slice %arg6[%dma_start3A_1034, %dma_start3A_1035, %dma_start3A_1036, %dma_start3A_1037] : memref<4x8x50x64xf32, #tpu.memory_space<vmem>> -> memref<1x1x50x64xf32, #tpu.memory_space<vmem>>
        %dma_start3A_1039 = tpu.memref_squeeze %dma_start3A_1038 : memref<1x1x50x64xf32, #tpu.memory_space<vmem>> -> memref<50x64xf32, #tpu.memory_space<vmem>>
        %dma_start3A_1040 = arith.constant 0 : i32
        %dma_start3A_1041 = tpu.memref_slice %arg5[%dma_start3A_1032, %dma_start3A_1033, %dma_start3A_1040] : memref<4x8x50xi32, #tpu.memory_space<vmem>> -> memref<1x1x50xi32, #tpu.memory_space<vmem>>
        %dma_start3A_1042 = tpu.memref_squeeze %dma_start3A_1041 : memref<1x1x50xi32, #tpu.memory_space<vmem>> -> memref<50xi32, #tpu.memory_space<vmem>>
        %dma_start3A_1043 = arith.constant 0 : i32
        %dma_start3A_1044 = arith.constant 0 : i32
        %dma_start3A_1045 = tpu.memref_slice %arg3[%dma_start3A_1043, %dma_start3A_1044] : memref<1000000x64xf32, #tpu.memory_space<hbm>> -> memref<1000000x64xf32, #tpu.memory_space<hbm>>
        tpu.enqueue_indirect_dma source(%dma_start3A_1045 : memref<1000000x64xf32, #tpu.memory_space<hbm>>) target(%dma_start3A_1039 : memref<50x64xf32, #tpu.memory_space<vmem>>) offsets(%dma_start3A_1042 : memref<50xi32, #tpu.memory_space<vmem>>) semaphore(%arg7 : memref<!tpu.dma_semaphore, #tpu.memory_space<semaphore_mem>>)
        %dma_start3A_1046 = arith.constant 0 : i32
        %dma_start3A_1047 = arith.constant 5 : i32
        %dma_start3A_1048 = arith.constant 0 : i32
        %dma_start3A_1049 = arith.constant 5 : i32
        %dma_start3A_1050 = arith.constant 0 : i32
        %dma_start3A_1051 = arith.constant 0 : i32
        %dma_start3A_1052 = tpu.memref_slice %arg6[%dma_start3A_1048, %dma_start3A_1049, %dma_start3A_1050, %dma_start3A_1051] : memref<4x8x50x64xf32, #tpu.memory_space<vmem>> -> memref<1x1x50x64xf32, #tpu.memory_space<vmem>>
        %dma_start3A_1053 = tpu.memref_squeeze %dma_start3A_1052 : memref<1x1x50x64xf32, #tpu.memory_space<vmem>> -> memref<50x64xf32, #tpu.memory_space<vmem>>
        %dma_start3A_1054 = arith.constant 0 : i32
        %dma_start3A_1055 = tpu.memref_slice %arg5[%dma_start3A_1046, %dma_start3A_1047, %dma_start3A_1054] : memref<4x8x50xi32, #tpu.memory_space<vmem>> -> memref<1x1x50xi32, #tpu.memory_space<vmem>>
        %dma_start3A_1056 = tpu.memref_squeeze %dma_start3A_1055 : memref<1x1x50xi32, #tpu.memory_space<vmem>> -> memref<50xi32, #tpu.memory_space<vmem>>
        %dma_start3A_1057 = arith.constant 0 : i32
        %dma_start3A_1058 = arith.constant 0 : i32
        %dma_start3A_1059 = tpu.memref_slice %arg3[%dma_start3A_1057, %dma_start3A_1058] : memref<1000000x64xf32, #tpu.memory_space<hbm>> -> memref<1000000x64xf32, #tpu.memory_space<hbm>>
        tpu.enqueue_indirect_dma source(%dma_start3A_1059 : memref<1000000x64xf32, #tpu.memory_space<hbm>>) target(%dma_start3A_1053 : memref<50x64xf32, #tpu.memory_space<vmem>>) offsets(%dma_start3A_1056 : memref<50xi32, #tpu.memory_space<vmem>>) semaphore(%arg7 : memref<!tpu.dma_semaphore, #tpu.memory_space<semaphore_mem>>)
        %dma_start3A_1060 = arith.constant 0 : i32
        %dma_start3A_1061 = arith.constant 6 : i32
        %dma_start3A_1062 = arith.constant 0 : i32
        %dma_start3A_1063 = arith.constant 6 : i32
        %dma_start3A_1064 = arith.constant 0 : i32
        %dma_start3A_1065 = arith.constant 0 : i32
        %dma_start3A_1066 = tpu.memref_slice %arg6[%dma_start3A_1062, %dma_start3A_1063, %dma_start3A_1064, %dma_start3A_1065] : memref<4x8x50x64xf32, #tpu.memory_space<vmem>> -> memref<1x1x50x64xf32, #tpu.memory_space<vmem>>
        %dma_start3A_1067 = tpu.memref_squeeze %dma_start3A_1066 : memref<1x1x50x64xf32, #tpu.memory_space<vmem>> -> memref<50x64xf32, #tpu.memory_space<vmem>>
        %dma_start3A_1068 = arith.constant 0 : i32
        %dma_start3A_1069 = tpu.memref_slice %arg5[%dma_start3A_1060, %dma_start3A_1061, %dma_start3A_1068] : memref<4x8x50xi32, #tpu.memory_space<vmem>> -> memref<1x1x50xi32, #tpu.memory_space<vmem>>
        %dma_start3A_1070 = tpu.memref_squeeze %dma_start3A_1069 : memref<1x1x50xi32, #tpu.memory_space<vmem>> -> memref<50xi32, #tpu.memory_space<vmem>>
        %dma_start3A_1071 = arith.constant 0 : i32
        %dma_start3A_1072 = arith.constant 0 : i32
        %dma_start3A_1073 = tpu.memref_slice %arg3[%dma_start3A_1071, %dma_start3A_1072] : memref<1000000x64xf32, #tpu.memory_space<hbm>> -> memref<1000000x64xf32, #tpu.memory_space<hbm>>
        tpu.enqueue_indirect_dma source(%dma_start3A_1073 : memref<1000000x64xf32, #tpu.memory_space<hbm>>) target(%dma_start3A_1067 : memref<50x64xf32, #tpu.memory_space<vmem>>) offsets(%dma_start3A_1070 : memref<50xi32, #tpu.memory_space<vmem>>) semaphore(%arg7 : memref<!tpu.dma_semaphore, #tpu.memory_space<semaphore_mem>>)
        %dma_start3A_1074 = arith.constant 0 : i32
        %dma_start3A_1075 = arith.constant 7 : i32
        %dma_start3A_1076 = arith.constant 0 : i32
        %dma_start3A_1077 = arith.constant 7 : i32
        %dma_start3A_1078 = arith.constant 0 : i32
        %dma_start3A_1079 = arith.constant 0 : i32
        %dma_start3A_1080 = tpu.memref_slice %arg6[%dma_start3A_1076, %dma_start3A_1077, %dma_start3A_1078, %dma_start3A_1079] : memref<4x8x50x64xf32, #tpu.memory_space<vmem>> -> memref<1x1x50x64xf32, #tpu.memory_space<vmem>>
        %dma_start3A_1081 = tpu.memref_squeeze %dma_start3A_1080 : memref<1x1x50x64xf32, #tpu.memory_space<vmem>> -> memref<50x64xf32, #tpu.memory_space<vmem>>
        %dma_start3A_1082 = arith.constant 0 : i32
        %dma_start3A_1083 = tpu.memref_slice %arg5[%dma_start3A_1074, %dma_start3A_1075, %dma_start3A_1082] : memref<4x8x50xi32, #tpu.memory_space<vmem>> -> memref<1x1x50xi32, #tpu.memory_space<vmem>>
        %dma_start3A_1084 = tpu.memref_squeeze %dma_start3A_1083 : memref<1x1x50xi32, #tpu.memory_space<vmem>> -> memref<50xi32, #tpu.memory_space<vmem>>
        %dma_start3A_1085 = arith.constant 0 : i32
        %dma_start3A_1086 = arith.constant 0 : i32
        %dma_start3A_1087 = tpu.memref_slice %arg3[%dma_start3A_1085, %dma_start3A_1086] : memref<1000000x64xf32, #tpu.memory_space<hbm>> -> memref<1000000x64xf32, #tpu.memory_space<hbm>>
        tpu.enqueue_indirect_dma source(%dma_start3A_1087 : memref<1000000x64xf32, #tpu.memory_space<hbm>>) target(%dma_start3A_1081 : memref<50x64xf32, #tpu.memory_space<vmem>>) offsets(%dma_start3A_1084 : memref<50xi32, #tpu.memory_space<vmem>>) semaphore(%arg7 : memref<!tpu.dma_semaphore, #tpu.memory_space<semaphore_mem>>)
      } else {
      }
      %mul3A_667 = arith.constant 4 : i32
      %mul3A_668 = arith.muli %scan3A_370, %mul3A_667 : i32
      %add3A_669 = arith.constant 2 : i32
      %add3A_670 = arith.addi %mul3A_668, %add3A_669 : i32
      %dma_wait3A_671 = arith.constant 2 : i32
      %dma_wait3A_672 = arith.constant 0 : i32
      %dma_wait3A_673 = arith.constant 2 : i32
      %dma_wait3A_674 = arith.constant 0 : i32
      %dma_wait3A_675 = arith.constant 0 : i32
      %dma_wait3A_676 = arith.constant 0 : i32
      %dma_wait3A_677 = tpu.memref_slice %arg6[%dma_wait3A_673, %dma_wait3A_674, %dma_wait3A_675, %dma_wait3A_676] : memref<4x8x50x64xf32, #tpu.memory_space<vmem>> -> memref<1x1x50x64xf32, #tpu.memory_space<vmem>>
      %dma_wait3A_678 = tpu.memref_squeeze %dma_wait3A_677 : memref<1x1x50x64xf32, #tpu.memory_space<vmem>> -> memref<50x64xf32, #tpu.memory_space<vmem>>
      %dma_wait3A_679 = arith.constant 0 : i32
      %dma_wait3A_680 = tpu.memref_slice %arg5[%dma_wait3A_671, %dma_wait3A_672, %dma_wait3A_679] : memref<4x8x50xi32, #tpu.memory_space<vmem>> -> memref<1x1x50xi32, #tpu.memory_space<vmem>>
      %dma_wait3A_681 = tpu.memref_squeeze %dma_wait3A_680 : memref<1x1x50xi32, #tpu.memory_space<vmem>> -> memref<50xi32, #tpu.memory_space<vmem>>
      %dma_wait3A_682 = arith.constant 0 : i32
      %dma_wait3A_683 = arith.constant 0 : i32
      %dma_wait3A_684 = tpu.memref_slice %arg3[%dma_wait3A_682, %dma_wait3A_683] : memref<1000000x64xf32, #tpu.memory_space<hbm>> -> memref<1000000x64xf32, #tpu.memory_space<hbm>>
      tpu.wait_indirect_dma semaphore(%arg9 : memref<!tpu.dma_semaphore, #tpu.memory_space<semaphore_mem>>) src(%dma_wait3A_684 : memref<1000000x64xf32, #tpu.memory_space<hbm>>) dst(%dma_wait3A_678 : memref<50x64xf32, #tpu.memory_space<vmem>>)
      %dma_wait3A_685 = arith.constant 2 : i32
      %dma_wait3A_686 = arith.constant 1 : i32
      %dma_wait3A_687 = arith.constant 2 : i32
      %dma_wait3A_688 = arith.constant 1 : i32
      %dma_wait3A_689 = arith.constant 0 : i32
      %dma_wait3A_690 = arith.constant 0 : i32
      %dma_wait3A_691 = tpu.memref_slice %arg6[%dma_wait3A_687, %dma_wait3A_688, %dma_wait3A_689, %dma_wait3A_690] : memref<4x8x50x64xf32, #tpu.memory_space<vmem>> -> memref<1x1x50x64xf32, #tpu.memory_space<vmem>>
      %dma_wait3A_692 = tpu.memref_squeeze %dma_wait3A_691 : memref<1x1x50x64xf32, #tpu.memory_space<vmem>> -> memref<50x64xf32, #tpu.memory_space<vmem>>
      %dma_wait3A_693 = arith.constant 0 : i32
      %dma_wait3A_694 = tpu.memref_slice %arg5[%dma_wait3A_685, %dma_wait3A_686, %dma_wait3A_693] : memref<4x8x50xi32, #tpu.memory_space<vmem>> -> memref<1x1x50xi32, #tpu.memory_space<vmem>>
      %dma_wait3A_695 = tpu.memref_squeeze %dma_wait3A_694 : memref<1x1x50xi32, #tpu.memory_space<vmem>> -> memref<50xi32, #tpu.memory_space<vmem>>
      %dma_wait3A_696 = arith.constant 0 : i32
      %dma_wait3A_697 = arith.constant 0 : i32
      %dma_wait3A_698 = tpu.memref_slice %arg3[%dma_wait3A_696, %dma_wait3A_697] : memref<1000000x64xf32, #tpu.memory_space<hbm>> -> memref<1000000x64xf32, #tpu.memory_space<hbm>>
      tpu.wait_indirect_dma semaphore(%arg9 : memref<!tpu.dma_semaphore, #tpu.memory_space<semaphore_mem>>) src(%dma_wait3A_698 : memref<1000000x64xf32, #tpu.memory_space<hbm>>) dst(%dma_wait3A_692 : memref<50x64xf32, #tpu.memory_space<vmem>>)
      %dma_wait3A_699 = arith.constant 2 : i32
      %dma_wait3A_700 = arith.constant 2 : i32
      %dma_wait3A_701 = arith.constant 2 : i32
      %dma_wait3A_702 = arith.constant 2 : i32
      %dma_wait3A_703 = arith.constant 0 : i32
      %dma_wait3A_704 = arith.constant 0 : i32
      %dma_wait3A_705 = tpu.memref_slice %arg6[%dma_wait3A_701, %dma_wait3A_702, %dma_wait3A_703, %dma_wait3A_704] : memref<4x8x50x64xf32, #tpu.memory_space<vmem>> -> memref<1x1x50x64xf32, #tpu.memory_space<vmem>>
      %dma_wait3A_706 = tpu.memref_squeeze %dma_wait3A_705 : memref<1x1x50x64xf32, #tpu.memory_space<vmem>> -> memref<50x64xf32, #tpu.memory_space<vmem>>
      %dma_wait3A_707 = arith.constant 0 : i32
      %dma_wait3A_708 = tpu.memref_slice %arg5[%dma_wait3A_699, %dma_wait3A_700, %dma_wait3A_707] : memref<4x8x50xi32, #tpu.memory_space<vmem>> -> memref<1x1x50xi32, #tpu.memory_space<vmem>>
      %dma_wait3A_709 = tpu.memref_squeeze %dma_wait3A_708 : memref<1x1x50xi32, #tpu.memory_space<vmem>> -> memref<50xi32, #tpu.memory_space<vmem>>
      %dma_wait3A_710 = arith.constant 0 : i32
      %dma_wait3A_711 = arith.constant 0 : i32
      %dma_wait3A_712 = tpu.memref_slice %arg3[%dma_wait3A_710, %dma_wait3A_711] : memref<1000000x64xf32, #tpu.memory_space<hbm>> -> memref<1000000x64xf32, #tpu.memory_space<hbm>>
      tpu.wait_indirect_dma semaphore(%arg9 : memref<!tpu.dma_semaphore, #tpu.memory_space<semaphore_mem>>) src(%dma_wait3A_712 : memref<1000000x64xf32, #tpu.memory_space<hbm>>) dst(%dma_wait3A_706 : memref<50x64xf32, #tpu.memory_space<vmem>>)
      %dma_wait3A_713 = arith.constant 2 : i32
      %dma_wait3A_714 = arith.constant 3 : i32
      %dma_wait3A_715 = arith.constant 2 : i32
      %dma_wait3A_716 = arith.constant 3 : i32
      %dma_wait3A_717 = arith.constant 0 : i32
      %dma_wait3A_718 = arith.constant 0 : i32
      %dma_wait3A_719 = tpu.memref_slice %arg6[%dma_wait3A_715, %dma_wait3A_716, %dma_wait3A_717, %dma_wait3A_718] : memref<4x8x50x64xf32, #tpu.memory_space<vmem>> -> memref<1x1x50x64xf32, #tpu.memory_space<vmem>>
      %dma_wait3A_720 = tpu.memref_squeeze %dma_wait3A_719 : memref<1x1x50x64xf32, #tpu.memory_space<vmem>> -> memref<50x64xf32, #tpu.memory_space<vmem>>
      %dma_wait3A_721 = arith.constant 0 : i32
      %dma_wait3A_722 = tpu.memref_slice %arg5[%dma_wait3A_713, %dma_wait3A_714, %dma_wait3A_721] : memref<4x8x50xi32, #tpu.memory_space<vmem>> -> memref<1x1x50xi32, #tpu.memory_space<vmem>>
      %dma_wait3A_723 = tpu.memref_squeeze %dma_wait3A_722 : memref<1x1x50xi32, #tpu.memory_space<vmem>> -> memref<50xi32, #tpu.memory_space<vmem>>
      %dma_wait3A_724 = arith.constant 0 : i32
      %dma_wait3A_725 = arith.constant 0 : i32
      %dma_wait3A_726 = tpu.memref_slice %arg3[%dma_wait3A_724, %dma_wait3A_725] : memref<1000000x64xf32, #tpu.memory_space<hbm>> -> memref<1000000x64xf32, #tpu.memory_space<hbm>>
      tpu.wait_indirect_dma semaphore(%arg9 : memref<!tpu.dma_semaphore, #tpu.memory_space<semaphore_mem>>) src(%dma_wait3A_726 : memref<1000000x64xf32, #tpu.memory_space<hbm>>) dst(%dma_wait3A_720 : memref<50x64xf32, #tpu.memory_space<vmem>>)
      %dma_wait3A_727 = arith.constant 2 : i32
      %dma_wait3A_728 = arith.constant 4 : i32
      %dma_wait3A_729 = arith.constant 2 : i32
      %dma_wait3A_730 = arith.constant 4 : i32
      %dma_wait3A_731 = arith.constant 0 : i32
      %dma_wait3A_732 = arith.constant 0 : i32
      %dma_wait3A_733 = tpu.memref_slice %arg6[%dma_wait3A_729, %dma_wait3A_730, %dma_wait3A_731, %dma_wait3A_732] : memref<4x8x50x64xf32, #tpu.memory_space<vmem>> -> memref<1x1x50x64xf32, #tpu.memory_space<vmem>>
      %dma_wait3A_734 = tpu.memref_squeeze %dma_wait3A_733 : memref<1x1x50x64xf32, #tpu.memory_space<vmem>> -> memref<50x64xf32, #tpu.memory_space<vmem>>
      %dma_wait3A_735 = arith.constant 0 : i32
      %dma_wait3A_736 = tpu.memref_slice %arg5[%dma_wait3A_727, %dma_wait3A_728, %dma_wait3A_735] : memref<4x8x50xi32, #tpu.memory_space<vmem>> -> memref<1x1x50xi32, #tpu.memory_space<vmem>>
      %dma_wait3A_737 = tpu.memref_squeeze %dma_wait3A_736 : memref<1x1x50xi32, #tpu.memory_space<vmem>> -> memref<50xi32, #tpu.memory_space<vmem>>
      %dma_wait3A_738 = arith.constant 0 : i32
      %dma_wait3A_739 = arith.constant 0 : i32
      %dma_wait3A_740 = tpu.memref_slice %arg3[%dma_wait3A_738, %dma_wait3A_739] : memref<1000000x64xf32, #tpu.memory_space<hbm>> -> memref<1000000x64xf32, #tpu.memory_space<hbm>>
      tpu.wait_indirect_dma semaphore(%arg9 : memref<!tpu.dma_semaphore, #tpu.memory_space<semaphore_mem>>) src(%dma_wait3A_740 : memref<1000000x64xf32, #tpu.memory_space<hbm>>) dst(%dma_wait3A_734 : memref<50x64xf32, #tpu.memory_space<vmem>>)
      %dma_wait3A_741 = arith.constant 2 : i32
      %dma_wait3A_742 = arith.constant 5 : i32
      %dma_wait3A_743 = arith.constant 2 : i32
      %dma_wait3A_744 = arith.constant 5 : i32
      %dma_wait3A_745 = arith.constant 0 : i32
      %dma_wait3A_746 = arith.constant 0 : i32
      %dma_wait3A_747 = tpu.memref_slice %arg6[%dma_wait3A_743, %dma_wait3A_744, %dma_wait3A_745, %dma_wait3A_746] : memref<4x8x50x64xf32, #tpu.memory_space<vmem>> -> memref<1x1x50x64xf32, #tpu.memory_space<vmem>>
      %dma_wait3A_748 = tpu.memref_squeeze %dma_wait3A_747 : memref<1x1x50x64xf32, #tpu.memory_space<vmem>> -> memref<50x64xf32, #tpu.memory_space<vmem>>
      %dma_wait3A_749 = arith.constant 0 : i32
      %dma_wait3A_750 = tpu.memref_slice %arg5[%dma_wait3A_741, %dma_wait3A_742, %dma_wait3A_749] : memref<4x8x50xi32, #tpu.memory_space<vmem>> -> memref<1x1x50xi32, #tpu.memory_space<vmem>>
      %dma_wait3A_751 = tpu.memref_squeeze %dma_wait3A_750 : memref<1x1x50xi32, #tpu.memory_space<vmem>> -> memref<50xi32, #tpu.memory_space<vmem>>
      %dma_wait3A_752 = arith.constant 0 : i32
      %dma_wait3A_753 = arith.constant 0 : i32
      %dma_wait3A_754 = tpu.memref_slice %arg3[%dma_wait3A_752, %dma_wait3A_753] : memref<1000000x64xf32, #tpu.memory_space<hbm>> -> memref<1000000x64xf32, #tpu.memory_space<hbm>>
      tpu.wait_indirect_dma semaphore(%arg9 : memref<!tpu.dma_semaphore, #tpu.memory_space<semaphore_mem>>) src(%dma_wait3A_754 : memref<1000000x64xf32, #tpu.memory_space<hbm>>) dst(%dma_wait3A_748 : memref<50x64xf32, #tpu.memory_space<vmem>>)
      %dma_wait3A_755 = arith.constant 2 : i32
      %dma_wait3A_756 = arith.constant 6 : i32
      %dma_wait3A_757 = arith.constant 2 : i32
      %dma_wait3A_758 = arith.constant 6 : i32
      %dma_wait3A_759 = arith.constant 0 : i32
      %dma_wait3A_760 = arith.constant 0 : i32
      %dma_wait3A_761 = tpu.memref_slice %arg6[%dma_wait3A_757, %dma_wait3A_758, %dma_wait3A_759, %dma_wait3A_760] : memref<4x8x50x64xf32, #tpu.memory_space<vmem>> -> memref<1x1x50x64xf32, #tpu.memory_space<vmem>>
      %dma_wait3A_762 = tpu.memref_squeeze %dma_wait3A_761 : memref<1x1x50x64xf32, #tpu.memory_space<vmem>> -> memref<50x64xf32, #tpu.memory_space<vmem>>
      %dma_wait3A_763 = arith.constant 0 : i32
      %dma_wait3A_764 = tpu.memref_slice %arg5[%dma_wait3A_755, %dma_wait3A_756, %dma_wait3A_763] : memref<4x8x50xi32, #tpu.memory_space<vmem>> -> memref<1x1x50xi32, #tpu.memory_space<vmem>>
      %dma_wait3A_765 = tpu.memref_squeeze %dma_wait3A_764 : memref<1x1x50xi32, #tpu.memory_space<vmem>> -> memref<50xi32, #tpu.memory_space<vmem>>
      %dma_wait3A_766 = arith.constant 0 : i32
      %dma_wait3A_767 = arith.constant 0 : i32
      %dma_wait3A_768 = tpu.memref_slice %arg3[%dma_wait3A_766, %dma_wait3A_767] : memref<1000000x64xf32, #tpu.memory_space<hbm>> -> memref<1000000x64xf32, #tpu.memory_space<hbm>>
      tpu.wait_indirect_dma semaphore(%arg9 : memref<!tpu.dma_semaphore, #tpu.memory_space<semaphore_mem>>) src(%dma_wait3A_768 : memref<1000000x64xf32, #tpu.memory_space<hbm>>) dst(%dma_wait3A_762 : memref<50x64xf32, #tpu.memory_space<vmem>>)
      %dma_wait3A_769 = arith.constant 2 : i32
      %dma_wait3A_770 = arith.constant 7 : i32
      %dma_wait3A_771 = arith.constant 2 : i32
      %dma_wait3A_772 = arith.constant 7 : i32
      %dma_wait3A_773 = arith.constant 0 : i32
      %dma_wait3A_774 = arith.constant 0 : i32
      %dma_wait3A_775 = tpu.memref_slice %arg6[%dma_wait3A_771, %dma_wait3A_772, %dma_wait3A_773, %dma_wait3A_774] : memref<4x8x50x64xf32, #tpu.memory_space<vmem>> -> memref<1x1x50x64xf32, #tpu.memory_space<vmem>>
      %dma_wait3A_776 = tpu.memref_squeeze %dma_wait3A_775 : memref<1x1x50x64xf32, #tpu.memory_space<vmem>> -> memref<50x64xf32, #tpu.memory_space<vmem>>
      %dma_wait3A_777 = arith.constant 0 : i32
      %dma_wait3A_778 = tpu.memref_slice %arg5[%dma_wait3A_769, %dma_wait3A_770, %dma_wait3A_777] : memref<4x8x50xi32, #tpu.memory_space<vmem>> -> memref<1x1x50xi32, #tpu.memory_space<vmem>>
      %dma_wait3A_779 = tpu.memref_squeeze %dma_wait3A_778 : memref<1x1x50xi32, #tpu.memory_space<vmem>> -> memref<50xi32, #tpu.memory_space<vmem>>
      %dma_wait3A_780 = arith.constant 0 : i32
      %dma_wait3A_781 = arith.constant 0 : i32
      %dma_wait3A_782 = tpu.memref_slice %arg3[%dma_wait3A_780, %dma_wait3A_781] : memref<1000000x64xf32, #tpu.memory_space<hbm>> -> memref<1000000x64xf32, #tpu.memory_space<hbm>>
      tpu.wait_indirect_dma semaphore(%arg9 : memref<!tpu.dma_semaphore, #tpu.memory_space<semaphore_mem>>) src(%dma_wait3A_782 : memref<1000000x64xf32, #tpu.memory_space<hbm>>) dst(%dma_wait3A_776 : memref<50x64xf32, #tpu.memory_space<vmem>>)
      %mul3A_783 = arith.constant 8 : i32
      %mul3A_784 = arith.muli %add3A_670, %mul3A_783 : i32
      %add3A_785 = arith.addi %mul3A_2, %mul3A_784 : i32
      %dma_start3A_786 = arith.constant 2 : i32
      %dma_start3A_787 = arith.constant 0 : i32
      %dma_start3A_788 = arith.constant 0 : i32
      %dma_start3A_789 = arith.constant 0 : i32
      %dma_start3A_790 = tpu.memref_slice %arg6[%dma_start3A_786, %dma_start3A_787, %dma_start3A_788, %dma_start3A_789] : memref<4x8x50x64xf32, #tpu.memory_space<vmem>> -> memref<1x8x50x64xf32, #tpu.memory_space<vmem>>
      %dma_start3A_791 = tpu.memref_squeeze %dma_start3A_790 : memref<1x8x50x64xf32, #tpu.memory_space<vmem>> -> memref<8x50x64xf32, #tpu.memory_space<vmem>>
      %dma_start3A_792 = arith.constant 0 : i32
      %dma_start3A_793 = arith.constant 0 : i32
      %dma_start3A_794 = tpu.memref_slice %arg4[%add3A_785, %dma_start3A_792, %dma_start3A_793] : memref<16384x50x64xf32, #tpu.memory_space<hbm>> -> memref<8x50x64xf32, #tpu.memory_space<hbm>>
      %dma_start3A_795 = arith.constant 0 : i32
      %dma_start3A_796 = arith.constant 0 : i32
      %dma_start3A_797 = tpu.memref_slice %arg4[%add3A_785, %dma_start3A_795, %dma_start3A_796] : memref<16384x50x64xf32, #tpu.memory_space<hbm>> -> memref<8x50x64xf32, #tpu.memory_space<hbm>>
      %dma_start3A_798 = arith.constant 0 : i32
      %dma_start3A_799 = arith.constant 0 : i32
      %dma_start3A_800 = arith.constant 0 : i32
      %dma_start3A_801 = tpu.memref_slice %arg6[%dma_start3A_786, %dma_start3A_798, %dma_start3A_799, %dma_start3A_800] : memref<4x8x50x64xf32, #tpu.memory_space<vmem>> -> memref<1x8x50x64xf32, #tpu.memory_space<vmem>>
      %dma_start3A_802 = tpu.memref_squeeze %dma_start3A_801 : memref<1x8x50x64xf32, #tpu.memory_space<vmem>> -> memref<8x50x64xf32, #tpu.memory_space<vmem>>
      tpu.enqueue_dma source(%dma_start3A_802 : memref<8x50x64xf32, #tpu.memory_space<vmem>>) target(%dma_start3A_797 : memref<8x50x64xf32, #tpu.memory_space<hbm>>) target_semaphore(%arg13 : memref<!tpu.dma_semaphore, #tpu.memory_space<semaphore_mem>>)
      %ge3A_803 = arith.constant 1 : i32
      %ge3A_804 = arith.cmpi sge, %add3A_670, %ge3A_803 : i32
      %convert_element_type3A_805 = arith.extui %ge3A_804 : i1 to i32
      %cond3A_806 = arith.constant 0 : i32
      %cond3A_807 = arith.cmpi ne, %convert_element_type3A_805, %cond3A_806 : i32
      scf.if %cond3A_807 {
        %sub3A_968 = arith.constant 1 : i32
        %sub3A_969 = arith.subi %add3A_670, %sub3A_968 : i32
        %mul3A_970 = arith.constant 8 : i32
        %mul3A_971 = arith.muli %sub3A_969, %mul3A_970 : i32
        %add3A_972 = arith.addi %mul3A_2, %mul3A_971 : i32
        %dma_wait3A_973 = arith.constant 1 : i32
        %dma_wait3A_974 = arith.constant 0 : i32
        %dma_wait3A_975 = arith.constant 0 : i32
        %dma_wait3A_976 = arith.constant 0 : i32
        %dma_wait3A_977 = tpu.memref_slice %arg6[%dma_wait3A_973, %dma_wait3A_974, %dma_wait3A_975, %dma_wait3A_976] : memref<4x8x50x64xf32, #tpu.memory_space<vmem>> -> memref<1x8x50x64xf32, #tpu.memory_space<vmem>>
        %dma_wait3A_978 = tpu.memref_squeeze %dma_wait3A_977 : memref<1x8x50x64xf32, #tpu.memory_space<vmem>> -> memref<8x50x64xf32, #tpu.memory_space<vmem>>
        %dma_wait3A_979 = arith.constant 0 : i32
        %dma_wait3A_980 = arith.constant 0 : i32
        %dma_wait3A_981 = tpu.memref_slice %arg4[%add3A_972, %dma_wait3A_979, %dma_wait3A_980] : memref<16384x50x64xf32, #tpu.memory_space<hbm>> -> memref<8x50x64xf32, #tpu.memory_space<hbm>>
        %dma_wait3A_982 = arith.constant 0 : i32
        %dma_wait3A_983 = arith.constant 0 : i32
        %dma_wait3A_984 = tpu.memref_slice %arg4[%add3A_972, %dma_wait3A_982, %dma_wait3A_983] : memref<16384x50x64xf32, #tpu.memory_space<hbm>> -> memref<8x50x64xf32, #tpu.memory_space<hbm>>
        %dma_wait3A_985 = arith.constant 0 : i32
        %dma_wait3A_986 = arith.constant 0 : i32
        %dma_wait3A_987 = arith.constant 0 : i32
        %dma_wait3A_988 = tpu.memref_slice %arg6[%dma_wait3A_973, %dma_wait3A_985, %dma_wait3A_986, %dma_wait3A_987] : memref<4x8x50x64xf32, #tpu.memory_space<vmem>> -> memref<1x8x50x64xf32, #tpu.memory_space<vmem>>
        %dma_wait3A_989 = tpu.memref_squeeze %dma_wait3A_988 : memref<1x8x50x64xf32, #tpu.memory_space<vmem>> -> memref<8x50x64xf32, #tpu.memory_space<vmem>>
        tpu.wait_dma2 semaphore(%arg12 : memref<!tpu.dma_semaphore, #tpu.memory_space<semaphore_mem>>) src(%dma_wait3A_989 : memref<8x50x64xf32, #tpu.memory_space<vmem>>) dst(%dma_wait3A_984 : memref<8x50x64xf32, #tpu.memory_space<hbm>>)
      } else {
      }
      %add3A_808 = arith.constant 4 : i32
      %add3A_809 = arith.addi %add3A_670, %add3A_808 : i32
      %sub3A_810 = arith.constant 1 : i32
      %sub3A_811 = arith.subi %add3A_809, %sub3A_810 : i32
      %lt3A_812 = arith.constant 64 : i32
      %lt3A_813 = arith.cmpi slt, %sub3A_811, %lt3A_812 : i32
      %convert_element_type3A_814 = arith.extui %lt3A_813 : i1 to i32
      %cond3A_815 = arith.constant 0 : i32
      %cond3A_816 = arith.cmpi ne, %convert_element_type3A_814, %cond3A_815 : i32
      scf.if %cond3A_816 {
        %add3A_968 = arith.constant 4 : i32
        %add3A_969 = arith.addi %add3A_670, %add3A_968 : i32
        %sub3A_970 = arith.constant 1 : i32
        %sub3A_971 = arith.subi %add3A_969, %sub3A_970 : i32
        %mul3A_972 = arith.constant 8 : i32
        %mul3A_973 = arith.muli %sub3A_971, %mul3A_972 : i32
        %add3A_974 = arith.addi %mul3A_2, %mul3A_973 : i32
        %run_scoped3A_975 = arith.constant 1 : i32
        "tpu.region"() ({
          %run_scoped3A_1088 = tpu.sem_alloc : memref<!tpu.dma_semaphore, #tpu.memory_space<semaphore_mem>>
          %dma_start3A_1089 = arith.constant 0 : i32
          %dma_start3A_1090 = arith.constant 0 : i32
          %dma_start3A_1091 = tpu.memref_slice %arg5[%run_scoped3A_975, %dma_start3A_1089, %dma_start3A_1090] : memref<4x8x50xi32, #tpu.memory_space<vmem>> -> memref<1x8x50xi32, #tpu.memory_space<vmem>>
          %dma_start3A_1092 = tpu.memref_squeeze %dma_start3A_1091 : memref<1x8x50xi32, #tpu.memory_space<vmem>> -> memref<8x50xi32, #tpu.memory_space<vmem>>
          %dma_start3A_1093 = arith.constant 0 : i32
          %dma_start3A_1094 = tpu.memref_slice %arg2[%add3A_974, %dma_start3A_1093] : memref<16384x50xi32, #tpu.memory_space<hbm>> -> memref<8x50xi32, #tpu.memory_space<hbm>>
          %dma_start3A_1095 = arith.constant 0 : i32
          %dma_start3A_1096 = arith.constant 0 : i32
          %dma_start3A_1097 = tpu.memref_slice %arg5[%run_scoped3A_975, %dma_start3A_1095, %dma_start3A_1096] : memref<4x8x50xi32, #tpu.memory_space<vmem>> -> memref<1x8x50xi32, #tpu.memory_space<vmem>>
          %dma_start3A_1098 = tpu.memref_squeeze %dma_start3A_1097 : memref<1x8x50xi32, #tpu.memory_space<vmem>> -> memref<8x50xi32, #tpu.memory_space<vmem>>
          %dma_start3A_1099 = arith.constant 0 : i32
          %dma_start3A_1100 = tpu.memref_slice %arg2[%add3A_974, %dma_start3A_1099] : memref<16384x50xi32, #tpu.memory_space<hbm>> -> memref<8x50xi32, #tpu.memory_space<hbm>>
          tpu.enqueue_dma source(%dma_start3A_1100 : memref<8x50xi32, #tpu.memory_space<hbm>>) target(%dma_start3A_1098 : memref<8x50xi32, #tpu.memory_space<vmem>>) target_semaphore(%run_scoped3A_1088 : memref<!tpu.dma_semaphore, #tpu.memory_space<semaphore_mem>>)
          %dma_wait3A_1101 = arith.constant 0 : i32
          %dma_wait3A_1102 = arith.constant 0 : i32
          %dma_wait3A_1103 = tpu.memref_slice %arg5[%run_scoped3A_975, %dma_wait3A_1101, %dma_wait3A_1102] : memref<4x8x50xi32, #tpu.memory_space<vmem>> -> memref<1x8x50xi32, #tpu.memory_space<vmem>>
          %dma_wait3A_1104 = tpu.memref_squeeze %dma_wait3A_1103 : memref<1x8x50xi32, #tpu.memory_space<vmem>> -> memref<8x50xi32, #tpu.memory_space<vmem>>
          %dma_wait3A_1105 = arith.constant 0 : i32
          %dma_wait3A_1106 = tpu.memref_slice %arg2[%add3A_974, %dma_wait3A_1105] : memref<16384x50xi32, #tpu.memory_space<hbm>> -> memref<8x50xi32, #tpu.memory_space<hbm>>
          %dma_wait3A_1107 = arith.constant 0 : i32
          %dma_wait3A_1108 = arith.constant 0 : i32
          %dma_wait3A_1109 = tpu.memref_slice %arg5[%run_scoped3A_975, %dma_wait3A_1107, %dma_wait3A_1108] : memref<4x8x50xi32, #tpu.memory_space<vmem>> -> memref<1x8x50xi32, #tpu.memory_space<vmem>>
          %dma_wait3A_1110 = tpu.memref_squeeze %dma_wait3A_1109 : memref<1x8x50xi32, #tpu.memory_space<vmem>> -> memref<8x50xi32, #tpu.memory_space<vmem>>
          %dma_wait3A_1111 = arith.constant 0 : i32
          %dma_wait3A_1112 = tpu.memref_slice %arg2[%add3A_974, %dma_wait3A_1111] : memref<16384x50xi32, #tpu.memory_space<hbm>> -> memref<8x50xi32, #tpu.memory_space<hbm>>
          tpu.wait_dma2 semaphore(%run_scoped3A_1088 : memref<!tpu.dma_semaphore, #tpu.memory_space<semaphore_mem>>) src(%dma_wait3A_1112 : memref<8x50xi32, #tpu.memory_space<hbm>>) dst(%dma_wait3A_1110 : memref<8x50xi32, #tpu.memory_space<vmem>>)
          tpu.yield
        }) : () -> ()
        %dma_start3A_976 = arith.constant 1 : i32
        %dma_start3A_977 = arith.constant 0 : i32
        %dma_start3A_978 = arith.constant 1 : i32
        %dma_start3A_979 = arith.constant 0 : i32
        %dma_start3A_980 = arith.constant 0 : i32
        %dma_start3A_981 = arith.constant 0 : i32
        %dma_start3A_982 = tpu.memref_slice %arg6[%dma_start3A_978, %dma_start3A_979, %dma_start3A_980, %dma_start3A_981] : memref<4x8x50x64xf32, #tpu.memory_space<vmem>> -> memref<1x1x50x64xf32, #tpu.memory_space<vmem>>
        %dma_start3A_983 = tpu.memref_squeeze %dma_start3A_982 : memref<1x1x50x64xf32, #tpu.memory_space<vmem>> -> memref<50x64xf32, #tpu.memory_space<vmem>>
        %dma_start3A_984 = arith.constant 0 : i32
        %dma_start3A_985 = tpu.memref_slice %arg5[%dma_start3A_976, %dma_start3A_977, %dma_start3A_984] : memref<4x8x50xi32, #tpu.memory_space<vmem>> -> memref<1x1x50xi32, #tpu.memory_space<vmem>>
        %dma_start3A_986 = tpu.memref_squeeze %dma_start3A_985 : memref<1x1x50xi32, #tpu.memory_space<vmem>> -> memref<50xi32, #tpu.memory_space<vmem>>
        %dma_start3A_987 = arith.constant 0 : i32
        %dma_start3A_988 = arith.constant 0 : i32
        %dma_start3A_989 = tpu.memref_slice %arg3[%dma_start3A_987, %dma_start3A_988] : memref<1000000x64xf32, #tpu.memory_space<hbm>> -> memref<1000000x64xf32, #tpu.memory_space<hbm>>
        tpu.enqueue_indirect_dma source(%dma_start3A_989 : memref<1000000x64xf32, #tpu.memory_space<hbm>>) target(%dma_start3A_983 : memref<50x64xf32, #tpu.memory_space<vmem>>) offsets(%dma_start3A_986 : memref<50xi32, #tpu.memory_space<vmem>>) semaphore(%arg8 : memref<!tpu.dma_semaphore, #tpu.memory_space<semaphore_mem>>)
        %dma_start3A_990 = arith.constant 1 : i32
        %dma_start3A_991 = arith.constant 1 : i32
        %dma_start3A_992 = arith.constant 1 : i32
        %dma_start3A_993 = arith.constant 1 : i32
        %dma_start3A_994 = arith.constant 0 : i32
        %dma_start3A_995 = arith.constant 0 : i32
        %dma_start3A_996 = tpu.memref_slice %arg6[%dma_start3A_992, %dma_start3A_993, %dma_start3A_994, %dma_start3A_995] : memref<4x8x50x64xf32, #tpu.memory_space<vmem>> -> memref<1x1x50x64xf32, #tpu.memory_space<vmem>>
        %dma_start3A_997 = tpu.memref_squeeze %dma_start3A_996 : memref<1x1x50x64xf32, #tpu.memory_space<vmem>> -> memref<50x64xf32, #tpu.memory_space<vmem>>
        %dma_start3A_998 = arith.constant 0 : i32
        %dma_start3A_999 = tpu.memref_slice %arg5[%dma_start3A_990, %dma_start3A_991, %dma_start3A_998] : memref<4x8x50xi32, #tpu.memory_space<vmem>> -> memref<1x1x50xi32, #tpu.memory_space<vmem>>
        %dma_start3A_1000 = tpu.memref_squeeze %dma_start3A_999 : memref<1x1x50xi32, #tpu.memory_space<vmem>> -> memref<50xi32, #tpu.memory_space<vmem>>
        %dma_start3A_1001 = arith.constant 0 : i32
        %dma_start3A_1002 = arith.constant 0 : i32
        %dma_start3A_1003 = tpu.memref_slice %arg3[%dma_start3A_1001, %dma_start3A_1002] : memref<1000000x64xf32, #tpu.memory_space<hbm>> -> memref<1000000x64xf32, #tpu.memory_space<hbm>>
        tpu.enqueue_indirect_dma source(%dma_start3A_1003 : memref<1000000x64xf32, #tpu.memory_space<hbm>>) target(%dma_start3A_997 : memref<50x64xf32, #tpu.memory_space<vmem>>) offsets(%dma_start3A_1000 : memref<50xi32, #tpu.memory_space<vmem>>) semaphore(%arg8 : memref<!tpu.dma_semaphore, #tpu.memory_space<semaphore_mem>>)
        %dma_start3A_1004 = arith.constant 1 : i32
        %dma_start3A_1005 = arith.constant 2 : i32
        %dma_start3A_1006 = arith.constant 1 : i32
        %dma_start3A_1007 = arith.constant 2 : i32
        %dma_start3A_1008 = arith.constant 0 : i32
        %dma_start3A_1009 = arith.constant 0 : i32
        %dma_start3A_1010 = tpu.memref_slice %arg6[%dma_start3A_1006, %dma_start3A_1007, %dma_start3A_1008, %dma_start3A_1009] : memref<4x8x50x64xf32, #tpu.memory_space<vmem>> -> memref<1x1x50x64xf32, #tpu.memory_space<vmem>>
        %dma_start3A_1011 = tpu.memref_squeeze %dma_start3A_1010 : memref<1x1x50x64xf32, #tpu.memory_space<vmem>> -> memref<50x64xf32, #tpu.memory_space<vmem>>
        %dma_start3A_1012 = arith.constant 0 : i32
        %dma_start3A_1013 = tpu.memref_slice %arg5[%dma_start3A_1004, %dma_start3A_1005, %dma_start3A_1012] : memref<4x8x50xi32, #tpu.memory_space<vmem>> -> memref<1x1x50xi32, #tpu.memory_space<vmem>>
        %dma_start3A_1014 = tpu.memref_squeeze %dma_start3A_1013 : memref<1x1x50xi32, #tpu.memory_space<vmem>> -> memref<50xi32, #tpu.memory_space<vmem>>
        %dma_start3A_1015 = arith.constant 0 : i32
        %dma_start3A_1016 = arith.constant 0 : i32
        %dma_start3A_1017 = tpu.memref_slice %arg3[%dma_start3A_1015, %dma_start3A_1016] : memref<1000000x64xf32, #tpu.memory_space<hbm>> -> memref<1000000x64xf32, #tpu.memory_space<hbm>>
        tpu.enqueue_indirect_dma source(%dma_start3A_1017 : memref<1000000x64xf32, #tpu.memory_space<hbm>>) target(%dma_start3A_1011 : memref<50x64xf32, #tpu.memory_space<vmem>>) offsets(%dma_start3A_1014 : memref<50xi32, #tpu.memory_space<vmem>>) semaphore(%arg8 : memref<!tpu.dma_semaphore, #tpu.memory_space<semaphore_mem>>)
        %dma_start3A_1018 = arith.constant 1 : i32
        %dma_start3A_1019 = arith.constant 3 : i32
        %dma_start3A_1020 = arith.constant 1 : i32
        %dma_start3A_1021 = arith.constant 3 : i32
        %dma_start3A_1022 = arith.constant 0 : i32
        %dma_start3A_1023 = arith.constant 0 : i32
        %dma_start3A_1024 = tpu.memref_slice %arg6[%dma_start3A_1020, %dma_start3A_1021, %dma_start3A_1022, %dma_start3A_1023] : memref<4x8x50x64xf32, #tpu.memory_space<vmem>> -> memref<1x1x50x64xf32, #tpu.memory_space<vmem>>
        %dma_start3A_1025 = tpu.memref_squeeze %dma_start3A_1024 : memref<1x1x50x64xf32, #tpu.memory_space<vmem>> -> memref<50x64xf32, #tpu.memory_space<vmem>>
        %dma_start3A_1026 = arith.constant 0 : i32
        %dma_start3A_1027 = tpu.memref_slice %arg5[%dma_start3A_1018, %dma_start3A_1019, %dma_start3A_1026] : memref<4x8x50xi32, #tpu.memory_space<vmem>> -> memref<1x1x50xi32, #tpu.memory_space<vmem>>
        %dma_start3A_1028 = tpu.memref_squeeze %dma_start3A_1027 : memref<1x1x50xi32, #tpu.memory_space<vmem>> -> memref<50xi32, #tpu.memory_space<vmem>>
        %dma_start3A_1029 = arith.constant 0 : i32
        %dma_start3A_1030 = arith.constant 0 : i32
        %dma_start3A_1031 = tpu.memref_slice %arg3[%dma_start3A_1029, %dma_start3A_1030] : memref<1000000x64xf32, #tpu.memory_space<hbm>> -> memref<1000000x64xf32, #tpu.memory_space<hbm>>
        tpu.enqueue_indirect_dma source(%dma_start3A_1031 : memref<1000000x64xf32, #tpu.memory_space<hbm>>) target(%dma_start3A_1025 : memref<50x64xf32, #tpu.memory_space<vmem>>) offsets(%dma_start3A_1028 : memref<50xi32, #tpu.memory_space<vmem>>) semaphore(%arg8 : memref<!tpu.dma_semaphore, #tpu.memory_space<semaphore_mem>>)
        %dma_start3A_1032 = arith.constant 1 : i32
        %dma_start3A_1033 = arith.constant 4 : i32
        %dma_start3A_1034 = arith.constant 1 : i32
        %dma_start3A_1035 = arith.constant 4 : i32
        %dma_start3A_1036 = arith.constant 0 : i32
        %dma_start3A_1037 = arith.constant 0 : i32
        %dma_start3A_1038 = tpu.memref_slice %arg6[%dma_start3A_1034, %dma_start3A_1035, %dma_start3A_1036, %dma_start3A_1037] : memref<4x8x50x64xf32, #tpu.memory_space<vmem>> -> memref<1x1x50x64xf32, #tpu.memory_space<vmem>>
        %dma_start3A_1039 = tpu.memref_squeeze %dma_start3A_1038 : memref<1x1x50x64xf32, #tpu.memory_space<vmem>> -> memref<50x64xf32, #tpu.memory_space<vmem>>
        %dma_start3A_1040 = arith.constant 0 : i32
        %dma_start3A_1041 = tpu.memref_slice %arg5[%dma_start3A_1032, %dma_start3A_1033, %dma_start3A_1040] : memref<4x8x50xi32, #tpu.memory_space<vmem>> -> memref<1x1x50xi32, #tpu.memory_space<vmem>>
        %dma_start3A_1042 = tpu.memref_squeeze %dma_start3A_1041 : memref<1x1x50xi32, #tpu.memory_space<vmem>> -> memref<50xi32, #tpu.memory_space<vmem>>
        %dma_start3A_1043 = arith.constant 0 : i32
        %dma_start3A_1044 = arith.constant 0 : i32
        %dma_start3A_1045 = tpu.memref_slice %arg3[%dma_start3A_1043, %dma_start3A_1044] : memref<1000000x64xf32, #tpu.memory_space<hbm>> -> memref<1000000x64xf32, #tpu.memory_space<hbm>>
        tpu.enqueue_indirect_dma source(%dma_start3A_1045 : memref<1000000x64xf32, #tpu.memory_space<hbm>>) target(%dma_start3A_1039 : memref<50x64xf32, #tpu.memory_space<vmem>>) offsets(%dma_start3A_1042 : memref<50xi32, #tpu.memory_space<vmem>>) semaphore(%arg8 : memref<!tpu.dma_semaphore, #tpu.memory_space<semaphore_mem>>)
        %dma_start3A_1046 = arith.constant 1 : i32
        %dma_start3A_1047 = arith.constant 5 : i32
        %dma_start3A_1048 = arith.constant 1 : i32
        %dma_start3A_1049 = arith.constant 5 : i32
        %dma_start3A_1050 = arith.constant 0 : i32
        %dma_start3A_1051 = arith.constant 0 : i32
        %dma_start3A_1052 = tpu.memref_slice %arg6[%dma_start3A_1048, %dma_start3A_1049, %dma_start3A_1050, %dma_start3A_1051] : memref<4x8x50x64xf32, #tpu.memory_space<vmem>> -> memref<1x1x50x64xf32, #tpu.memory_space<vmem>>
        %dma_start3A_1053 = tpu.memref_squeeze %dma_start3A_1052 : memref<1x1x50x64xf32, #tpu.memory_space<vmem>> -> memref<50x64xf32, #tpu.memory_space<vmem>>
        %dma_start3A_1054 = arith.constant 0 : i32
        %dma_start3A_1055 = tpu.memref_slice %arg5[%dma_start3A_1046, %dma_start3A_1047, %dma_start3A_1054] : memref<4x8x50xi32, #tpu.memory_space<vmem>> -> memref<1x1x50xi32, #tpu.memory_space<vmem>>
        %dma_start3A_1056 = tpu.memref_squeeze %dma_start3A_1055 : memref<1x1x50xi32, #tpu.memory_space<vmem>> -> memref<50xi32, #tpu.memory_space<vmem>>
        %dma_start3A_1057 = arith.constant 0 : i32
        %dma_start3A_1058 = arith.constant 0 : i32
        %dma_start3A_1059 = tpu.memref_slice %arg3[%dma_start3A_1057, %dma_start3A_1058] : memref<1000000x64xf32, #tpu.memory_space<hbm>> -> memref<1000000x64xf32, #tpu.memory_space<hbm>>
        tpu.enqueue_indirect_dma source(%dma_start3A_1059 : memref<1000000x64xf32, #tpu.memory_space<hbm>>) target(%dma_start3A_1053 : memref<50x64xf32, #tpu.memory_space<vmem>>) offsets(%dma_start3A_1056 : memref<50xi32, #tpu.memory_space<vmem>>) semaphore(%arg8 : memref<!tpu.dma_semaphore, #tpu.memory_space<semaphore_mem>>)
        %dma_start3A_1060 = arith.constant 1 : i32
        %dma_start3A_1061 = arith.constant 6 : i32
        %dma_start3A_1062 = arith.constant 1 : i32
        %dma_start3A_1063 = arith.constant 6 : i32
        %dma_start3A_1064 = arith.constant 0 : i32
        %dma_start3A_1065 = arith.constant 0 : i32
        %dma_start3A_1066 = tpu.memref_slice %arg6[%dma_start3A_1062, %dma_start3A_1063, %dma_start3A_1064, %dma_start3A_1065] : memref<4x8x50x64xf32, #tpu.memory_space<vmem>> -> memref<1x1x50x64xf32, #tpu.memory_space<vmem>>
        %dma_start3A_1067 = tpu.memref_squeeze %dma_start3A_1066 : memref<1x1x50x64xf32, #tpu.memory_space<vmem>> -> memref<50x64xf32, #tpu.memory_space<vmem>>
        %dma_start3A_1068 = arith.constant 0 : i32
        %dma_start3A_1069 = tpu.memref_slice %arg5[%dma_start3A_1060, %dma_start3A_1061, %dma_start3A_1068] : memref<4x8x50xi32, #tpu.memory_space<vmem>> -> memref<1x1x50xi32, #tpu.memory_space<vmem>>
        %dma_start3A_1070 = tpu.memref_squeeze %dma_start3A_1069 : memref<1x1x50xi32, #tpu.memory_space<vmem>> -> memref<50xi32, #tpu.memory_space<vmem>>
        %dma_start3A_1071 = arith.constant 0 : i32
        %dma_start3A_1072 = arith.constant 0 : i32
        %dma_start3A_1073 = tpu.memref_slice %arg3[%dma_start3A_1071, %dma_start3A_1072] : memref<1000000x64xf32, #tpu.memory_space<hbm>> -> memref<1000000x64xf32, #tpu.memory_space<hbm>>
        tpu.enqueue_indirect_dma source(%dma_start3A_1073 : memref<1000000x64xf32, #tpu.memory_space<hbm>>) target(%dma_start3A_1067 : memref<50x64xf32, #tpu.memory_space<vmem>>) offsets(%dma_start3A_1070 : memref<50xi32, #tpu.memory_space<vmem>>) semaphore(%arg8 : memref<!tpu.dma_semaphore, #tpu.memory_space<semaphore_mem>>)
        %dma_start3A_1074 = arith.constant 1 : i32
        %dma_start3A_1075 = arith.constant 7 : i32
        %dma_start3A_1076 = arith.constant 1 : i32
        %dma_start3A_1077 = arith.constant 7 : i32
        %dma_start3A_1078 = arith.constant 0 : i32
        %dma_start3A_1079 = arith.constant 0 : i32
        %dma_start3A_1080 = tpu.memref_slice %arg6[%dma_start3A_1076, %dma_start3A_1077, %dma_start3A_1078, %dma_start3A_1079] : memref<4x8x50x64xf32, #tpu.memory_space<vmem>> -> memref<1x1x50x64xf32, #tpu.memory_space<vmem>>
        %dma_start3A_1081 = tpu.memref_squeeze %dma_start3A_1080 : memref<1x1x50x64xf32, #tpu.memory_space<vmem>> -> memref<50x64xf32, #tpu.memory_space<vmem>>
        %dma_start3A_1082 = arith.constant 0 : i32
        %dma_start3A_1083 = tpu.memref_slice %arg5[%dma_start3A_1074, %dma_start3A_1075, %dma_start3A_1082] : memref<4x8x50xi32, #tpu.memory_space<vmem>> -> memref<1x1x50xi32, #tpu.memory_space<vmem>>
        %dma_start3A_1084 = tpu.memref_squeeze %dma_start3A_1083 : memref<1x1x50xi32, #tpu.memory_space<vmem>> -> memref<50xi32, #tpu.memory_space<vmem>>
        %dma_start3A_1085 = arith.constant 0 : i32
        %dma_start3A_1086 = arith.constant 0 : i32
        %dma_start3A_1087 = tpu.memref_slice %arg3[%dma_start3A_1085, %dma_start3A_1086] : memref<1000000x64xf32, #tpu.memory_space<hbm>> -> memref<1000000x64xf32, #tpu.memory_space<hbm>>
        tpu.enqueue_indirect_dma source(%dma_start3A_1087 : memref<1000000x64xf32, #tpu.memory_space<hbm>>) target(%dma_start3A_1081 : memref<50x64xf32, #tpu.memory_space<vmem>>) offsets(%dma_start3A_1084 : memref<50xi32, #tpu.memory_space<vmem>>) semaphore(%arg8 : memref<!tpu.dma_semaphore, #tpu.memory_space<semaphore_mem>>)
      } else {
      }
      %mul3A_817 = arith.constant 4 : i32
      %mul3A_818 = arith.muli %scan3A_370, %mul3A_817 : i32
      %add3A_819 = arith.constant 3 : i32
      %add3A_820 = arith.addi %mul3A_818, %add3A_819 : i32
      %dma_wait3A_821 = arith.constant 3 : i32
      %dma_wait3A_822 = arith.constant 0 : i32
      %dma_wait3A_823 = arith.constant 3 : i32
      %dma_wait3A_824 = arith.constant 0 : i32
      %dma_wait3A_825 = arith.constant 0 : i32
      %dma_wait3A_826 = arith.constant 0 : i32
      %dma_wait3A_827 = tpu.memref_slice %arg6[%dma_wait3A_823, %dma_wait3A_824, %dma_wait3A_825, %dma_wait3A_826] : memref<4x8x50x64xf32, #tpu.memory_space<vmem>> -> memref<1x1x50x64xf32, #tpu.memory_space<vmem>>
      %dma_wait3A_828 = tpu.memref_squeeze %dma_wait3A_827 : memref<1x1x50x64xf32, #tpu.memory_space<vmem>> -> memref<50x64xf32, #tpu.memory_space<vmem>>
      %dma_wait3A_829 = arith.constant 0 : i32
      %dma_wait3A_830 = tpu.memref_slice %arg5[%dma_wait3A_821, %dma_wait3A_822, %dma_wait3A_829] : memref<4x8x50xi32, #tpu.memory_space<vmem>> -> memref<1x1x50xi32, #tpu.memory_space<vmem>>
      %dma_wait3A_831 = tpu.memref_squeeze %dma_wait3A_830 : memref<1x1x50xi32, #tpu.memory_space<vmem>> -> memref<50xi32, #tpu.memory_space<vmem>>
      %dma_wait3A_832 = arith.constant 0 : i32
      %dma_wait3A_833 = arith.constant 0 : i32
      %dma_wait3A_834 = tpu.memref_slice %arg3[%dma_wait3A_832, %dma_wait3A_833] : memref<1000000x64xf32, #tpu.memory_space<hbm>> -> memref<1000000x64xf32, #tpu.memory_space<hbm>>
      tpu.wait_indirect_dma semaphore(%arg10 : memref<!tpu.dma_semaphore, #tpu.memory_space<semaphore_mem>>) src(%dma_wait3A_834 : memref<1000000x64xf32, #tpu.memory_space<hbm>>) dst(%dma_wait3A_828 : memref<50x64xf32, #tpu.memory_space<vmem>>)
      %dma_wait3A_835 = arith.constant 3 : i32
      %dma_wait3A_836 = arith.constant 1 : i32
      %dma_wait3A_837 = arith.constant 3 : i32
      %dma_wait3A_838 = arith.constant 1 : i32
      %dma_wait3A_839 = arith.constant 0 : i32
      %dma_wait3A_840 = arith.constant 0 : i32
      %dma_wait3A_841 = tpu.memref_slice %arg6[%dma_wait3A_837, %dma_wait3A_838, %dma_wait3A_839, %dma_wait3A_840] : memref<4x8x50x64xf32, #tpu.memory_space<vmem>> -> memref<1x1x50x64xf32, #tpu.memory_space<vmem>>
      %dma_wait3A_842 = tpu.memref_squeeze %dma_wait3A_841 : memref<1x1x50x64xf32, #tpu.memory_space<vmem>> -> memref<50x64xf32, #tpu.memory_space<vmem>>
      %dma_wait3A_843 = arith.constant 0 : i32
      %dma_wait3A_844 = tpu.memref_slice %arg5[%dma_wait3A_835, %dma_wait3A_836, %dma_wait3A_843] : memref<4x8x50xi32, #tpu.memory_space<vmem>> -> memref<1x1x50xi32, #tpu.memory_space<vmem>>
      %dma_wait3A_845 = tpu.memref_squeeze %dma_wait3A_844 : memref<1x1x50xi32, #tpu.memory_space<vmem>> -> memref<50xi32, #tpu.memory_space<vmem>>
      %dma_wait3A_846 = arith.constant 0 : i32
      %dma_wait3A_847 = arith.constant 0 : i32
      %dma_wait3A_848 = tpu.memref_slice %arg3[%dma_wait3A_846, %dma_wait3A_847] : memref<1000000x64xf32, #tpu.memory_space<hbm>> -> memref<1000000x64xf32, #tpu.memory_space<hbm>>
      tpu.wait_indirect_dma semaphore(%arg10 : memref<!tpu.dma_semaphore, #tpu.memory_space<semaphore_mem>>) src(%dma_wait3A_848 : memref<1000000x64xf32, #tpu.memory_space<hbm>>) dst(%dma_wait3A_842 : memref<50x64xf32, #tpu.memory_space<vmem>>)
      %dma_wait3A_849 = arith.constant 3 : i32
      %dma_wait3A_850 = arith.constant 2 : i32
      %dma_wait3A_851 = arith.constant 3 : i32
      %dma_wait3A_852 = arith.constant 2 : i32
      %dma_wait3A_853 = arith.constant 0 : i32
      %dma_wait3A_854 = arith.constant 0 : i32
      %dma_wait3A_855 = tpu.memref_slice %arg6[%dma_wait3A_851, %dma_wait3A_852, %dma_wait3A_853, %dma_wait3A_854] : memref<4x8x50x64xf32, #tpu.memory_space<vmem>> -> memref<1x1x50x64xf32, #tpu.memory_space<vmem>>
      %dma_wait3A_856 = tpu.memref_squeeze %dma_wait3A_855 : memref<1x1x50x64xf32, #tpu.memory_space<vmem>> -> memref<50x64xf32, #tpu.memory_space<vmem>>
      %dma_wait3A_857 = arith.constant 0 : i32
      %dma_wait3A_858 = tpu.memref_slice %arg5[%dma_wait3A_849, %dma_wait3A_850, %dma_wait3A_857] : memref<4x8x50xi32, #tpu.memory_space<vmem>> -> memref<1x1x50xi32, #tpu.memory_space<vmem>>
      %dma_wait3A_859 = tpu.memref_squeeze %dma_wait3A_858 : memref<1x1x50xi32, #tpu.memory_space<vmem>> -> memref<50xi32, #tpu.memory_space<vmem>>
      %dma_wait3A_860 = arith.constant 0 : i32
      %dma_wait3A_861 = arith.constant 0 : i32
      %dma_wait3A_862 = tpu.memref_slice %arg3[%dma_wait3A_860, %dma_wait3A_861] : memref<1000000x64xf32, #tpu.memory_space<hbm>> -> memref<1000000x64xf32, #tpu.memory_space<hbm>>
      tpu.wait_indirect_dma semaphore(%arg10 : memref<!tpu.dma_semaphore, #tpu.memory_space<semaphore_mem>>) src(%dma_wait3A_862 : memref<1000000x64xf32, #tpu.memory_space<hbm>>) dst(%dma_wait3A_856 : memref<50x64xf32, #tpu.memory_space<vmem>>)
      %dma_wait3A_863 = arith.constant 3 : i32
      %dma_wait3A_864 = arith.constant 3 : i32
      %dma_wait3A_865 = arith.constant 3 : i32
      %dma_wait3A_866 = arith.constant 3 : i32
      %dma_wait3A_867 = arith.constant 0 : i32
      %dma_wait3A_868 = arith.constant 0 : i32
      %dma_wait3A_869 = tpu.memref_slice %arg6[%dma_wait3A_865, %dma_wait3A_866, %dma_wait3A_867, %dma_wait3A_868] : memref<4x8x50x64xf32, #tpu.memory_space<vmem>> -> memref<1x1x50x64xf32, #tpu.memory_space<vmem>>
      %dma_wait3A_870 = tpu.memref_squeeze %dma_wait3A_869 : memref<1x1x50x64xf32, #tpu.memory_space<vmem>> -> memref<50x64xf32, #tpu.memory_space<vmem>>
      %dma_wait3A_871 = arith.constant 0 : i32
      %dma_wait3A_872 = tpu.memref_slice %arg5[%dma_wait3A_863, %dma_wait3A_864, %dma_wait3A_871] : memref<4x8x50xi32, #tpu.memory_space<vmem>> -> memref<1x1x50xi32, #tpu.memory_space<vmem>>
      %dma_wait3A_873 = tpu.memref_squeeze %dma_wait3A_872 : memref<1x1x50xi32, #tpu.memory_space<vmem>> -> memref<50xi32, #tpu.memory_space<vmem>>
      %dma_wait3A_874 = arith.constant 0 : i32
      %dma_wait3A_875 = arith.constant 0 : i32
      %dma_wait3A_876 = tpu.memref_slice %arg3[%dma_wait3A_874, %dma_wait3A_875] : memref<1000000x64xf32, #tpu.memory_space<hbm>> -> memref<1000000x64xf32, #tpu.memory_space<hbm>>
      tpu.wait_indirect_dma semaphore(%arg10 : memref<!tpu.dma_semaphore, #tpu.memory_space<semaphore_mem>>) src(%dma_wait3A_876 : memref<1000000x64xf32, #tpu.memory_space<hbm>>) dst(%dma_wait3A_870 : memref<50x64xf32, #tpu.memory_space<vmem>>)
      %dma_wait3A_877 = arith.constant 3 : i32
      %dma_wait3A_878 = arith.constant 4 : i32
      %dma_wait3A_879 = arith.constant 3 : i32
      %dma_wait3A_880 = arith.constant 4 : i32
      %dma_wait3A_881 = arith.constant 0 : i32
      %dma_wait3A_882 = arith.constant 0 : i32
      %dma_wait3A_883 = tpu.memref_slice %arg6[%dma_wait3A_879, %dma_wait3A_880, %dma_wait3A_881, %dma_wait3A_882] : memref<4x8x50x64xf32, #tpu.memory_space<vmem>> -> memref<1x1x50x64xf32, #tpu.memory_space<vmem>>
      %dma_wait3A_884 = tpu.memref_squeeze %dma_wait3A_883 : memref<1x1x50x64xf32, #tpu.memory_space<vmem>> -> memref<50x64xf32, #tpu.memory_space<vmem>>
      %dma_wait3A_885 = arith.constant 0 : i32
      %dma_wait3A_886 = tpu.memref_slice %arg5[%dma_wait3A_877, %dma_wait3A_878, %dma_wait3A_885] : memref<4x8x50xi32, #tpu.memory_space<vmem>> -> memref<1x1x50xi32, #tpu.memory_space<vmem>>
      %dma_wait3A_887 = tpu.memref_squeeze %dma_wait3A_886 : memref<1x1x50xi32, #tpu.memory_space<vmem>> -> memref<50xi32, #tpu.memory_space<vmem>>
      %dma_wait3A_888 = arith.constant 0 : i32
      %dma_wait3A_889 = arith.constant 0 : i32
      %dma_wait3A_890 = tpu.memref_slice %arg3[%dma_wait3A_888, %dma_wait3A_889] : memref<1000000x64xf32, #tpu.memory_space<hbm>> -> memref<1000000x64xf32, #tpu.memory_space<hbm>>
      tpu.wait_indirect_dma semaphore(%arg10 : memref<!tpu.dma_semaphore, #tpu.memory_space<semaphore_mem>>) src(%dma_wait3A_890 : memref<1000000x64xf32, #tpu.memory_space<hbm>>) dst(%dma_wait3A_884 : memref<50x64xf32, #tpu.memory_space<vmem>>)
      %dma_wait3A_891 = arith.constant 3 : i32
      %dma_wait3A_892 = arith.constant 5 : i32
      %dma_wait3A_893 = arith.constant 3 : i32
      %dma_wait3A_894 = arith.constant 5 : i32
      %dma_wait3A_895 = arith.constant 0 : i32
      %dma_wait3A_896 = arith.constant 0 : i32
      %dma_wait3A_897 = tpu.memref_slice %arg6[%dma_wait3A_893, %dma_wait3A_894, %dma_wait3A_895, %dma_wait3A_896] : memref<4x8x50x64xf32, #tpu.memory_space<vmem>> -> memref<1x1x50x64xf32, #tpu.memory_space<vmem>>
      %dma_wait3A_898 = tpu.memref_squeeze %dma_wait3A_897 : memref<1x1x50x64xf32, #tpu.memory_space<vmem>> -> memref<50x64xf32, #tpu.memory_space<vmem>>
      %dma_wait3A_899 = arith.constant 0 : i32
      %dma_wait3A_900 = tpu.memref_slice %arg5[%dma_wait3A_891, %dma_wait3A_892, %dma_wait3A_899] : memref<4x8x50xi32, #tpu.memory_space<vmem>> -> memref<1x1x50xi32, #tpu.memory_space<vmem>>
      %dma_wait3A_901 = tpu.memref_squeeze %dma_wait3A_900 : memref<1x1x50xi32, #tpu.memory_space<vmem>> -> memref<50xi32, #tpu.memory_space<vmem>>
      %dma_wait3A_902 = arith.constant 0 : i32
      %dma_wait3A_903 = arith.constant 0 : i32
      %dma_wait3A_904 = tpu.memref_slice %arg3[%dma_wait3A_902, %dma_wait3A_903] : memref<1000000x64xf32, #tpu.memory_space<hbm>> -> memref<1000000x64xf32, #tpu.memory_space<hbm>>
      tpu.wait_indirect_dma semaphore(%arg10 : memref<!tpu.dma_semaphore, #tpu.memory_space<semaphore_mem>>) src(%dma_wait3A_904 : memref<1000000x64xf32, #tpu.memory_space<hbm>>) dst(%dma_wait3A_898 : memref<50x64xf32, #tpu.memory_space<vmem>>)
      %dma_wait3A_905 = arith.constant 3 : i32
      %dma_wait3A_906 = arith.constant 6 : i32
      %dma_wait3A_907 = arith.constant 3 : i32
      %dma_wait3A_908 = arith.constant 6 : i32
      %dma_wait3A_909 = arith.constant 0 : i32
      %dma_wait3A_910 = arith.constant 0 : i32
      %dma_wait3A_911 = tpu.memref_slice %arg6[%dma_wait3A_907, %dma_wait3A_908, %dma_wait3A_909, %dma_wait3A_910] : memref<4x8x50x64xf32, #tpu.memory_space<vmem>> -> memref<1x1x50x64xf32, #tpu.memory_space<vmem>>
      %dma_wait3A_912 = tpu.memref_squeeze %dma_wait3A_911 : memref<1x1x50x64xf32, #tpu.memory_space<vmem>> -> memref<50x64xf32, #tpu.memory_space<vmem>>
      %dma_wait3A_913 = arith.constant 0 : i32
      %dma_wait3A_914 = tpu.memref_slice %arg5[%dma_wait3A_905, %dma_wait3A_906, %dma_wait3A_913] : memref<4x8x50xi32, #tpu.memory_space<vmem>> -> memref<1x1x50xi32, #tpu.memory_space<vmem>>
      %dma_wait3A_915 = tpu.memref_squeeze %dma_wait3A_914 : memref<1x1x50xi32, #tpu.memory_space<vmem>> -> memref<50xi32, #tpu.memory_space<vmem>>
      %dma_wait3A_916 = arith.constant 0 : i32
      %dma_wait3A_917 = arith.constant 0 : i32
      %dma_wait3A_918 = tpu.memref_slice %arg3[%dma_wait3A_916, %dma_wait3A_917] : memref<1000000x64xf32, #tpu.memory_space<hbm>> -> memref<1000000x64xf32, #tpu.memory_space<hbm>>
      tpu.wait_indirect_dma semaphore(%arg10 : memref<!tpu.dma_semaphore, #tpu.memory_space<semaphore_mem>>) src(%dma_wait3A_918 : memref<1000000x64xf32, #tpu.memory_space<hbm>>) dst(%dma_wait3A_912 : memref<50x64xf32, #tpu.memory_space<vmem>>)
      %dma_wait3A_919 = arith.constant 3 : i32
      %dma_wait3A_920 = arith.constant 7 : i32
      %dma_wait3A_921 = arith.constant 3 : i32
      %dma_wait3A_922 = arith.constant 7 : i32
      %dma_wait3A_923 = arith.constant 0 : i32
      %dma_wait3A_924 = arith.constant 0 : i32
      %dma_wait3A_925 = tpu.memref_slice %arg6[%dma_wait3A_921, %dma_wait3A_922, %dma_wait3A_923, %dma_wait3A_924] : memref<4x8x50x64xf32, #tpu.memory_space<vmem>> -> memref<1x1x50x64xf32, #tpu.memory_space<vmem>>
      %dma_wait3A_926 = tpu.memref_squeeze %dma_wait3A_925 : memref<1x1x50x64xf32, #tpu.memory_space<vmem>> -> memref<50x64xf32, #tpu.memory_space<vmem>>
      %dma_wait3A_927 = arith.constant 0 : i32
      %dma_wait3A_928 = tpu.memref_slice %arg5[%dma_wait3A_919, %dma_wait3A_920, %dma_wait3A_927] : memref<4x8x50xi32, #tpu.memory_space<vmem>> -> memref<1x1x50xi32, #tpu.memory_space<vmem>>
      %dma_wait3A_929 = tpu.memref_squeeze %dma_wait3A_928 : memref<1x1x50xi32, #tpu.memory_space<vmem>> -> memref<50xi32, #tpu.memory_space<vmem>>
      %dma_wait3A_930 = arith.constant 0 : i32
      %dma_wait3A_931 = arith.constant 0 : i32
      %dma_wait3A_932 = tpu.memref_slice %arg3[%dma_wait3A_930, %dma_wait3A_931] : memref<1000000x64xf32, #tpu.memory_space<hbm>> -> memref<1000000x64xf32, #tpu.memory_space<hbm>>
      tpu.wait_indirect_dma semaphore(%arg10 : memref<!tpu.dma_semaphore, #tpu.memory_space<semaphore_mem>>) src(%dma_wait3A_932 : memref<1000000x64xf32, #tpu.memory_space<hbm>>) dst(%dma_wait3A_926 : memref<50x64xf32, #tpu.memory_space<vmem>>)
      %mul3A_933 = arith.constant 8 : i32
      %mul3A_934 = arith.muli %add3A_820, %mul3A_933 : i32
      %add3A_935 = arith.addi %mul3A_2, %mul3A_934 : i32
      %dma_start3A_936 = arith.constant 3 : i32
      %dma_start3A_937 = arith.constant 0 : i32
      %dma_start3A_938 = arith.constant 0 : i32
      %dma_start3A_939 = arith.constant 0 : i32
      %dma_start3A_940 = tpu.memref_slice %arg6[%dma_start3A_936, %dma_start3A_937, %dma_start3A_938, %dma_start3A_939] : memref<4x8x50x64xf32, #tpu.memory_space<vmem>> -> memref<1x8x50x64xf32, #tpu.memory_space<vmem>>
      %dma_start3A_941 = tpu.memref_squeeze %dma_start3A_940 : memref<1x8x50x64xf32, #tpu.memory_space<vmem>> -> memref<8x50x64xf32, #tpu.memory_space<vmem>>
      %dma_start3A_942 = arith.constant 0 : i32
      %dma_start3A_943 = arith.constant 0 : i32
      %dma_start3A_944 = tpu.memref_slice %arg4[%add3A_935, %dma_start3A_942, %dma_start3A_943] : memref<16384x50x64xf32, #tpu.memory_space<hbm>> -> memref<8x50x64xf32, #tpu.memory_space<hbm>>
      %dma_start3A_945 = arith.constant 0 : i32
      %dma_start3A_946 = arith.constant 0 : i32
      %dma_start3A_947 = tpu.memref_slice %arg4[%add3A_935, %dma_start3A_945, %dma_start3A_946] : memref<16384x50x64xf32, #tpu.memory_space<hbm>> -> memref<8x50x64xf32, #tpu.memory_space<hbm>>
      %dma_start3A_948 = arith.constant 0 : i32
      %dma_start3A_949 = arith.constant 0 : i32
      %dma_start3A_950 = arith.constant 0 : i32
      %dma_start3A_951 = tpu.memref_slice %arg6[%dma_start3A_936, %dma_start3A_948, %dma_start3A_949, %dma_start3A_950] : memref<4x8x50x64xf32, #tpu.memory_space<vmem>> -> memref<1x8x50x64xf32, #tpu.memory_space<vmem>>
      %dma_start3A_952 = tpu.memref_squeeze %dma_start3A_951 : memref<1x8x50x64xf32, #tpu.memory_space<vmem>> -> memref<8x50x64xf32, #tpu.memory_space<vmem>>
      tpu.enqueue_dma source(%dma_start3A_952 : memref<8x50x64xf32, #tpu.memory_space<vmem>>) target(%dma_start3A_947 : memref<8x50x64xf32, #tpu.memory_space<hbm>>) target_semaphore(%arg14 : memref<!tpu.dma_semaphore, #tpu.memory_space<semaphore_mem>>)
      %ge3A_953 = arith.constant 1 : i32
      %ge3A_954 = arith.cmpi sge, %add3A_820, %ge3A_953 : i32
      %convert_element_type3A_955 = arith.extui %ge3A_954 : i1 to i32
      %cond3A_956 = arith.constant 0 : i32
      %cond3A_957 = arith.cmpi ne, %convert_element_type3A_955, %cond3A_956 : i32
      scf.if %cond3A_957 {
        %sub3A_968 = arith.constant 1 : i32
        %sub3A_969 = arith.subi %add3A_820, %sub3A_968 : i32
        %mul3A_970 = arith.constant 8 : i32
        %mul3A_971 = arith.muli %sub3A_969, %mul3A_970 : i32
        %add3A_972 = arith.addi %mul3A_2, %mul3A_971 : i32
        %dma_wait3A_973 = arith.constant 2 : i32
        %dma_wait3A_974 = arith.constant 0 : i32
        %dma_wait3A_975 = arith.constant 0 : i32
        %dma_wait3A_976 = arith.constant 0 : i32
        %dma_wait3A_977 = tpu.memref_slice %arg6[%dma_wait3A_973, %dma_wait3A_974, %dma_wait3A_975, %dma_wait3A_976] : memref<4x8x50x64xf32, #tpu.memory_space<vmem>> -> memref<1x8x50x64xf32, #tpu.memory_space<vmem>>
        %dma_wait3A_978 = tpu.memref_squeeze %dma_wait3A_977 : memref<1x8x50x64xf32, #tpu.memory_space<vmem>> -> memref<8x50x64xf32, #tpu.memory_space<vmem>>
        %dma_wait3A_979 = arith.constant 0 : i32
        %dma_wait3A_980 = arith.constant 0 : i32
        %dma_wait3A_981 = tpu.memref_slice %arg4[%add3A_972, %dma_wait3A_979, %dma_wait3A_980] : memref<16384x50x64xf32, #tpu.memory_space<hbm>> -> memref<8x50x64xf32, #tpu.memory_space<hbm>>
        %dma_wait3A_982 = arith.constant 0 : i32
        %dma_wait3A_983 = arith.constant 0 : i32
        %dma_wait3A_984 = tpu.memref_slice %arg4[%add3A_972, %dma_wait3A_982, %dma_wait3A_983] : memref<16384x50x64xf32, #tpu.memory_space<hbm>> -> memref<8x50x64xf32, #tpu.memory_space<hbm>>
        %dma_wait3A_985 = arith.constant 0 : i32
        %dma_wait3A_986 = arith.constant 0 : i32
        %dma_wait3A_987 = arith.constant 0 : i32
        %dma_wait3A_988 = tpu.memref_slice %arg6[%dma_wait3A_973, %dma_wait3A_985, %dma_wait3A_986, %dma_wait3A_987] : memref<4x8x50x64xf32, #tpu.memory_space<vmem>> -> memref<1x8x50x64xf32, #tpu.memory_space<vmem>>
        %dma_wait3A_989 = tpu.memref_squeeze %dma_wait3A_988 : memref<1x8x50x64xf32, #tpu.memory_space<vmem>> -> memref<8x50x64xf32, #tpu.memory_space<vmem>>
        tpu.wait_dma2 semaphore(%arg13 : memref<!tpu.dma_semaphore, #tpu.memory_space<semaphore_mem>>) src(%dma_wait3A_989 : memref<8x50x64xf32, #tpu.memory_space<vmem>>) dst(%dma_wait3A_984 : memref<8x50x64xf32, #tpu.memory_space<hbm>>)
      } else {
      }
      %add3A_958 = arith.constant 4 : i32
      %add3A_959 = arith.addi %add3A_820, %add3A_958 : i32
      %sub3A_960 = arith.constant 1 : i32
      %sub3A_961 = arith.subi %add3A_959, %sub3A_960 : i32
      %lt3A_962 = arith.constant 64 : i32
      %lt3A_963 = arith.cmpi slt, %sub3A_961, %lt3A_962 : i32
      %convert_element_type3A_964 = arith.extui %lt3A_963 : i1 to i32
      %cond3A_965 = arith.constant 0 : i32
      %cond3A_966 = arith.cmpi ne, %convert_element_type3A_964, %cond3A_965 : i32
      scf.if %cond3A_966 {
        %add3A_968 = arith.constant 4 : i32
        %add3A_969 = arith.addi %add3A_820, %add3A_968 : i32
        %sub3A_970 = arith.constant 1 : i32
        %sub3A_971 = arith.subi %add3A_969, %sub3A_970 : i32
        %mul3A_972 = arith.constant 8 : i32
        %mul3A_973 = arith.muli %sub3A_971, %mul3A_972 : i32
        %add3A_974 = arith.addi %mul3A_2, %mul3A_973 : i32
        %run_scoped3A_975 = arith.constant 2 : i32
        "tpu.region"() ({
          %run_scoped3A_1088 = tpu.sem_alloc : memref<!tpu.dma_semaphore, #tpu.memory_space<semaphore_mem>>
          %dma_start3A_1089 = arith.constant 0 : i32
          %dma_start3A_1090 = arith.constant 0 : i32
          %dma_start3A_1091 = tpu.memref_slice %arg5[%run_scoped3A_975, %dma_start3A_1089, %dma_start3A_1090] : memref<4x8x50xi32, #tpu.memory_space<vmem>> -> memref<1x8x50xi32, #tpu.memory_space<vmem>>
          %dma_start3A_1092 = tpu.memref_squeeze %dma_start3A_1091 : memref<1x8x50xi32, #tpu.memory_space<vmem>> -> memref<8x50xi32, #tpu.memory_space<vmem>>
          %dma_start3A_1093 = arith.constant 0 : i32
          %dma_start3A_1094 = tpu.memref_slice %arg2[%add3A_974, %dma_start3A_1093] : memref<16384x50xi32, #tpu.memory_space<hbm>> -> memref<8x50xi32, #tpu.memory_space<hbm>>
          %dma_start3A_1095 = arith.constant 0 : i32
          %dma_start3A_1096 = arith.constant 0 : i32
          %dma_start3A_1097 = tpu.memref_slice %arg5[%run_scoped3A_975, %dma_start3A_1095, %dma_start3A_1096] : memref<4x8x50xi32, #tpu.memory_space<vmem>> -> memref<1x8x50xi32, #tpu.memory_space<vmem>>
          %dma_start3A_1098 = tpu.memref_squeeze %dma_start3A_1097 : memref<1x8x50xi32, #tpu.memory_space<vmem>> -> memref<8x50xi32, #tpu.memory_space<vmem>>
          %dma_start3A_1099 = arith.constant 0 : i32
          %dma_start3A_1100 = tpu.memref_slice %arg2[%add3A_974, %dma_start3A_1099] : memref<16384x50xi32, #tpu.memory_space<hbm>> -> memref<8x50xi32, #tpu.memory_space<hbm>>
          tpu.enqueue_dma source(%dma_start3A_1100 : memref<8x50xi32, #tpu.memory_space<hbm>>) target(%dma_start3A_1098 : memref<8x50xi32, #tpu.memory_space<vmem>>) target_semaphore(%run_scoped3A_1088 : memref<!tpu.dma_semaphore, #tpu.memory_space<semaphore_mem>>)
          %dma_wait3A_1101 = arith.constant 0 : i32
          %dma_wait3A_1102 = arith.constant 0 : i32
          %dma_wait3A_1103 = tpu.memref_slice %arg5[%run_scoped3A_975, %dma_wait3A_1101, %dma_wait3A_1102] : memref<4x8x50xi32, #tpu.memory_space<vmem>> -> memref<1x8x50xi32, #tpu.memory_space<vmem>>
          %dma_wait3A_1104 = tpu.memref_squeeze %dma_wait3A_1103 : memref<1x8x50xi32, #tpu.memory_space<vmem>> -> memref<8x50xi32, #tpu.memory_space<vmem>>
          %dma_wait3A_1105 = arith.constant 0 : i32
          %dma_wait3A_1106 = tpu.memref_slice %arg2[%add3A_974, %dma_wait3A_1105] : memref<16384x50xi32, #tpu.memory_space<hbm>> -> memref<8x50xi32, #tpu.memory_space<hbm>>
          %dma_wait3A_1107 = arith.constant 0 : i32
          %dma_wait3A_1108 = arith.constant 0 : i32
          %dma_wait3A_1109 = tpu.memref_slice %arg5[%run_scoped3A_975, %dma_wait3A_1107, %dma_wait3A_1108] : memref<4x8x50xi32, #tpu.memory_space<vmem>> -> memref<1x8x50xi32, #tpu.memory_space<vmem>>
          %dma_wait3A_1110 = tpu.memref_squeeze %dma_wait3A_1109 : memref<1x8x50xi32, #tpu.memory_space<vmem>> -> memref<8x50xi32, #tpu.memory_space<vmem>>
          %dma_wait3A_1111 = arith.constant 0 : i32
          %dma_wait3A_1112 = tpu.memref_slice %arg2[%add3A_974, %dma_wait3A_1111] : memref<16384x50xi32, #tpu.memory_space<hbm>> -> memref<8x50xi32, #tpu.memory_space<hbm>>
          tpu.wait_dma2 semaphore(%run_scoped3A_1088 : memref<!tpu.dma_semaphore, #tpu.memory_space<semaphore_mem>>) src(%dma_wait3A_1112 : memref<8x50xi32, #tpu.memory_space<hbm>>) dst(%dma_wait3A_1110 : memref<8x50xi32, #tpu.memory_space<vmem>>)
          tpu.yield
        }) : () -> ()
        %dma_start3A_976 = arith.constant 2 : i32
        %dma_start3A_977 = arith.constant 0 : i32
        %dma_start3A_978 = arith.constant 2 : i32
        %dma_start3A_979 = arith.constant 0 : i32
        %dma_start3A_980 = arith.constant 0 : i32
        %dma_start3A_981 = arith.constant 0 : i32
        %dma_start3A_982 = tpu.memref_slice %arg6[%dma_start3A_978, %dma_start3A_979, %dma_start3A_980, %dma_start3A_981] : memref<4x8x50x64xf32, #tpu.memory_space<vmem>> -> memref<1x1x50x64xf32, #tpu.memory_space<vmem>>
        %dma_start3A_983 = tpu.memref_squeeze %dma_start3A_982 : memref<1x1x50x64xf32, #tpu.memory_space<vmem>> -> memref<50x64xf32, #tpu.memory_space<vmem>>
        %dma_start3A_984 = arith.constant 0 : i32
        %dma_start3A_985 = tpu.memref_slice %arg5[%dma_start3A_976, %dma_start3A_977, %dma_start3A_984] : memref<4x8x50xi32, #tpu.memory_space<vmem>> -> memref<1x1x50xi32, #tpu.memory_space<vmem>>
        %dma_start3A_986 = tpu.memref_squeeze %dma_start3A_985 : memref<1x1x50xi32, #tpu.memory_space<vmem>> -> memref<50xi32, #tpu.memory_space<vmem>>
        %dma_start3A_987 = arith.constant 0 : i32
        %dma_start3A_988 = arith.constant 0 : i32
        %dma_start3A_989 = tpu.memref_slice %arg3[%dma_start3A_987, %dma_start3A_988] : memref<1000000x64xf32, #tpu.memory_space<hbm>> -> memref<1000000x64xf32, #tpu.memory_space<hbm>>
        tpu.enqueue_indirect_dma source(%dma_start3A_989 : memref<1000000x64xf32, #tpu.memory_space<hbm>>) target(%dma_start3A_983 : memref<50x64xf32, #tpu.memory_space<vmem>>) offsets(%dma_start3A_986 : memref<50xi32, #tpu.memory_space<vmem>>) semaphore(%arg9 : memref<!tpu.dma_semaphore, #tpu.memory_space<semaphore_mem>>)
        %dma_start3A_990 = arith.constant 2 : i32
        %dma_start3A_991 = arith.constant 1 : i32
        %dma_start3A_992 = arith.constant 2 : i32
        %dma_start3A_993 = arith.constant 1 : i32
        %dma_start3A_994 = arith.constant 0 : i32
        %dma_start3A_995 = arith.constant 0 : i32
        %dma_start3A_996 = tpu.memref_slice %arg6[%dma_start3A_992, %dma_start3A_993, %dma_start3A_994, %dma_start3A_995] : memref<4x8x50x64xf32, #tpu.memory_space<vmem>> -> memref<1x1x50x64xf32, #tpu.memory_space<vmem>>
        %dma_start3A_997 = tpu.memref_squeeze %dma_start3A_996 : memref<1x1x50x64xf32, #tpu.memory_space<vmem>> -> memref<50x64xf32, #tpu.memory_space<vmem>>
        %dma_start3A_998 = arith.constant 0 : i32
        %dma_start3A_999 = tpu.memref_slice %arg5[%dma_start3A_990, %dma_start3A_991, %dma_start3A_998] : memref<4x8x50xi32, #tpu.memory_space<vmem>> -> memref<1x1x50xi32, #tpu.memory_space<vmem>>
        %dma_start3A_1000 = tpu.memref_squeeze %dma_start3A_999 : memref<1x1x50xi32, #tpu.memory_space<vmem>> -> memref<50xi32, #tpu.memory_space<vmem>>
        %dma_start3A_1001 = arith.constant 0 : i32
        %dma_start3A_1002 = arith.constant 0 : i32
        %dma_start3A_1003 = tpu.memref_slice %arg3[%dma_start3A_1001, %dma_start3A_1002] : memref<1000000x64xf32, #tpu.memory_space<hbm>> -> memref<1000000x64xf32, #tpu.memory_space<hbm>>
        tpu.enqueue_indirect_dma source(%dma_start3A_1003 : memref<1000000x64xf32, #tpu.memory_space<hbm>>) target(%dma_start3A_997 : memref<50x64xf32, #tpu.memory_space<vmem>>) offsets(%dma_start3A_1000 : memref<50xi32, #tpu.memory_space<vmem>>) semaphore(%arg9 : memref<!tpu.dma_semaphore, #tpu.memory_space<semaphore_mem>>)
        %dma_start3A_1004 = arith.constant 2 : i32
        %dma_start3A_1005 = arith.constant 2 : i32
        %dma_start3A_1006 = arith.constant 2 : i32
        %dma_start3A_1007 = arith.constant 2 : i32
        %dma_start3A_1008 = arith.constant 0 : i32
        %dma_start3A_1009 = arith.constant 0 : i32
        %dma_start3A_1010 = tpu.memref_slice %arg6[%dma_start3A_1006, %dma_start3A_1007, %dma_start3A_1008, %dma_start3A_1009] : memref<4x8x50x64xf32, #tpu.memory_space<vmem>> -> memref<1x1x50x64xf32, #tpu.memory_space<vmem>>
        %dma_start3A_1011 = tpu.memref_squeeze %dma_start3A_1010 : memref<1x1x50x64xf32, #tpu.memory_space<vmem>> -> memref<50x64xf32, #tpu.memory_space<vmem>>
        %dma_start3A_1012 = arith.constant 0 : i32
        %dma_start3A_1013 = tpu.memref_slice %arg5[%dma_start3A_1004, %dma_start3A_1005, %dma_start3A_1012] : memref<4x8x50xi32, #tpu.memory_space<vmem>> -> memref<1x1x50xi32, #tpu.memory_space<vmem>>
        %dma_start3A_1014 = tpu.memref_squeeze %dma_start3A_1013 : memref<1x1x50xi32, #tpu.memory_space<vmem>> -> memref<50xi32, #tpu.memory_space<vmem>>
        %dma_start3A_1015 = arith.constant 0 : i32
        %dma_start3A_1016 = arith.constant 0 : i32
        %dma_start3A_1017 = tpu.memref_slice %arg3[%dma_start3A_1015, %dma_start3A_1016] : memref<1000000x64xf32, #tpu.memory_space<hbm>> -> memref<1000000x64xf32, #tpu.memory_space<hbm>>
        tpu.enqueue_indirect_dma source(%dma_start3A_1017 : memref<1000000x64xf32, #tpu.memory_space<hbm>>) target(%dma_start3A_1011 : memref<50x64xf32, #tpu.memory_space<vmem>>) offsets(%dma_start3A_1014 : memref<50xi32, #tpu.memory_space<vmem>>) semaphore(%arg9 : memref<!tpu.dma_semaphore, #tpu.memory_space<semaphore_mem>>)
        %dma_start3A_1018 = arith.constant 2 : i32
        %dma_start3A_1019 = arith.constant 3 : i32
        %dma_start3A_1020 = arith.constant 2 : i32
        %dma_start3A_1021 = arith.constant 3 : i32
        %dma_start3A_1022 = arith.constant 0 : i32
        %dma_start3A_1023 = arith.constant 0 : i32
        %dma_start3A_1024 = tpu.memref_slice %arg6[%dma_start3A_1020, %dma_start3A_1021, %dma_start3A_1022, %dma_start3A_1023] : memref<4x8x50x64xf32, #tpu.memory_space<vmem>> -> memref<1x1x50x64xf32, #tpu.memory_space<vmem>>
        %dma_start3A_1025 = tpu.memref_squeeze %dma_start3A_1024 : memref<1x1x50x64xf32, #tpu.memory_space<vmem>> -> memref<50x64xf32, #tpu.memory_space<vmem>>
        %dma_start3A_1026 = arith.constant 0 : i32
        %dma_start3A_1027 = tpu.memref_slice %arg5[%dma_start3A_1018, %dma_start3A_1019, %dma_start3A_1026] : memref<4x8x50xi32, #tpu.memory_space<vmem>> -> memref<1x1x50xi32, #tpu.memory_space<vmem>>
        %dma_start3A_1028 = tpu.memref_squeeze %dma_start3A_1027 : memref<1x1x50xi32, #tpu.memory_space<vmem>> -> memref<50xi32, #tpu.memory_space<vmem>>
        %dma_start3A_1029 = arith.constant 0 : i32
        %dma_start3A_1030 = arith.constant 0 : i32
        %dma_start3A_1031 = tpu.memref_slice %arg3[%dma_start3A_1029, %dma_start3A_1030] : memref<1000000x64xf32, #tpu.memory_space<hbm>> -> memref<1000000x64xf32, #tpu.memory_space<hbm>>
        tpu.enqueue_indirect_dma source(%dma_start3A_1031 : memref<1000000x64xf32, #tpu.memory_space<hbm>>) target(%dma_start3A_1025 : memref<50x64xf32, #tpu.memory_space<vmem>>) offsets(%dma_start3A_1028 : memref<50xi32, #tpu.memory_space<vmem>>) semaphore(%arg9 : memref<!tpu.dma_semaphore, #tpu.memory_space<semaphore_mem>>)
        %dma_start3A_1032 = arith.constant 2 : i32
        %dma_start3A_1033 = arith.constant 4 : i32
        %dma_start3A_1034 = arith.constant 2 : i32
        %dma_start3A_1035 = arith.constant 4 : i32
        %dma_start3A_1036 = arith.constant 0 : i32
        %dma_start3A_1037 = arith.constant 0 : i32
        %dma_start3A_1038 = tpu.memref_slice %arg6[%dma_start3A_1034, %dma_start3A_1035, %dma_start3A_1036, %dma_start3A_1037] : memref<4x8x50x64xf32, #tpu.memory_space<vmem>> -> memref<1x1x50x64xf32, #tpu.memory_space<vmem>>
        %dma_start3A_1039 = tpu.memref_squeeze %dma_start3A_1038 : memref<1x1x50x64xf32, #tpu.memory_space<vmem>> -> memref<50x64xf32, #tpu.memory_space<vmem>>
        %dma_start3A_1040 = arith.constant 0 : i32
        %dma_start3A_1041 = tpu.memref_slice %arg5[%dma_start3A_1032, %dma_start3A_1033, %dma_start3A_1040] : memref<4x8x50xi32, #tpu.memory_space<vmem>> -> memref<1x1x50xi32, #tpu.memory_space<vmem>>
        %dma_start3A_1042 = tpu.memref_squeeze %dma_start3A_1041 : memref<1x1x50xi32, #tpu.memory_space<vmem>> -> memref<50xi32, #tpu.memory_space<vmem>>
        %dma_start3A_1043 = arith.constant 0 : i32
        %dma_start3A_1044 = arith.constant 0 : i32
        %dma_start3A_1045 = tpu.memref_slice %arg3[%dma_start3A_1043, %dma_start3A_1044] : memref<1000000x64xf32, #tpu.memory_space<hbm>> -> memref<1000000x64xf32, #tpu.memory_space<hbm>>
        tpu.enqueue_indirect_dma source(%dma_start3A_1045 : memref<1000000x64xf32, #tpu.memory_space<hbm>>) target(%dma_start3A_1039 : memref<50x64xf32, #tpu.memory_space<vmem>>) offsets(%dma_start3A_1042 : memref<50xi32, #tpu.memory_space<vmem>>) semaphore(%arg9 : memref<!tpu.dma_semaphore, #tpu.memory_space<semaphore_mem>>)
        %dma_start3A_1046 = arith.constant 2 : i32
        %dma_start3A_1047 = arith.constant 5 : i32
        %dma_start3A_1048 = arith.constant 2 : i32
        %dma_start3A_1049 = arith.constant 5 : i32
        %dma_start3A_1050 = arith.constant 0 : i32
        %dma_start3A_1051 = arith.constant 0 : i32
        %dma_start3A_1052 = tpu.memref_slice %arg6[%dma_start3A_1048, %dma_start3A_1049, %dma_start3A_1050, %dma_start3A_1051] : memref<4x8x50x64xf32, #tpu.memory_space<vmem>> -> memref<1x1x50x64xf32, #tpu.memory_space<vmem>>
        %dma_start3A_1053 = tpu.memref_squeeze %dma_start3A_1052 : memref<1x1x50x64xf32, #tpu.memory_space<vmem>> -> memref<50x64xf32, #tpu.memory_space<vmem>>
        %dma_start3A_1054 = arith.constant 0 : i32
        %dma_start3A_1055 = tpu.memref_slice %arg5[%dma_start3A_1046, %dma_start3A_1047, %dma_start3A_1054] : memref<4x8x50xi32, #tpu.memory_space<vmem>> -> memref<1x1x50xi32, #tpu.memory_space<vmem>>
        %dma_start3A_1056 = tpu.memref_squeeze %dma_start3A_1055 : memref<1x1x50xi32, #tpu.memory_space<vmem>> -> memref<50xi32, #tpu.memory_space<vmem>>
        %dma_start3A_1057 = arith.constant 0 : i32
        %dma_start3A_1058 = arith.constant 0 : i32
        %dma_start3A_1059 = tpu.memref_slice %arg3[%dma_start3A_1057, %dma_start3A_1058] : memref<1000000x64xf32, #tpu.memory_space<hbm>> -> memref<1000000x64xf32, #tpu.memory_space<hbm>>
        tpu.enqueue_indirect_dma source(%dma_start3A_1059 : memref<1000000x64xf32, #tpu.memory_space<hbm>>) target(%dma_start3A_1053 : memref<50x64xf32, #tpu.memory_space<vmem>>) offsets(%dma_start3A_1056 : memref<50xi32, #tpu.memory_space<vmem>>) semaphore(%arg9 : memref<!tpu.dma_semaphore, #tpu.memory_space<semaphore_mem>>)
        %dma_start3A_1060 = arith.constant 2 : i32
        %dma_start3A_1061 = arith.constant 6 : i32
        %dma_start3A_1062 = arith.constant 2 : i32
        %dma_start3A_1063 = arith.constant 6 : i32
        %dma_start3A_1064 = arith.constant 0 : i32
        %dma_start3A_1065 = arith.constant 0 : i32
        %dma_start3A_1066 = tpu.memref_slice %arg6[%dma_start3A_1062, %dma_start3A_1063, %dma_start3A_1064, %dma_start3A_1065] : memref<4x8x50x64xf32, #tpu.memory_space<vmem>> -> memref<1x1x50x64xf32, #tpu.memory_space<vmem>>
        %dma_start3A_1067 = tpu.memref_squeeze %dma_start3A_1066 : memref<1x1x50x64xf32, #tpu.memory_space<vmem>> -> memref<50x64xf32, #tpu.memory_space<vmem>>
        %dma_start3A_1068 = arith.constant 0 : i32
        %dma_start3A_1069 = tpu.memref_slice %arg5[%dma_start3A_1060, %dma_start3A_1061, %dma_start3A_1068] : memref<4x8x50xi32, #tpu.memory_space<vmem>> -> memref<1x1x50xi32, #tpu.memory_space<vmem>>
        %dma_start3A_1070 = tpu.memref_squeeze %dma_start3A_1069 : memref<1x1x50xi32, #tpu.memory_space<vmem>> -> memref<50xi32, #tpu.memory_space<vmem>>
        %dma_start3A_1071 = arith.constant 0 : i32
        %dma_start3A_1072 = arith.constant 0 : i32
        %dma_start3A_1073 = tpu.memref_slice %arg3[%dma_start3A_1071, %dma_start3A_1072] : memref<1000000x64xf32, #tpu.memory_space<hbm>> -> memref<1000000x64xf32, #tpu.memory_space<hbm>>
        tpu.enqueue_indirect_dma source(%dma_start3A_1073 : memref<1000000x64xf32, #tpu.memory_space<hbm>>) target(%dma_start3A_1067 : memref<50x64xf32, #tpu.memory_space<vmem>>) offsets(%dma_start3A_1070 : memref<50xi32, #tpu.memory_space<vmem>>) semaphore(%arg9 : memref<!tpu.dma_semaphore, #tpu.memory_space<semaphore_mem>>)
        %dma_start3A_1074 = arith.constant 2 : i32
        %dma_start3A_1075 = arith.constant 7 : i32
        %dma_start3A_1076 = arith.constant 2 : i32
        %dma_start3A_1077 = arith.constant 7 : i32
        %dma_start3A_1078 = arith.constant 0 : i32
        %dma_start3A_1079 = arith.constant 0 : i32
        %dma_start3A_1080 = tpu.memref_slice %arg6[%dma_start3A_1076, %dma_start3A_1077, %dma_start3A_1078, %dma_start3A_1079] : memref<4x8x50x64xf32, #tpu.memory_space<vmem>> -> memref<1x1x50x64xf32, #tpu.memory_space<vmem>>
        %dma_start3A_1081 = tpu.memref_squeeze %dma_start3A_1080 : memref<1x1x50x64xf32, #tpu.memory_space<vmem>> -> memref<50x64xf32, #tpu.memory_space<vmem>>
        %dma_start3A_1082 = arith.constant 0 : i32
        %dma_start3A_1083 = tpu.memref_slice %arg5[%dma_start3A_1074, %dma_start3A_1075, %dma_start3A_1082] : memref<4x8x50xi32, #tpu.memory_space<vmem>> -> memref<1x1x50xi32, #tpu.memory_space<vmem>>
        %dma_start3A_1084 = tpu.memref_squeeze %dma_start3A_1083 : memref<1x1x50xi32, #tpu.memory_space<vmem>> -> memref<50xi32, #tpu.memory_space<vmem>>
        %dma_start3A_1085 = arith.constant 0 : i32
        %dma_start3A_1086 = arith.constant 0 : i32
        %dma_start3A_1087 = tpu.memref_slice %arg3[%dma_start3A_1085, %dma_start3A_1086] : memref<1000000x64xf32, #tpu.memory_space<hbm>> -> memref<1000000x64xf32, #tpu.memory_space<hbm>>
        tpu.enqueue_indirect_dma source(%dma_start3A_1087 : memref<1000000x64xf32, #tpu.memory_space<hbm>>) target(%dma_start3A_1081 : memref<50x64xf32, #tpu.memory_space<vmem>>) offsets(%dma_start3A_1084 : memref<50xi32, #tpu.memory_space<vmem>>) semaphore(%arg9 : memref<!tpu.dma_semaphore, #tpu.memory_space<semaphore_mem>>)
      } else {
      }
      %scan3A_967 = arith.constant 0 : i32
      scf.yield %scan3A_967 : i32
    }
    %scan3A_351 = arith.constant 16 : i32
    %add3A_352 = arith.constant 504 : i32
    %add3A_353 = arith.addi %mul3A_2, %add3A_352 : i32
    %dma_wait3A = arith.constant 3 : i32
    %dma_wait3A_354 = arith.constant 0 : i32
    %dma_wait3A_355 = arith.constant 0 : i32
    %dma_wait3A_356 = arith.constant 0 : i32
    %dma_wait3A_357 = tpu.memref_slice %arg6[%dma_wait3A, %dma_wait3A_354, %dma_wait3A_355, %dma_wait3A_356] : memref<4x8x50x64xf32, #tpu.memory_space<vmem>> -> memref<1x8x50x64xf32, #tpu.memory_space<vmem>>
    %dma_wait3A_358 = tpu.memref_squeeze %dma_wait3A_357 : memref<1x8x50x64xf32, #tpu.memory_space<vmem>> -> memref<8x50x64xf32, #tpu.memory_space<vmem>>
    %dma_wait3A_359 = arith.constant 0 : i32
    %dma_wait3A_360 = arith.constant 0 : i32
    %dma_wait3A_361 = tpu.memref_slice %arg4[%add3A_353, %dma_wait3A_359, %dma_wait3A_360] : memref<16384x50x64xf32, #tpu.memory_space<hbm>> -> memref<8x50x64xf32, #tpu.memory_space<hbm>>
    %dma_wait3A_362 = arith.constant 0 : i32
    %dma_wait3A_363 = arith.constant 0 : i32
    %dma_wait3A_364 = tpu.memref_slice %arg4[%add3A_353, %dma_wait3A_362, %dma_wait3A_363] : memref<16384x50x64xf32, #tpu.memory_space<hbm>> -> memref<8x50x64xf32, #tpu.memory_space<hbm>>
    %dma_wait3A_365 = arith.constant 0 : i32
    %dma_wait3A_366 = arith.constant 0 : i32
    %dma_wait3A_367 = arith.constant 0 : i32
    %dma_wait3A_368 = tpu.memref_slice %arg6[%dma_wait3A, %dma_wait3A_365, %dma_wait3A_366, %dma_wait3A_367] : memref<4x8x50x64xf32, #tpu.memory_space<vmem>> -> memref<1x8x50x64xf32, #tpu.memory_space<vmem>>
    %dma_wait3A_369 = tpu.memref_squeeze %dma_wait3A_368 : memref<1x8x50x64xf32, #tpu.memory_space<vmem>> -> memref<8x50x64xf32, #tpu.memory_space<vmem>>
    tpu.wait_dma2 semaphore(%arg14 : memref<!tpu.dma_semaphore, #tpu.memory_space<semaphore_mem>>) src(%dma_wait3A_369 : memref<8x50x64xf32, #tpu.memory_space<vmem>>) dst(%dma_wait3A_364 : memref<8x50x64xf32, #tpu.memory_space<hbm>>)
    return
  }
}

module attributes {stable_mosaic.version = 14 : i64} {
  func.func @_ln_kernel(%arg0: i32, %arg1: memref<128x50x64xf32, #tpu.memory_space<vmem>>, %arg2: memref<1x64xf32, #tpu.memory_space<vmem>>, %arg3: memref<1x64xf32, #tpu.memory_space<vmem>>, %arg4: memref<128x50x64xf32, #tpu.memory_space<vmem>>) attributes {dimension_semantics = [#tpu.dimension_semantics<arbitrary>], iteration_bounds = array<i64: 128>, scalar_prefetch = 0 : i64, scratch_operands = 0 : i64, tpu.core_type = #tpu.core_type<tc>, window_params = [{transform_indices = @transform_0, window_bounds = array<i64: 128, 50, 64>}, {pipeline_mode = #tpu.pipeline_mode<synchronous>, transform_indices = @transform_1, window_bounds = array<i64: 1, 64>}, {pipeline_mode = #tpu.pipeline_mode<synchronous>, transform_indices = @transform_2, window_bounds = array<i64: 1, 64>}, {transform_indices = @transform_3, window_bounds = array<i64: 128, 50, 64>}]} {
    %get3A = arith.constant 0 : index
    %get3A_0 = arith.constant 0 : index
    %get3A_1 = arith.constant 0 : index
    %get3A_2 = vector.load %arg1[%get3A, %get3A_0, %get3A_1] : memref<128x50x64xf32, #tpu.memory_space<vmem>>, vector<128x50x64xf32>
    %reduce_sum3A = arith.constant dense<0.000000e+00> : vector<128x50xf32>
    %reduce_sum3A_3 = vector.multi_reduction <add>, %get3A_2, %reduce_sum3A [2] : vector<128x50x64xf32> to vector<128x50xf32>
    %broadcast_in_dim3A = vector.shape_cast %reduce_sum3A_3 : vector<128x50xf32> to vector<128x50x1xf32>
    %div3A = arith.constant 6.400000e+01 : f32
    %div3A_4 = vector.broadcast %div3A : f32 to vector<128x50x1xf32>
    %div3A_5 = arith.divf %broadcast_in_dim3A, %div3A_4 : vector<128x50x1xf32>
    %square3A = arith.mulf %get3A_2, %get3A_2 : vector<128x50x64xf32>
    %reduce_sum3A_6 = arith.constant dense<0.000000e+00> : vector<128x50xf32>
    %reduce_sum3A_7 = vector.multi_reduction <add>, %square3A, %reduce_sum3A_6 [2] : vector<128x50x64xf32> to vector<128x50xf32>
    %broadcast_in_dim3A_8 = vector.shape_cast %reduce_sum3A_7 : vector<128x50xf32> to vector<128x50x1xf32>
    %div3A_9 = arith.constant 6.400000e+01 : f32
    %div3A_10 = vector.broadcast %div3A_9 : f32 to vector<128x50x1xf32>
    %div3A_11 = arith.divf %broadcast_in_dim3A_8, %div3A_10 : vector<128x50x1xf32>
    %square3A_12 = arith.mulf %div3A_5, %div3A_5 : vector<128x50x1xf32>
    %sub3A = arith.subf %div3A_11, %square3A_12 : vector<128x50x1xf32>
    %add3A = arith.constant 9.99999974E-6 : f32
    %add3A_13 = vector.broadcast %add3A : f32 to vector<128x50x1xf32>
    %add3A_14 = arith.addf %sub3A, %add3A_13 : vector<128x50x1xf32>
    %rsqrt3A = math.rsqrt %add3A_14 : vector<128x50x1xf32>
    %get3A_15 = arith.constant 0 : index
    %get3A_16 = arith.constant 0 : index
    %get3A_17 = vector.load %arg2[%get3A_15, %get3A_16] : memref<1x64xf32, #tpu.memory_space<vmem>>, vector<1x64xf32>
    %reshape3A = vector.shape_cast %get3A_17 : vector<1x64xf32> to vector<1x1x64xf32>
    %get3A_18 = arith.constant 0 : index
    %get3A_19 = arith.constant 0 : index
    %get3A_20 = vector.load %arg3[%get3A_18, %get3A_19] : memref<1x64xf32, #tpu.memory_space<vmem>>, vector<1x64xf32>
    %reshape3A_21 = vector.shape_cast %get3A_20 : vector<1x64xf32> to vector<1x1x64xf32>
    %sub3A_22 = vector.broadcast %div3A_5 : vector<128x50x1xf32> to vector<128x50x64xf32>
    %sub3A_23 = arith.subf %get3A_2, %sub3A_22 : vector<128x50x64xf32>
    %mul3A = vector.broadcast %rsqrt3A : vector<128x50x1xf32> to vector<128x50x64xf32>
    %mul3A_24 = arith.mulf %sub3A_23, %mul3A : vector<128x50x64xf32>
    %mul3A_25 = vector.broadcast %reshape3A : vector<1x1x64xf32> to vector<128x50x64xf32>
    %mul3A_26 = arith.mulf %mul3A_24, %mul3A_25 : vector<128x50x64xf32>
    %add3A_27 = vector.broadcast %reshape3A_21 : vector<1x1x64xf32> to vector<128x50x64xf32>
    %add3A_28 = arith.addf %mul3A_26, %add3A_27 : vector<128x50x64xf32>
    %swap3A = arith.constant 0 : index
    %swap3A_29 = arith.constant 0 : index
    %swap3A_30 = arith.constant 0 : index
    %swap3A_31 = vector.load %arg4[%swap3A, %swap3A_29, %swap3A_30] : memref<128x50x64xf32, #tpu.memory_space<vmem>>, vector<128x50x64xf32>
    tpu.vector_store %arg4[%swap3A, %swap3A_29, %swap3A_30], %add3A_28 {strides = array<i32>} : memref<128x50x64xf32, #tpu.memory_space<vmem>>, vector<128x50x64xf32>,
    return
  }
  func.func @transform_0(%arg0: i32) -> (i32, i32, i32) {
    %c0_i32 = arith.constant 0 : i32
    %c0_i32_0 = arith.constant 0 : i32
    %c0_i32_1 = arith.constant 0 : i32
    return %arg0, %c0_i32, %c0_i32_0 : i32, i32, i32
  }
  func.func @transform_1(%arg0: i32) -> (i32, i32) {
    %c0_i32 = arith.constant 0 : i32
    %c0_i32_0 = arith.constant 0 : i32
    %c0_i32_1 = arith.constant 0 : i32
    return %c0_i32, %c0_i32_0 : i32, i32
  }
  func.func @transform_2(%arg0: i32) -> (i32, i32) {
    %c0_i32 = arith.constant 0 : i32
    %c0_i32_0 = arith.constant 0 : i32
    %c0_i32_1 = arith.constant 0 : i32
    return %c0_i32, %c0_i32_0 : i32, i32
  }
  func.func @transform_3(%arg0: i32) -> (i32, i32, i32) {
    %c0_i32 = arith.constant 0 : i32
    %c0_i32_0 = arith.constant 0 : i32
    %c0_i32_1 = arith.constant 0 : i32
    return %arg0, %c0_i32, %c0_i32_0 : i32, i32, i32
  }
}

</mosaic_0001>

<sc_bundles>
// kernel: kernel.4.cloned.1.call-start
scs
__scs_entry_jumppad:
0x0: {  	(pc) =	sbr.rel $0x88, $3  }
0x1: {  	(tag) =	ssettag $0x0;
	lr =	simm.s32 $0x1  }
0x2: {  	[smem:$0x3F9D] =	sst lr;
	_ =	strace $0xD0000000  }
0x3: {  	_ = 	snop  }
0x4: {  	_ = 	snop  }
0x5: {  	_ = 	snop  }
0x6: {  	_ = 	snop  }
0x7: {  	_ = 	snop  }
__scs_overlays_trampoline_lowered:
0x8: {  	[smem:$0x3FAC] =	sst s0  }
0x9: {  	[smem:$0x3FAD] =	sst s1  }
0xa: {  	[smem:$0x3FAE] =	sst s2  }
0xb: {  	[smem:$0x3FAF] =	sst s3  }
0xc: {  	[smem:$0x3FB0] =	sst s4  }
0xd: {  	[smem:$0x3FB1] =	sst s5  }
0xe: {  	[smem:$0x3FB2] =	sst s6  }
0xf: {  	[smem:$0x3FB3] =	sst s7  }
0x10: {  	[smem:$0x3FB4] =	sst s8  }
0x11: {  	[smem:$0x3FB5] =	sst s9;
	s0 =	simm.s32 @!p0 $0x0  }
0x12: {  	s1 =	sld [smem:$0x3F9B];
	s0 =	simm.s32 @p0 $0x1  }
0x13: {  	[smem:$0x3FB6] =	sst s0;
	s0 =	simm.s32 @!p1 $0x0  }
0x14: {  	s2 =	sld [smem:$0x3F9A];
	s0 =	simm.s32 @p1 $0x1  }
0x15: {  	[smem:$0x3FB7] =	sst s0;
	s0 =	simm.s32 @!p2 $0x0  }
0x16: {  	s3 =	sld [smem:$0x3FDB];
	s0 =	simm.s32 @p2 $0x1  }
0x17: {  	s4 =	simm.s32 $0x1BF5;
	[smem:$0x3FB9] =	sst s0  }
0x18: {  	s0 =	sld [smem:$0x3F9C];
	_ =	swait.ge [sflag:s4], $0x0  }
0x19: {  	s7 =	sld [smem:$0x3F9D]  }
0x1a: {  	s8 =	sadd.s32 $0xFFFFE003, lr  }
0x1b: {  	s9 =	sadd.s32 $0xFFFFFEF7, lr;
	s5 =	simm.s32 $0xFFFFFFFF;
	p2 =	slt.u32 s8, $0xFFFFF086  }
0x1c: {  	p1 =	slt.u32 s9, $0xF7A;
	s5 =	simm.s32 @!p2 $0x0  }
0x1d: {  	s5 =	simm.s32 @p1 $0x1;
	p0 =	seq.s32 s7, s2  }
0x1e: {  	s7 =	smul.u32 @!p0 $0xF7A, s2;
	p2 =	seq.s32 @!p0 s5, $0x0  }
0x1f: {  	s9 =	smul.u32 $0xF7A, s1;
	s8 =	simm.s32 @!p0 $0x1BF5;
	p2 =	por !p2, p0  }
0x20: {  	[sflag:s8] =	ssyncset.s32 @!p0 $0xFFFFF086;
	s6 =	sadd.s32 @!p0 s3, s7;
	s7 =	simm.s32 @!p0 $0x108  }
0x21: {  	s3 =	sadd.s32 s3, s9;
	s6 =	sadd.s32 @!p0 $0x88, s6;
	s7 =	simm.s32 @p2 $0x1082  }
0x22: {  	[simem:s7], [sflag:s8] =	dma.local @!p0 [hbm:s6], $0xF7A  }
0x23: {  	s9 =	sor.u32 $0xD0000000, s2;
	s6 =	simm.s32 $0x108;
	_ =	swait.ge @!p0 [sflag:s8], $0x0  }
0x24: {  	s3 =	sadd.s32 $0x88, s3;
	s6 =	simm.s32 @!p1 $0x1082;
	[sflag:s4] =	ssyncset.s32 $0xFFFFF086  }
0x25: {  	[simem:s6], [sflag:s4] =	dma.local [hbm:s3], $0xF7A  }
0x26: {  	[smem:$0x3F9D] =	sst s1;
	(tag) =	ssettag s2;
	_ =	strace s9  }
0x27: {  	s1 =	sld [smem:$0x3FAD]  }
0x28: {  	s2 =	sld [smem:$0x3FAE]  }
0x29: {  	s4 =	sld [smem:$0x3FB0]  }
0x2a: {  	p0 =	seq.s32 s5, $0x0;
	s5 =	sld [smem:$0x3FB1]  }
0x2b: {  	s6 =	sld [smem:$0x3FB2]  }
0x2c: {  	s7 =	sld [smem:$0x3FB3]  }
0x2d: {  	s3 =	simm.s32 $0x108;
	s8 =	sld [smem:$0x3FB4]  }
0x2e: {  	s3 =	simm.s32 @!p0 $0x1082;
	s9 =	sld [smem:$0x3FB5]  }
0x2f: {  	lr =	sadd.s32 s0, s3;
	s0 =	sld [smem:$0x3FAC]  }
0x30: {  	s3 =	sld [smem:$0x3FAF]  }
0x31: {  	[smem:$0x3FB8] =	sst s10  }
0x32: {  	s10 =	sld [smem:$0x3FB6];
	_ =	sdelay $0x3  }
0x33: {  	p0 =	seq.s32 s10, $0x1;
	s10 =	sld [smem:$0x3FB8];
	_ =	sdelay $0x3  }
0x34: {  	[smem:$0x3FB8] =	sst s10  }
0x35: {  	s10 =	sld [smem:$0x3FB7];
	_ =	sdelay $0x3  }
0x36: {  	p1 =	seq.s32 s10, $0x1;
	s10 =	sld [smem:$0x3FB8];
	_ =	sdelay $0x3  }
0x37: {  	[smem:$0x3FB8] =	sst s10  }
0x38: {  	s10 =	sld [smem:$0x3FB9]  }
0x39: {  	_ = 	snop;
	(pc) =	sbr.ind lr, $3  }
0x3a: {  	_ = 	snop  }
0x3b: {  	_ = 	snop  }
0x3c: {  	p2 =	seq.s32 s10, $0x1;
	s10 =	sld [smem:$0x3FB8]  }
0x3d: {  	_ =	shalt  }
0x3e: {  	_ =	shalt  }
0x3f: {  	_ =	shalt  }
0x40: {  	_ =	shalt  }
0x41: {  	_ =	shalt  }
0x42: {  	_ =	shalt  }
0x43: {  	_ =	shalt  }
0x44: {  	_ =	shalt  }
0x45: {  	_ =	shalt  }
0x46: {  	_ =	shalt  }
0x47: {  	_ =	shalt  }
0x48: {  	_ =	shalt  }
0x49: {  	_ =	shalt  }
0x4a: {  	_ =	shalt  }
0x4b: {  	_ =	shalt  }
0x4c: {  	_ =	shalt  }
0x4d: {  	_ =	shalt  }
0x4e: {  	_ =	shalt  }
0x4f: {  	_ =	shalt  }
0x50: {  	_ =	shalt  }
0x51: {  	_ =	shalt  }
0x52: {  	_ =	shalt  }
0x53: {  	_ =	shalt  }
0x54: {  	_ =	shalt  }
0x55: {  	_ =	shalt  }
0x56: {  	_ =	shalt  }
0x57: {  	_ =	shalt  }
0x58: {  	_ =	shalt  }
0x59: {  	_ =	shalt  }
0x5a: {  	_ =	shalt  }
0x5b: {  	_ =	shalt  }
0x5c: {  	_ =	shalt  }
0x5d: {  	_ =	shalt  }
0x5e: {  	_ =	shalt  }
0x5f: {  	_ =	shalt  }
0x60: {  	_ =	shalt  }
0x61: {  	_ =	shalt  }
0x62: {  	_ =	shalt  }
0x63: {  	_ =	shalt  }
0x64: {  	_ =	shalt  }
0x65: {  	_ =	shalt  }
0x66: {  	_ =	shalt  }
0x67: {  	_ =	shalt  }
0x68: {  	_ =	shalt  }
0x69: {  	_ =	shalt  }
0x6a: {  	_ =	shalt  }
0x6b: {  	_ =	shalt  }
0x6c: {  	_ =	shalt  }
0x6d: {  	_ =	shalt  }
0x6e: {  	_ =	shalt  }
0x6f: {  	_ =	shalt  }
0x70: {  	_ =	shalt  }
0x71: {  	_ =	shalt  }
0x72: {  	_ =	shalt  }
0x73: {  	_ =	shalt  }
0x74: {  	_ =	shalt  }
0x75: {  	_ =	shalt  }
0x76: {  	_ =	shalt  }
0x77: {  	_ =	shalt  }
0x78: {  	_ =	shalt  }
0x79: {  	_ =	shalt  }
0x7a: {  	_ =	shalt  }
0x7b: {  	_ =	shalt  }
0x7c: {  	_ =	shalt  }
0x7d: {  	_ =	shalt  }
0x7e: {  	_ =	shalt  }
0x7f: {  	_ =	shalt  }
0x80: {  	_ =	shalt  }
0x81: {  	_ =	shalt  }
0x82: {  	_ =	shalt  }
0x83: {  	_ =	shalt  }
0x84: {  	_ =	shalt  }
0x85: {  	_ =	shalt  }
0x86: {  	_ =	shalt  }
0x87: {  	_ =	shalt  }
.Lfunc_end0:
.L_simem_size_0:
called_computation_lowered:
.L_overlay_start_0:
0x88: {  	s2 =	sld [smem:$0x3FD9]  }
0x89: {  	s3 =	sld [smem:$0x3FFE];
	_ =	sdelay $0x1  }
0x8a: {  	s1 =	srdreg.scid  }
0x8b: {  	s0 =	sand.u32 $0x1, s1  }
0x8c: {  	s17 =	sshll.u32 s0, $0xA;
	s2 =	sadd.s32 s3, s2  }
0x8d: {  	s2 =	sadd.s32 s2, s17  }
0x8e: {  	[smem:$0x3FC4] =	sst s2  }
0x8f: {  	_ = 	snop  }
0x90: {  	s2 =	sld [smem:$0x3FD0];
	(tm) =	ssettm $0x1  }
0x91: {  	s18 =	sld [smem:$0x3FFB];
	_ =	sdelay $0x3  }
0x92: {  	_ =	strace s18  }
0x93: {  	s3 =	sld [smem:$0x3FFC];
	_ =	sdelay $0x3  }
0x94: {  	_ =	strace s3  }
0x95: {  	s3 =	sld [smem:$0x3FFD];
	_ =	sdelay $0x3  }
0x96: {  	_ =	strace s3  }
0x97: {  	_ =	strace $0x8FFFFFFF  }
0x98: {  	s19 =	sld [smem:$0x3FDB];
	_ =	sdelay $0x1  }
0x99: {  	s4 =	simm.s32 $_scs_section_size  }
0x9a: {  	s5 =	simm.s32 $_size__tile_overlayer_lowered;
	s6 =	simm.s32 $_tile_overlayer_lowered  }
0x9b: {  	s22 =	simm.s32 $0x1BFF;
	s21 =	sshll.u32 s6, $0x1;
	s3 =	sadd.s32 s4, s19  }
0x9c: {  	s7 =	simm.s32 $0x0;
	s20 =	sshll.u32 s5, $0x1;
	s5 =	sadd.s32 s21, s3  }
0x9d: {  	[timem:s7], [sflag:s22] =	dma.local [hbm:s5], s20  }
0x9e: {  	_ =	swait.ge [sflag:s22], s20  }
0x9f: {  	s4 =	ssub.s32 $0x0, s20;
	[sflag:s22] =	ssyncset.done $0x0  }
0xa0: {  	[sflag:s22] =	ssyncadd.s32 s4;
	_ =	sdelay $0x1  }
0xa1: {  	s23 =	simm.s32 $0x1B8B  }
0xa2: {  	_ =	swait.ge [sflag:s23], $0x1  }
0xa3: {  	[sflag:s23] =	ssyncset.done $0x0  }
0xa4: {  	s25 =	simm.s32 $0x1B8E;
	s24 =	sld [smem:$0x3FFE];
	[sflag:s23] =	ssyncadd.s32 $0xFFFFFFFF  }
0xa5: {  	s26 =	simm.s32 $execute0_lowered;
	[smem:$0x3FD2] =	sst s25  }
0xa6: {  	s5 =	sshll.u32 s26, $0x1;
	_ =	strace $0x80000046;
	[dreg:$0x1] =	wrdreg $0xFFFFFFFF  }
0xa7: {  	s28 =	simm.s32 $_size_execute0_lowered;
	s3 =	sadd.s32 s3, s5;
	[dreg:$0x0] =	wrdreg $0x0  }
0xa8: {  	s5 =	sshll.u32 s28, $0x1;
	[dreg:$0x2] =	wrdreg s3  }
0xa9: {  	[dreg:$0x3] =	wrdreg s5  }
0xaa: {  	[dreg:$0x4] =	wrdreg $0xC0  }
0xab: {  	_ =	task [dreg:s7], $0x5FFFF  }
0xac: {  	[dreg:$0x1] =	wrdreg $0xFFFFFFFF  }
0xad: {  	[dreg:$0x0] =	wrdreg $0x60  }
0xae: {  	[dreg:$0x2] =	wrdreg s24  }
0xaf: {  	[dreg:$0x3] =	wrdreg s2  }
0xb0: {  	[dreg:$0x4] =	wrdreg $0x9  }
0xb1: {  	_ =	task.clear_ibuf [dreg:s7], $0x5FFFF;
	_ =	strace $0x90000046  }
0xb2: {  	s29 =	simm.s32 $0x9;
	_ =	strace $0x80000048  }
0xb3: {  	_ =	swait.ge [sflag:s29], $0x1  }
0xb4: {  	[sflag:s29] =	ssyncadd.s32 $0xFFFFFFFF  }
0xb5: {  	_ =	strace $0x90000048  }
0xb6: {  	_ =	sfence  }
0xb7: {  	s30 =	sld [smem:$0x0];
	_ =	sdelay $0x2  }
0xb8: {  	s31 =	sshll.u32 s1, $0xD;
	s1 =	sshrl.u32 s1, $0x2  }
0xb9: {  	s3 =	sand.u32 $0x4000, s31;
	s1 =	sadd.s32 s1, s30  }
0xba: {  	s0 =	sor.u32 s3, s0;
	s1 =	sshll.u32 s1, $0x11  }
0xbb: {  	s0 =	sor.u32 s1, s0  }
0xbc: {  	s0 =	sadd.s32 $0x8F2B, s0  }
0xbd: {  	[sflag:s0] =	ssyncadd.remote.s32 $0x1  }
0xbe: {  	_ =	sfence.sel $0xFFFF  }
0xbf: {  	[dreg:$0x0] =	wrdreg $0xFFFFFFFF;
	(pc) =	sbr.abs _section_cstart, $3  }
0xc0: {  	[dreg:$0x1] =	wrdreg $0xFFFFFFFF  }
0xc1: {  	_ =	task.clear_ibuf [dreg:s7], $0x2FFFF;
	_ =	strace $0x9FFFFFFF  }
0xc2: {  	(tm) =	ssettm $0x7FFFFFFF  }
0xc3: {  	_ =	shalt  }
tec
execute0_lowered:
.L_overlay_start_1:
0x0: {  	(tag) =	ssettag $0x1  }
0x1: {  	s0 =	srdreg.scid  }
0x2: {  	s1 =	rddreg [dreg:$0x0];
	s10 =	stileid.u32  }
0x3: {  	s4 =	rddreg [dreg:$0x1];
	s2 =	simm.s32 $0x0;
	s23 =	simm.s32 $0x380  }
0x4: {  	s24 =	simm.s32 $0xCF00;
	s21 =	simm.s32 $0x1;
	s22 =	simm.s32 $0x540  }
0x5: {  	s30 =	simm.s32 $0x17180;
	s31 =	simm.s32 $0x690;
	s13 =	simm.s32 $0x18A80  }
0x6: {  	s14 =	simm.s32 $0x2;
	s15 =	simm.s32 $0x5;
	s16 =	simm.s32 $0x3  }
0x7: {  	s17 =	simm.s32 $0x6;
	s18 =	simm.s32 $0x4;
	s19 =	simm.s32 $0x7  }
0x8: {  	s0 =	sand.u32 $0x1, s0;
	s3 =	sshll.u32 s10, $0xA;
	s7 =	smul.u32 $0x64000, s10  }
0x9: {  	[smem:$0x7FF] =	sst s2;
	s6 =	sadd.s32 $0x800, s1;
	s26 =	smul.u32 $0x1C00, s10  }
0xa: {  	s10 =	simm.s32 $0x9;
	s5 =	sshll.u32 s0, $0x9;
	s8 =	smul.u32 $0x32000, s0  }
0xb: {  	_ =	strace $0x80000047;
	s25 =	ssub.s32 $0x2, s0;
	s0 =	smul.u32 $0xE00, s0  }
0xc: {  	s3 =	sor.u32 s5, s3;
	s9 =	sshrl.u32 s25, $0x1;
	s4 =	sadd.s32 s7, s4  }
0xd: {  	s7 =	simm.s32 $0x0;
	s5 =	smul.u32 $0x7, s3;
	s3 =	sadd.s32 $0xF5EC00, s1  }
0xe: {  	s1 =	ssub.s32 s25, s9;
	s8 =	sadd.s32 s8, s4;
	s25 =	simm.s32 $0x16500  }
0xf: {  	s1 =	smax.u32 s1, $0x1;
	s11 =	sadd.s32 s6, s5;
	s5 =	sadd.s32 s26, s6  }
.Ltmp0:
0x10: {  	[dreg:$0x6] =	wrdreg s1;
	s26 =	simm.s32 $0x658;
	(pc) =	sbr.rel .LBB2_1-.Ltmp0, $4  }
0x11: {  	s1 =	simm.s32 $0x17E00;
	s28 =	sadd.s32 $0x38, s11;
	[dreg:$0x3] =	wrdreg s11  }
0x12: {  	s29 =	sadd.s32 $0x70, s11;
	s0 =	sadd.s32 s0, s5;
	[dreg:$0x4] =	wrdreg s28  }
0x13: {  	s11 =	simm.s32 $0x32;
	[dreg:$0x5] =	wrdreg s29;
	s0 =	sadd.s32 $0x150, s0  }
0x14: {  	s5 =	simm.s32 $0x13300;
	[dreg:$0x7] =	wrdreg s0;
	s0 =	simm.s32 $0x6C8  }
.LBB2_4:
0x15: {  	s6 =	simm.s32 $0x8  }
0x16: {  	_ =	swait.ge [sflag:s6], $0x6400  }
0x17: {  	s7 =	rddreg [dreg:$0x8]  }
0x18: {  	s4 =	rddreg [dreg:$0x6];
	s7 =	sadd.s32 $0x1, s7  }
0x19: {  	p0 =	sne.s32 s7, s4  }
.Ltmp1:
0x1a: {  	_ = 	snop;
	(pc) =	sbr.rel @!p0 .LBB2_5-.Ltmp1, $3  }
0x1b: {  	_ =	sdelay $0x1  }
0x1c: {  	[sflag:s6] =	ssyncset.done $0x0  }
0x1d: {  	[sflag:s6] =	ssyncadd.s32 $0xFFFF9C00  }
.LBB2_1:
0x1e: {  	[dreg:$0x8] =	wrdreg s7  }
0x1f: {  	s4 =	rddreg [dreg:$0x3]  }
0x20: {  	[tilespmem:s2], [sflag:$0x9] =	stream.linear.gather [hbm4b:s4+s2], $0x1C0, $0x38;
	[tilespmem:$0x19700] =	vst v63  }
0x21: {  	_ =	swait.ge [sflag:s10], $0x1C0  }
0x22: {  	[sflag:s10] =	ssyncset.done $0x0  }
0x23: {  	s28 =	simm.s32 $0x700;
	[sflag:s10] =	ssyncadd.s32 $0xFFFFFE40  }
0x24: {  	[tilespmem:s28], [sflag:$0x1] =	stream.indirect.gather [hbm4b:s3+s11], $0x40, s2, s11, $0xb8;
	[tilespmem:$0x19700] =	vst v63  }
0x25: {  	s29 =	simm.s32 $0x38;
	s6 =	simm.s32 $0x1380  }
0x26: {  	[tilespmem:s6], [sflag:$0x1] =	stream.indirect.gather [hbm4b:s3+s11], $0x40, s29, s11, $0xb8;
	[tilespmem:$0x19700] =	vst v63  }
0x27: {  	s7 =	simm.s32 $0x70;
	s9 =	simm.s32 $0x2000  }
0x28: {  	[tilespmem:s9], [sflag:$0x1] =	stream.indirect.gather [hbm4b:s3+s11], $0x40, s7, s11, $0xb8;
	[tilespmem:$0x19700] =	vst v63  }
0x29: {  	s12 =	simm.s32 $0xA8;
	s20 =	simm.s32 $0x2C80  }
0x2a: {  	[tilespmem:s20], [sflag:$0x1] =	stream.indirect.gather [hbm4b:s3+s11], $0x40, s12, s11, $0xb8;
	[tilespmem:$0x19700] =	vst v63  }
0x2b: {  	s28 =	simm.s32 $0xE0;
	s29 =	simm.s32 $0x3900  }
0x2c: {  	[tilespmem:s29], [sflag:$0x1] =	stream.indirect.gather [hbm4b:s3+s11], $0x40, s28, s11, $0xb8;
	[tilespmem:$0x19700] =	vst v63  }
0x2d: {  	s7 =	simm.s32 $0x118;
	s9 =	simm.s32 $0x4580  }
0x2e: {  	[tilespmem:s9], [sflag:$0x1] =	stream.indirect.gather [hbm4b:s3+s11], $0x40, s7, s11, $0xb8;
	[tilespmem:$0x19700] =	vst v63  }
0x2f: {  	s12 =	simm.s32 $0x150;
	s20 =	simm.s32 $0x5200  }
0x30: {  	[tilespmem:s20], [sflag:$0x1] =	stream.indirect.gather [hbm4b:s3+s11], $0x40, s12, s11, $0xb8;
	[tilespmem:$0x19700] =	vst v63  }
0x31: {  	s28 =	simm.s32 $0x188;
	s29 =	simm.s32 $0x5E80  }
0x32: {  	[tilespmem:s29], [sflag:$0x1] =	stream.indirect.gather [hbm4b:s3+s11], $0x40, s28, s11, $0xb8;
	[tilespmem:$0x19700] =	vst v63  }
0x33: {  	s6 =	rddreg [dreg:$0x4];
	s7 =	simm.s32 $0x1C0  }
0x34: {  	[tilespmem:s7], [sflag:$0x9] =	stream.linear.gather [hbm4b:s6+s2], $0x1C0, $0x38;
	[tilespmem:$0x19700] =	vst v63  }
0x35: {  	_ =	swait.ge [sflag:s10], $0x1C0  }
0x36: {  	[sflag:s10] =	ssyncset.done $0x0  }
0x37: {  	s9 =	simm.s32 $0x6B00;
	[sflag:s10] =	ssyncadd.s32 $0xFFFFFE40  }
0x38: {  	[tilespmem:s9], [sflag:$0x2] =	stream.indirect.gather [hbm4b:s3+s11], $0x40, s7, s11, $0xb8;
	[tilespmem:$0x19700] =	vst v63  }
0x39: {  	s12 =	simm.s32 $0x1F8;
	s20 =	simm.s32 $0x7780  }
0x3a: {  	[tilespmem:s20], [sflag:$0x2] =	stream.indirect.gather [hbm4b:s3+s11], $0x40, s12, s11, $0xb8;
	[tilespmem:$0x19700] =	vst v63  }
0x3b: {  	s28 =	simm.s32 $0x230;
	s29 =	simm.s32 $0x8400  }
0x3c: {  	[tilespmem:s29], [sflag:$0x2] =	stream.indirect.gather [hbm4b:s3+s11], $0x40, s28, s11, $0xb8;
	[tilespmem:$0x19700] =	vst v63  }
0x3d: {  	s7 =	simm.s32 $0x268;
	s9 =	simm.s32 $0x9080  }
0x3e: {  	[tilespmem:s9], [sflag:$0x2] =	stream.indirect.gather [hbm4b:s3+s11], $0x40, s7, s11, $0xb8;
	[tilespmem:$0x19700] =	vst v63  }
0x3f: {  	s12 =	simm.s32 $0x2A0;
	s20 =	simm.s32 $0x9D00  }
0x40: {  	[tilespmem:s20], [sflag:$0x2] =	stream.indirect.gather [hbm4b:s3+s11], $0x40, s12, s11, $0xb8;
	[tilespmem:$0x19700] =	vst v63  }
0x41: {  	s28 =	simm.s32 $0x2D8;
	s29 =	simm.s32 $0xA980  }
0x42: {  	[tilespmem:s29], [sflag:$0x2] =	stream.indirect.gather [hbm4b:s3+s11], $0x40, s28, s11, $0xb8;
	[tilespmem:$0x19700] =	vst v63  }
0x43: {  	s6 =	simm.s32 $0x310;
	s7 =	simm.s32 $0xB600  }
0x44: {  	[tilespmem:s7], [sflag:$0x2] =	stream.indirect.gather [hbm4b:s3+s11], $0x40, s6, s11, $0xb8;
	[tilespmem:$0x19700] =	vst v63  }
0x45: {  	s9 =	simm.s32 $0x348;
	s12 =	simm.s32 $0xC280  }
0x46: {  	[tilespmem:s12], [sflag:$0x2] =	stream.indirect.gather [hbm4b:s3+s11], $0x40, s9, s11, $0xb8;
	[tilespmem:$0x19700] =	vst v63  }
0x47: {  	s20 =	rddreg [dreg:$0x5]  }
0x48: {  	[tilespmem:s23], [sflag:$0x9] =	stream.linear.gather [hbm4b:s20+s2], $0x1C0, $0x38;
	[tilespmem:$0x19700] =	vst v63  }
0x49: {  	_ =	swait.ge [sflag:s10], $0x1C0  }
0x4a: {  	[sflag:s10] =	ssyncset.done $0x0  }
0x4b: {  	[sflag:s10] =	ssyncadd.s32 $0xFFFFFE40  }
0x4c: {  	[tilespmem:s24], [sflag:$0x3] =	stream.indirect.gather [hbm4b:s3+s11], $0x40, s23, s11, $0xb8;
	[tilespmem:$0x19700] =	vst v63  }
0x4d: {  	s28 =	simm.s32 $0x3B8;
	s29 =	simm.s32 $0xDB80  }
0x4e: {  	[tilespmem:s29], [sflag:$0x3] =	stream.indirect.gather [hbm4b:s3+s11], $0x40, s28, s11, $0xb8;
	[tilespmem:$0x19700] =	vst v63  }
0x4f: {  	s7 =	simm.s32 $0x3F0;
	s9 =	simm.s32 $0xE800  }
0x50: {  	[tilespmem:s9], [sflag:$0x3] =	stream.indirect.gather [hbm4b:s3+s11], $0x40, s7, s11, $0xb8;
	[tilespmem:$0x19700] =	vst v63  }
0x51: {  	s12 =	simm.s32 $0x428;
	s20 =	simm.s32 $0xF480  }
0x52: {  	[tilespmem:s20], [sflag:$0x3] =	stream.indirect.gather [hbm4b:s3+s11], $0x40, s12, s11, $0xb8;
	[tilespmem:$0x19700] =	vst v63  }
0x53: {  	s28 =	simm.s32 $0x460;
	s29 =	simm.s32 $0x10100  }
0x54: {  	[tilespmem:s29], [sflag:$0x3] =	stream.indirect.gather [hbm4b:s3+s11], $0x40, s28, s11, $0xb8;
	[tilespmem:$0x19700] =	vst v63  }
0x55: {  	s7 =	simm.s32 $0x498;
	s9 =	simm.s32 $0x10D80  }
0x56: {  	[tilespmem:s9], [sflag:$0x3] =	stream.indirect.gather [hbm4b:s3+s11], $0x40, s7, s11, $0xb8;
	[tilespmem:$0x19700] =	vst v63  }
0x57: {  	s6 =	simm.s32 $0x0;
	s12 =	simm.s32 $0x4D0;
	s20 =	simm.s32 $0x11A00  }
0x58: {  	[tilespmem:s20], [sflag:$0x3] =	stream.indirect.gather [hbm4b:s3+s11], $0x40, s12, s11, $0xb8;
	[tilespmem:$0x19700] =	vst v63  }
0x59: {  	s28 =	simm.s32 $0x508;
	s29 =	simm.s32 $0x12680;
	s20 =	rddreg [dreg:$0x7]  }
0x5a: {  	[tilespmem:s29], [sflag:$0x3] =	stream.indirect.gather [hbm4b:s3+s11], $0x40, s28, s11, $0xb8;
	[tilespmem:$0x19700] =	vst v63  }
.LBB2_2:
0x5b: {  	_ =	swait.ge [sflag:s21], $0xC80  }
0x5c: {  	[sflag:s21] =	ssyncset.done $0x0  }
0x5d: {  	[sflag:s21] =	ssyncadd.s32 $0xFFFFF380  }
0x5e: {  	_ =	swait.ge [sflag:s21], $0xC80  }
0x5f: {  	[sflag:s21] =	ssyncset.done $0x0  }
0x60: {  	[sflag:s21] =	ssyncadd.s32 $0xFFFFF380  }
0x61: {  	_ =	swait.ge [sflag:s21], $0xC80  }
0x62: {  	[sflag:s21] =	ssyncset.done $0x0  }
0x63: {  	[sflag:s21] =	ssyncadd.s32 $0xFFFFF380  }
0x64: {  	_ =	swait.ge [sflag:s21], $0xC80  }
0x65: {  	[sflag:s21] =	ssyncset.done $0x0  }
0x66: {  	[sflag:s21] =	ssyncadd.s32 $0xFFFFF380  }
0x67: {  	_ =	swait.ge [sflag:s21], $0xC80  }
0x68: {  	[sflag:s21] =	ssyncset.done $0x0  }
0x69: {  	[sflag:s21] =	ssyncadd.s32 $0xFFFFF380  }
0x6a: {  	_ =	swait.ge [sflag:s21], $0xC80  }
0x6b: {  	[sflag:s21] =	ssyncset.done $0x0  }
0x6c: {  	[sflag:s21] =	ssyncadd.s32 $0xFFFFF380  }
0x6d: {  	_ =	swait.ge [sflag:s21], $0xC80  }
0x6e: {  	[sflag:s21] =	ssyncset.done $0x0  }
0x6f: {  	[sflag:s21] =	ssyncadd.s32 $0xFFFFF380  }
0x70: {  	_ =	swait.ge [sflag:s21], $0xC80  }
0x71: {  	s7 =	sadd.s32 s6, s8;
	p0 =	seq.s32 s6, $0x0;
	[sflag:s21] =	ssyncset.done $0x0  }
0x72: {  	s4 =	simm.s32 $0x700;
	s9 =	simm.s32 @!p0 $0x8;
	[sflag:s21] =	ssyncadd.s32 $0xFFFFF380  }
0x73: {  	[hbm4b:s7+s2] =	stream.linear.scatter [tilespmem:s4], [sflag:$0x5], $0x6400, $0x38;
	[tilespmem:$0x19700] =	vst v63  }
0x74: {  	_ =	swait.ge @!p0 [sflag:s9], $0x6400  }
0x75: {  	[sflag:s9] =	ssyncset.done @!p0 $0x0  }
0x76: {  	s12 =	sadd.s32 $0xFFFFFF58, s20;
	[sflag:s9] =	ssyncadd.s32 @!p0 $0xFFFF9C00  }
0x77: {  	[tilespmem:s22], [sflag:$0x9] =	stream.linear.gather [hbm4b:s12+s2], $0x1C0, $0x38;
	[tilespmem:$0x19700] =	vst v63  }
0x78: {  	_ =	swait.ge [sflag:s10], $0x1C0  }
0x79: {  	[sflag:s10] =	ssyncset.done $0x0  }
0x7a: {  	[sflag:s10] =	ssyncadd.s32 $0xFFFFFE40  }
0x7b: {  	[tilespmem:s5], [sflag:$0x4] =	stream.indirect.gather [hbm4b:s3+s11], $0x40, s22, s11, $0xb8;
	[tilespmem:$0x19700] =	vst v63  }
0x7c: {  	s28 =	simm.s32 $0x578;
	s29 =	simm.s32 $0x13F80  }
0x7d: {  	[tilespmem:s29], [sflag:$0x4] =	stream.indirect.gather [hbm4b:s3+s11], $0x40, s28, s11, $0xb8;
	[tilespmem:$0x19700] =	vst v63  }
0x7e: {  	s9 =	simm.s32 $0x5B0;
	s12 =	simm.s32 $0x14C00  }
0x7f: {  	[tilespmem:s12], [sflag:$0x4] =	stream.indirect.gather [hbm4b:s3+s11], $0x40, s9, s11, $0xb8;
	[tilespmem:$0x19700] =	vst v63  }
0x80: {  	s28 =	simm.s32 $0x5E8;
	s29 =	simm.s32 $0x15880  }
0x81: {  	[tilespmem:s29], [sflag:$0x4] =	stream.indirect.gather [hbm4b:s3+s11], $0x40, s28, s11, $0xb8;
	[tilespmem:$0x19700] =	vst v63  }
0x82: {  	s9 =	simm.s32 $0x620  }
0x83: {  	[tilespmem:s25], [sflag:$0x4] =	stream.indirect.gather [hbm4b:s3+s11], $0x40, s9, s11, $0xb8;
	[tilespmem:$0x19700] =	vst v63  }
0x84: {  	_ = 	snop  }
0x85: {  	[tilespmem:s30], [sflag:$0x4] =	stream.indirect.gather [hbm4b:s3+s11], $0x40, s26, s11, $0xb8;
	[tilespmem:$0x19700] =	vst v63  }
0x86: {  	_ = 	snop  }
0x87: {  	[tilespmem:s1], [sflag:$0x4] =	stream.indirect.gather [hbm4b:s3+s11], $0x40, s31, s11, $0xb8;
	[tilespmem:$0x19700] =	vst v63  }
0x88: {  	_ = 	snop  }
0x89: {  	[tilespmem:s13], [sflag:$0x4] =	stream.indirect.gather [hbm4b:s3+s11], $0x40, s0, s11, $0xb8;
	[tilespmem:$0x19700] =	vst v63  }
0x8a: {  	_ =	swait.ge [sflag:s14], $0xC80  }
0x8b: {  	[sflag:s14] =	ssyncset.done $0x0  }
0x8c: {  	[sflag:s14] =	ssyncadd.s32 $0xFFFFF380  }
0x8d: {  	_ =	swait.ge [sflag:s14], $0xC80  }
0x8e: {  	[sflag:s14] =	ssyncset.done $0x0  }
0x8f: {  	[sflag:s14] =	ssyncadd.s32 $0xFFFFF380  }
0x90: {  	_ =	swait.ge [sflag:s14], $0xC80  }
0x91: {  	[sflag:s14] =	ssyncset.done $0x0  }
0x92: {  	[sflag:s14] =	ssyncadd.s32 $0xFFFFF380  }
0x93: {  	_ =	swait.ge [sflag:s14], $0xC80  }
0x94: {  	[sflag:s14] =	ssyncset.done $0x0  }
0x95: {  	[sflag:s14] =	ssyncadd.s32 $0xFFFFF380  }
0x96: {  	_ =	swait.ge [sflag:s14], $0xC80  }
0x97: {  	[sflag:s14] =	ssyncset.done $0x0  }
0x98: {  	[sflag:s14] =	ssyncadd.s32 $0xFFFFF380  }
0x99: {  	_ =	swait.ge [sflag:s14], $0xC80  }
0x9a: {  	[sflag:s14] =	ssyncset.done $0x0  }
0x9b: {  	[sflag:s14] =	ssyncadd.s32 $0xFFFFF380  }
0x9c: {  	_ =	swait.ge [sflag:s14], $0xC80  }
0x9d: {  	[sflag:s14] =	ssyncset.done $0x0  }
0x9e: {  	[sflag:s14] =	ssyncadd.s32 $0xFFFFF380  }
0x9f: {  	_ =	swait.ge [sflag:s14], $0xC80  }
0xa0: {  	[sflag:s14] =	ssyncset.done $0x0  }
0xa1: {  	s12 =	sadd.s32 $0xC80, s7;
	s28 =	simm.s32 $0x6B00;
	[sflag:s14] =	ssyncadd.s32 $0xFFFFF380  }
0xa2: {  	[hbm4b:s12+s2] =	stream.linear.scatter [tilespmem:s28], [sflag:$0x6], $0x6400, $0x38;
	[tilespmem:$0x19700] =	vst v63  }
0xa3: {  	p0 =	seq.s32 s6, $0x2EE00;
	_ =	swait.ge [sflag:s15], $0x6400  }
0xa4: {  	s4 =	simm.s32 @!p0 $0x0;
	[sflag:s15] =	ssyncset.done $0x0  }
0xa5: {  	s9 =	sadd.s32 @!p0 $0xFFFFFF90, s20;
	s28 =	simm.s32 @!p0 $0x9;
	[sflag:s15] =	ssyncadd.s32 $0xFFFF9C00  }
0xa6: {  	[tilespmem:s4], [sflag:$0x9] =	stream.linear.gather @!p0 [hbm4b:s9+s4], $0x1C0, $0x38;
	[tilespmem:$0x19700] =	vst v63  }
0xa7: {  	_ =	swait.ge @!p0 [sflag:s28], $0x1C0  }
0xa8: {  	[sflag:s28] =	ssyncset.done @!p0 $0x0  }
0xa9: {  	s12 =	simm.s32 @!p0 $0x700;
	s9 =	simm.s32 @!p0 $0x32;
	[sflag:s28] =	ssyncadd.s32 @!p0 $0xFFFFFE40  }
0xaa: {  	[tilespmem:s12], [sflag:$0x1] =	stream.indirect.gather @!p0 [hbm4b:s3+s9], $0x40, s4, s9, $0xb8;
	[tilespmem:$0x19700] =	vst v63  }
0xab: {  	s29 =	simm.s32 @!p0 $0x1380;
	s12 =	simm.s32 @!p0 $0x38  }
0xac: {  	[tilespmem:s29], [sflag:$0x1] =	stream.indirect.gather @!p0 [hbm4b:s3+s9], $0x40, s12, s9, $0xb8;
	[tilespmem:$0x19700] =	vst v63  }
0xad: {  	s12 =	simm.s32 @!p0 $0x70;
	s29 =	simm.s32 @!p0 $0x2000  }
0xae: {  	[tilespmem:s29], [sflag:$0x1] =	stream.indirect.gather @!p0 [hbm4b:s3+s9], $0x40, s12, s9, $0xb8;
	[tilespmem:$0x19700] =	vst v63  }
0xaf: {  	s12 =	simm.s32 @!p0 $0xA8;
	s29 =	simm.s32 @!p0 $0x2C80  }
0xb0: {  	[tilespmem:s29], [sflag:$0x1] =	stream.indirect.gather @!p0 [hbm4b:s3+s9], $0x40, s12, s9, $0xb8;
	[tilespmem:$0x19700] =	vst v63  }
0xb1: {  	s12 =	simm.s32 @!p0 $0xE0;
	s29 =	simm.s32 @!p0 $0x3900  }
0xb2: {  	[tilespmem:s29], [sflag:$0x1] =	stream.indirect.gather @!p0 [hbm4b:s3+s9], $0x40, s12, s9, $0xb8;
	[tilespmem:$0x19700] =	vst v63  }
0xb3: {  	s12 =	simm.s32 @!p0 $0x118;
	s29 =	simm.s32 @!p0 $0x4580  }
0xb4: {  	[tilespmem:s29], [sflag:$0x1] =	stream.indirect.gather @!p0 [hbm4b:s3+s9], $0x40, s12, s9, $0xb8;
	[tilespmem:$0x19700] =	vst v63  }
0xb5: {  	s12 =	simm.s32 @!p0 $0x150;
	s29 =	simm.s32 @!p0 $0x5200  }
0xb6: {  	[tilespmem:s29], [sflag:$0x1] =	stream.indirect.gather @!p0 [hbm4b:s3+s9], $0x40, s12, s9, $0xb8;
	[tilespmem:$0x19700] =	vst v63  }
0xb7: {  	s12 =	simm.s32 @!p0 $0x188;
	s29 =	simm.s32 @!p0 $0x5E80  }
0xb8: {  	[tilespmem:s29], [sflag:$0x1] =	stream.indirect.gather @!p0 [hbm4b:s3+s9], $0x40, s12, s9, $0xb8;
	[tilespmem:$0x19700] =	vst v63  }
0xb9: {  	_ =	swait.ge [sflag:s16], $0xC80  }
0xba: {  	[sflag:s16] =	ssyncset.done $0x0  }
0xbb: {  	[sflag:s16] =	ssyncadd.s32 $0xFFFFF380  }
0xbc: {  	_ =	swait.ge [sflag:s16], $0xC80  }
0xbd: {  	[sflag:s16] =	ssyncset.done $0x0  }
0xbe: {  	[sflag:s16] =	ssyncadd.s32 $0xFFFFF380  }
0xbf: {  	_ =	swait.ge [sflag:s16], $0xC80  }
0xc0: {  	[sflag:s16] =	ssyncset.done $0x0  }
0xc1: {  	[sflag:s16] =	ssyncadd.s32 $0xFFFFF380  }
0xc2: {  	_ =	swait.ge [sflag:s16], $0xC80  }
0xc3: {  	[sflag:s16] =	ssyncset.done $0x0  }
0xc4: {  	[sflag:s16] =	ssyncadd.s32 $0xFFFFF380  }
0xc5: {  	_ =	swait.ge [sflag:s16], $0xC80  }
0xc6: {  	[sflag:s16] =	ssyncset.done $0x0  }
0xc7: {  	[sflag:s16] =	ssyncadd.s32 $0xFFFFF380  }
0xc8: {  	_ =	swait.ge [sflag:s16], $0xC80  }
0xc9: {  	[sflag:s16] =	ssyncset.done $0x0  }
0xca: {  	[sflag:s16] =	ssyncadd.s32 $0xFFFFF380  }
0xcb: {  	_ =	swait.ge [sflag:s16], $0xC80  }
0xcc: {  	[sflag:s16] =	ssyncset.done $0x0  }
0xcd: {  	[sflag:s16] =	ssyncadd.s32 $0xFFFFF380  }
0xce: {  	_ =	swait.ge [sflag:s16], $0xC80  }
0xcf: {  	[sflag:s16] =	ssyncset.done $0x0  }
0xd0: {  	s29 =	sadd.s32 $0x1900, s7;
	[sflag:s16] =	ssyncadd.s32 $0xFFFFF380  }
0xd1: {  	[hbm4b:s29+s2] =	stream.linear.scatter [tilespmem:s24], [sflag:$0x7], $0x6400, $0x38;
	[tilespmem:$0x19700] =	vst v63  }
0xd2: {  	_ =	swait.ge [sflag:s17], $0x6400  }
0xd3: {  	[sflag:s17] =	ssyncset.done $0x0  }
0xd4: {  	s12 =	sadd.s32 @!p0 $0xFFFFFFC8, s20;
	s29 =	simm.s32 @!p0 $0x1C0;
	[sflag:s17] =	ssyncadd.s32 $0xFFFF9C00  }
0xd5: {  	[tilespmem:s29], [sflag:$0x9] =	stream.linear.gather @!p0 [hbm4b:s12+s4], $0x1C0, $0x38;
	[tilespmem:$0x19700] =	vst v63  }
0xd6: {  	_ =	swait.ge @!p0 [sflag:s28], $0x1C0  }
0xd7: {  	[sflag:s28] =	ssyncset.done @!p0 $0x0  }
0xd8: {  	s4 =	simm.s32 @!p0 $0x6B00;
	[sflag:s28] =	ssyncadd.s32 @!p0 $0xFFFFFE40  }
0xd9: {  	[tilespmem:s4], [sflag:$0x2] =	stream.indirect.gather @!p0 [hbm4b:s3+s9], $0x40, s29, s9, $0xb8;
	[tilespmem:$0x19700] =	vst v63  }
0xda: {  	s12 =	simm.s32 @!p0 $0x7780;
	s4 =	simm.s32 @!p0 $0x1F8  }
0xdb: {  	[tilespmem:s12], [sflag:$0x2] =	stream.indirect.gather @!p0 [hbm4b:s3+s9], $0x40, s4, s9, $0xb8;
	[tilespmem:$0x19700] =	vst v63  }
0xdc: {  	s4 =	simm.s32 @!p0 $0x230;
	s12 =	simm.s32 @!p0 $0x8400  }
0xdd: {  	[tilespmem:s12], [sflag:$0x2] =	stream.indirect.gather @!p0 [hbm4b:s3+s9], $0x40, s4, s9, $0xb8;
	[tilespmem:$0x19700] =	vst v63  }
0xde: {  	s4 =	simm.s32 @!p0 $0x268;
	s12 =	simm.s32 @!p0 $0x9080  }
0xdf: {  	[tilespmem:s12], [sflag:$0x2] =	stream.indirect.gather @!p0 [hbm4b:s3+s9], $0x40, s4, s9, $0xb8;
	[tilespmem:$0x19700] =	vst v63  }
0xe0: {  	s4 =	simm.s32 @!p0 $0x2A0;
	s12 =	simm.s32 @!p0 $0x9D00  }
0xe1: {  	[tilespmem:s12], [sflag:$0x2] =	stream.indirect.gather @!p0 [hbm4b:s3+s9], $0x40, s4, s9, $0xb8;
	[tilespmem:$0x19700] =	vst v63  }
0xe2: {  	s4 =	simm.s32 @!p0 $0x2D8;
	s12 =	simm.s32 @!p0 $0xA980  }
0xe3: {  	[tilespmem:s12], [sflag:$0x2] =	stream.indirect.gather @!p0 [hbm4b:s3+s9], $0x40, s4, s9, $0xb8;
	[tilespmem:$0x19700] =	vst v63  }
0xe4: {  	s4 =	simm.s32 @!p0 $0x310;
	s12 =	simm.s32 @!p0 $0xB600  }
0xe5: {  	[tilespmem:s12], [sflag:$0x2] =	stream.indirect.gather @!p0 [hbm4b:s3+s9], $0x40, s4, s9, $0xb8;
	[tilespmem:$0x19700] =	vst v63  }
0xe6: {  	s4 =	simm.s32 @!p0 $0x348;
	s12 =	simm.s32 @!p0 $0xC280  }
0xe7: {  	[tilespmem:s12], [sflag:$0x2] =	stream.indirect.gather @!p0 [hbm4b:s3+s9], $0x40, s4, s9, $0xb8;
	[tilespmem:$0x19700] =	vst v63  }
0xe8: {  	_ =	swait.ge [sflag:s18], $0xC80  }
0xe9: {  	[sflag:s18] =	ssyncset.done $0x0  }
0xea: {  	[sflag:s18] =	ssyncadd.s32 $0xFFFFF380  }
0xeb: {  	_ =	swait.ge [sflag:s18], $0xC80  }
0xec: {  	[sflag:s18] =	ssyncset.done $0x0  }
0xed: {  	[sflag:s18] =	ssyncadd.s32 $0xFFFFF380  }
0xee: {  	_ =	swait.ge [sflag:s18], $0xC80  }
0xef: {  	[sflag:s18] =	ssyncset.done $0x0  }
0xf0: {  	[sflag:s18] =	ssyncadd.s32 $0xFFFFF380  }
0xf1: {  	_ =	swait.ge [sflag:s18], $0xC80  }
0xf2: {  	[sflag:s18] =	ssyncset.done $0x0  }
0xf3: {  	[sflag:s18] =	ssyncadd.s32 $0xFFFFF380  }
0xf4: {  	_ =	swait.ge [sflag:s18], $0xC80  }
0xf5: {  	[sflag:s18] =	ssyncset.done $0x0  }
0xf6: {  	[sflag:s18] =	ssyncadd.s32 $0xFFFFF380  }
0xf7: {  	_ =	swait.ge [sflag:s18], $0xC80  }
0xf8: {  	[sflag:s18] =	ssyncset.done $0x0  }
0xf9: {  	[sflag:s18] =	ssyncadd.s32 $0xFFFFF380  }
0xfa: {  	_ =	swait.ge [sflag:s18], $0xC80  }
0xfb: {  	[sflag:s18] =	ssyncset.done $0x0  }
0xfc: {  	[sflag:s18] =	ssyncadd.s32 $0xFFFFF380  }
0xfd: {  	_ =	swait.ge [sflag:s18], $0xC80  }
0xfe: {  	[sflag:s18] =	ssyncset.done $0x0  }
.Ltmp2:
0xff: {  	s29 =	sadd.s32 $0x2580, s7;
	[sflag:s18] =	ssyncadd.s32 $0xFFFFF380;
	(pc) =	sbr.rel @p0 .LBB2_4-.Ltmp2, $4  }
0x100: {  	[hbm4b:s29+s2] =	stream.linear.scatter [tilespmem:s5], [sflag:$0x8], $0x6400, $0x38;
	[tilespmem:$0x19700] =	vst v63  }
0x101: {  	_ =	swait.ge [sflag:s19], $0x6400  }
0x102: {  	[sflag:s19] =	ssyncset.done $0x0  }
0x103: {  	[sflag:s19] =	ssyncadd.s32 $0xFFFF9C00  }
0x104: {  	[tilespmem:s23], [sflag:$0x9] =	stream.linear.gather [hbm4b:s20+s2], $0x1C0, $0x38;
	[tilespmem:$0x19700] =	vst v63  }
0x105: {  	_ =	swait.ge [sflag:s10], $0x1C0  }
0x106: {  	[sflag:s10] =	ssyncset.done $0x0  }
0x107: {  	[sflag:s10] =	ssyncadd.s32 $0xFFFFFE40  }
0x108: {  	[tilespmem:s24], [sflag:$0x3] =	stream.indirect.gather [hbm4b:s3+s11], $0x40, s23, s11, $0xb8;
	[tilespmem:$0x19700] =	vst v63  }
0x109: {  	s4 =	simm.s32 $0x3B8;
	s7 =	simm.s32 $0xDB80  }
0x10a: {  	[tilespmem:s7], [sflag:$0x3] =	stream.indirect.gather [hbm4b:s3+s11], $0x40, s4, s11, $0xb8;
	[tilespmem:$0x19700] =	vst v63  }
0x10b: {  	s9 =	simm.s32 $0x3F0;
	s12 =	simm.s32 $0xE800  }
0x10c: {  	[tilespmem:s12], [sflag:$0x3] =	stream.indirect.gather [hbm4b:s3+s11], $0x40, s9, s11, $0xb8;
	[tilespmem:$0x19700] =	vst v63  }
0x10d: {  	s28 =	simm.s32 $0x428;
	s29 =	simm.s32 $0xF480  }
0x10e: {  	[tilespmem:s29], [sflag:$0x3] =	stream.indirect.gather [hbm4b:s3+s11], $0x40, s28, s11, $0xb8;
	[tilespmem:$0x19700] =	vst v63  }
0x10f: {  	s9 =	simm.s32 $0x460;
	s12 =	simm.s32 $0x10100  }
0x110: {  	[tilespmem:s12], [sflag:$0x3] =	stream.indirect.gather [hbm4b:s3+s11], $0x40, s9, s11, $0xb8;
	[tilespmem:$0x19700] =	vst v63  }
0x111: {  	s28 =	simm.s32 $0x498;
	s29 =	simm.s32 $0x10D80  }
0x112: {  	[tilespmem:s29], [sflag:$0x3] =	stream.indirect.gather [hbm4b:s3+s11], $0x40, s28, s11, $0xb8;
	[tilespmem:$0x19700] =	vst v63  }
.Ltmp3:
0x113: {  	_ = 	snop;
	(pc) =	sbr.rel .LBB2_2-.Ltmp3, $4  }
0x114: {  	s6 =	sadd.s32 $0x3200, s6;
	s9 =	simm.s32 $0x4D0;
	s12 =	simm.s32 $0x11A00  }
0x115: {  	[tilespmem:s12], [sflag:$0x3] =	stream.indirect.gather [hbm4b:s3+s11], $0x40, s9, s11, $0xb8;
	[tilespmem:$0x19700] =	vst v63  }
0x116: {  	s20 =	sadd.s32 $0xE0, s20;
	s28 =	simm.s32 $0x508;
	s29 =	simm.s32 $0x12680  }
0x117: {  	[tilespmem:s29], [sflag:$0x3] =	stream.indirect.gather [hbm4b:s3+s11], $0x40, s28, s11, $0xb8;
	[tilespmem:$0x19700] =	vst v63  }
.LBB2_5:
0x118: {  	_ =	sfence.sel $0x180000  }
0x119: {  	[bflag:$0x0] =	sbarrier.arrive $0xFFFF  }
0x11a: {  	_ =	strace $0x90000047  }
0x11b: {  	s0 =	stileid.u32;
	[bflag:$0x2] =	sbarrier.arrive $0xFFFF  }
0x11c: {  	p0 =	sne.s32 s0, $0x0;
	s0 =	rddreg [dreg:$0x2]  }
0x11d: {  	s0 =	sadd.s32 @!p0 $0x100000, s0  }
0x11e: {  	[sflag:s0] =	ssyncadd.tile.s32 @!p0 $0x1;
	_ =	shalt  }
.Lfunc_end2:
_tile_overlayer_lowered:
.L_overlay_start_2:
0x11f: {  	(tag) =	ssettag $0x2  }
0x120: {  	s0 =	rddreg [dreg:$0x0];
	s2 =	stileid.u32  }
0x121: {  	s1 =	rddreg [dreg:$0x1];
	p0 =	sne.s32 s2, $0x0  }
0x122: {  	s3 =	rddreg [dreg:$0x2];
	[bflag:$0x3] =	sbarrier.arrive $0xFFFF;
	s2 =	simm.s32 @!p0 $0x1C09  }
0x123: {  	[timem:s3], [sflag:s2] =	dma.local @!p0 [hbm:s0], s1  }
0x124: {  	s0 =	simm.s32 @!p0 $0x9  }
0x125: {  	_ =	swait.ge @!p0 [sflag:s0], s1  }
0x126: {  	s1 =	ssub.s32 @!p0 $0x0, s1;
	[sflag:s0] =	ssyncset.done @!p0 $0x0  }
0x127: {  	[sflag:s0] =	ssyncadd.s32 @!p0 s1  }
0x128: {  	[bflag:$0x3] =	sbarrier.arrive $0xFFFF  }
0x129: {  	_ =	shalt  }

</sc_bundles>
